<compile_context>
chip_gen: v7x
topology: tpu7x:2x2x1
jax: 0.10.2.dev20260603
libtpu: 0.0.44.dev20260713+nightly
codegen_flags: <defaults>
</compile_context>

<pallas_src>
import functools

import jax
import jax.numpy as jnp
from jax import lax
from jax.experimental import pallas as pl
from jax.experimental.pallas import tpu as pltpu
from jax.experimental.pallas import tpu_sc as plsc

_NC = 2
_NS = 16
_NW = _NC * _NS
_IDX = 128
_D = 16


def _mesh():
    return plsc.VectorSubcoreMesh(core_axis_name="c", subcore_axis_name="s")


_SC_PARAMS = pltpu.CompilerParams(use_tc_tiling_on_sc=False,
                                  needs_layout_passes=False)


def _newton_rsqrt(v):
    i = plsc.bitcast(v, jnp.int32)
    i = 0x5F3759DF - lax.shift_right_logical(i, 1)
    y = plsc.bitcast(i, jnp.float32)
    half = 0.5 * v
    for _ in range(3):
        y = y * (1.5 - half * y * y)
    return y


def _fused_body(n, n_pad, e_ch, eidx_hbm, hp_hbm, s_out, g_out,
                idxd_v, isrc_v, idst_v, zero_v, idxl_v, hist_v, hp_v, g_v,
                deg_v, dinv_v, vals0_v, vals1_v,
                deg_sh, g_sh, s_sh, sem0, sem1):
    c = lax.axis_index("c")
    s = lax.axis_index("s")
    w = c * _NS + s
    zc = n_pad // _NS
    hc = zc // 2
    zr = zc // 16
    nr = n_pad // 16

    base = e_ch // _NW
    rem = e_ch % _NW
    start = base * w + jnp.minimum(w, rem)
    extra = w < rem
    based = e_ch // _NS
    remd = e_ch % _NS
    startd = based * s + jnp.minimum(s, remd)
    extrad = s < remd

    iota16 = lax.broadcasted_iota(jnp.int32, (16,), 0)
    for j in range(zr):
        zero_v[j, :] = jnp.zeros((16,), jnp.float32)
    for r in range(nr // _IDX):
        for j in range(_IDX // 16):
            idxl_v[r, pl.ds(16 * j, 16)] = iota16 + (_IDX * r + 16 * j)
    pltpu.sync_copy(zero_v, deg_sh.at[pl.ds(s * zr, zr)])

    def zstep(r, carry):
        hist_v[r, :] = jnp.zeros((16,), jnp.float32)
        return carry

    lax.fori_loop(0, nr, zstep, 0)
    pltpu.sync_copy(eidx_hbm.at[1, pl.ds(startd, based)],
                    idxd_v.at[pl.ds(0, based)])
    pltpu.sync_copy(eidx_hbm.at[0, pl.ds(start, base)],
                    isrc_v.at[pl.ds(0, base)])
    pltpu.sync_copy(eidx_hbm.at[1, pl.ds(start, base)],
                    idst_v.at[pl.ds(0, base)])

    @pl.when(extrad)
    def _():
        pltpu.sync_copy(eidx_hbm.at[1, pl.ds(startd + based, 1)],
                        idxd_v.at[pl.ds(based, 1)])

    @pl.when(extra)
    def _():
        pltpu.sync_copy(eidx_hbm.at[0, pl.ds(start + base, 1)],
                        isrc_v.at[pl.ds(base, 1)])
        pltpu.sync_copy(eidx_hbm.at[1, pl.ds(start + base, 1)],
                        idst_v.at[pl.ds(base, 1)])

    full_rows = n // zc
    tail_rows = n - full_rows * zc

    @pl.when(s < full_rows)
    def _():
        pltpu.sync_copy(hp_hbm.at[pl.ds(s * zc, zc)], hp_v)

    if tail_rows:
        @pl.when(s == full_rows)
        def _():
            pltpu.sync_copy(hp_hbm.at[pl.ds(full_rows * zc, tail_rows)],
                            hp_v.at[pl.ds(0, tail_rows)])

    plsc.subcore_barrier()

    ones16 = jnp.ones((16,), jnp.float32)

    def dstep(j, carry):
        for m in range(_IDX // 16):
            ii = idxd_v[j, pl.ds(16 * m, 16)]
            plsc.addupdate_scatter(
                hist_v, [lax.shift_right_logical(ii, 4),
                         lax.bitwise_and(ii, 15)], ones16)
        return carry

    lax.fori_loop(0, based + extrad.astype(jnp.int32), dstep, 0)
    for r in range(nr // _IDX):
        pltpu.sync_copy(hist_v.at[pl.ds(_IDX * r, _IDX)],
                        deg_sh.at[idxl_v.at[r]], add=True)
    plsc.subcore_barrier()

    pltpu.sync_copy(deg_sh.at[pl.ds(s * zr, zr)], deg_v)

    def nstep(k, carry):
        d16 = deg_v[k, :] + 1.0
        dinv_v[k, :] = _newton_rsqrt(d16)
        return carry

    lax.fori_loop(0, zr, nstep, 0)

    def gstep(k, carry):
        d16 = dinv_v[k, :]
        for j in range(16):
            r = 16 * k + j
            g_v[r, :] = hp_v[r, :] * d16[j]
        return carry

    lax.fori_loop(0, zc // 16, gstep, 0)
    pltpu.sync_copy(g_v, g_sh.at[pl.ds(s * zc, zc)])
    pltpu.sync_copy(g_v, s_sh.at[pl.ds(s * zc, zc)])
    pltpu.sync_copy(g_v.at[pl.ds(c * hc, hc)],
                    g_out.at[pl.ds(s * zc + c * hc, hc)])
    plsc.subcore_barrier()

    cnt = base + extra.astype(jnp.int32)
    pltpu.async_copy(g_sh.at[isrc_v.at[0]], vals0_v, sem0)

    def step(jj, carry):
        j0 = 2 * jj
        pltpu.async_copy(g_sh.at[isrc_v.at[j0 + 1]], vals1_v, sem1)
        pltpu.make_async_copy(g_sh.at[isrc_v.at[j0]], vals0_v, sem0).wait()
        pltpu.sync_copy(vals0_v, s_sh.at[idst_v.at[j0]], add=True)

        @pl.when(j0 + 2 < cnt)
        def _():
            pltpu.async_copy(g_sh.at[isrc_v.at[j0 + 2]], vals0_v, sem0)

        pltpu.make_async_copy(g_sh.at[isrc_v.at[j0 + 1]], vals1_v, sem1).wait()
        pltpu.sync_copy(vals1_v, s_sh.at[idst_v.at[j0 + 1]], add=True)
        return carry

    lax.fori_loop(0, base // 2, step, 0)

    @pl.when(cnt % 2 == 1)
    def _():
        j0 = cnt - 1
        pltpu.make_async_copy(g_sh.at[isrc_v.at[j0]], vals0_v, sem0).wait()
        pltpu.sync_copy(vals0_v, s_sh.at[idst_v.at[j0]], add=True)

    plsc.subcore_barrier()
    pltpu.sync_copy(s_sh.at[pl.ds(s * zc, zc)],
                    s_out.at[c, pl.ds(s * zc, zc)])


def _h_body(x_ref, w1_ref, hp_ref):
    hmat = jnp.dot(x_ref[...], w1_ref[...], preferred_element_type=jnp.float32)
    colmask = (lax.broadcasted_iota(jnp.int32, hmat.shape, 1) == 3)
    hp_ref[...] = hmat + colmask.astype(jnp.float32)


def _out_body(s0_ref, s1_ref, g_ref, w2_ref, b1_ref, b2_ref, o_ref):
    g = g_ref[...]
    st = s0_ref[0] + s1_ref[0] - g
    acc = g[:, 3:4] * st + b1_ref[...]
    o_ref[...] = jnp.dot(acc, w2_ref[...],
                         preferred_element_type=jnp.float32) + b2_ref[...]


def kernel(x, edge_index, W1, b1, W2, b2):
    n, f = x.shape
    h = W1.shape[1]
    cdim = W2.shape[1]
    e = edge_index.shape[1]

    n_pad = -(-n // (2 * _NS)) * (2 * _NS)
    n_pad = -(-n_pad // 512) * 512
    zc = n_pad // _NS

    eidx = edge_index.astype(jnp.int32)
    e_ch = e // _IDX
    if e % _IDX:
        e_ch += 1
        pad = e_ch * _IDX - e
        eidx = jnp.concatenate(
            [eidx, jnp.stack([jnp.zeros((pad,), jnp.int32),
                              jnp.full((pad,), n, jnp.int32)])], axis=1)
    eidx = eidx.reshape(2, e_ch, _IDX)

    w1_p = jnp.pad(W1, ((0, 0), (0, _D - h)))
    w2_p = jnp.pad(W2, ((0, _D - h), (0, 0)))
    b1_p = jnp.pad(b1, (0, _D - h)).reshape(1, _D)
    b2_p = b2.reshape(1, cdim)

    hblk = 2000
    hp_arr = pl.pallas_call(
        _h_body,
        grid=(n // hblk,),
        in_specs=[
            pl.BlockSpec((hblk, f), lambda i: (i, 0)),
            pl.BlockSpec((f, _D), lambda i: (0, 0)),
        ],
        out_specs=pl.BlockSpec((hblk, _D), lambda i: (i, 0)),
        out_shape=jax.ShapeDtypeStruct((n, _D), jnp.float32),
    )(x, w1_p)

    based = e_ch // _NS
    fused_call = functools.partial(
        pl.kernel,
        out_type=(
            jax.ShapeDtypeStruct((_NC, n_pad, _D), jnp.float32),
            jax.ShapeDtypeStruct((n_pad, _D), jnp.float32),
        ),
        mesh=_mesh(),
        scratch_types=[
            pltpu.VMEM((based + 1, _IDX), jnp.int32),
            pltpu.VMEM((e_ch // _NW + 1, _IDX), jnp.int32),
            pltpu.VMEM((e_ch // _NW + 1, _IDX), jnp.int32),
            pltpu.VMEM((zc // 16, 16), jnp.float32),
            pltpu.VMEM((n_pad // 16 // _IDX, _IDX), jnp.int32),
            pltpu.VMEM((n_pad // 16, 16), jnp.float32),
            pltpu.VMEM((zc, _D), jnp.float32),
            pltpu.VMEM((zc, _D), jnp.float32),
            pltpu.VMEM((zc // 16, 16), jnp.float32),
            pltpu.VMEM((zc // 16, 16), jnp.float32),
            pltpu.VMEM((_IDX, _D), jnp.float32),
            pltpu.VMEM((_IDX, _D), jnp.float32),
            pltpu.VMEM_SHARED((n_pad // 16, 16), jnp.float32),
            pltpu.VMEM_SHARED((n_pad, _D), jnp.float32),
            pltpu.VMEM_SHARED((n_pad, _D), jnp.float32),
            pltpu.SemaphoreType.DMA,
            pltpu.SemaphoreType.DMA,
        ],
        compiler_params=_SC_PARAMS,
    )(functools.partial(_fused_body, n, n_pad, e_ch))
    s_part, g_arr = fused_call(eidx, hp_arr)

    out = pl.pallas_call(
        _out_body,
        grid=(1,),
        in_specs=[
            pl.BlockSpec((1, n, _D), lambda i: (0, 0, 0)),
            pl.BlockSpec((1, n, _D), lambda i: (1, 0, 0)),
            pl.BlockSpec((n, _D), lambda i: (0, 0)),
            pl.BlockSpec((_D, cdim), lambda i: (0, 0)),
            pl.BlockSpec((1, _D), lambda i: (0, 0)),
            pl.BlockSpec((1, cdim), lambda i: (0, 0)),
        ],
        out_specs=pl.BlockSpec((n, cdim), lambda i: (0, 0)),
        out_shape=jax.ShapeDtypeStruct((n, cdim), jnp.float32),
    )(s_part, s_part, g_arr, w2_p, b1_p, b2_p)

    return out

# --- scband reference (transcript-rebuilt; emitter-appended) ---
"""Pipeline reference for scband-model-85435489452569 (READ-ONLY COPY).

The authoritative reference and input builder live on the scoring server;
editing this copy changes nothing except your own understanding.
"""

import jax, jax.numpy as jnp
import numpy as np

N = 10000
E = 320000
F = 128
H = 3
C = 40

def setup_inputs(seed: int = 0) -> dict:
    key = jax.random.key(seed)
    k1, k2, k3, k4, k5, k6 = jax.random.split(key, 6)
    x = jax.random.normal(k1, (N, F), dtype=jnp.float32)
    edge_index = jax.random.randint(k2, (2, E), 0, N)
    # GCNConv(num_features=128, out_channels=3): weight [F, H] (lin applied before propagate), bias [H]
    W1 = jax.random.normal(k3, (F, H), dtype=jnp.float32) * (1.0 / np.sqrt(F))
    b1 = jnp.zeros((H,), dtype=jnp.float32)
    # Linear(3, num_classes=40)
    W2 = jax.random.normal(k4, (H, C), dtype=jnp.float32) * (1.0 / np.sqrt(H))
    b2 = jax.random.uniform(k5, (C,), dtype=jnp.float32, minval=-1.0/np.sqrt(H), maxval=1.0/np.sqrt(H))
    return {"x": x, "edge_index": edge_index, "W1": W1, "b1": b1, "W2": W2, "b2": b2}

def reference(x, edge_index, W1, b1, W2, b2):
    # --- GCNConv: lin -> gcn_norm propagate (add self loops, sym norm) -> + bias ---
    h = x @ W1  # [N, H]
    src = edge_index[0]
    dst = edge_index[1]
    loop = jnp.arange(N, dtype=src.dtype)
    src = jnp.concatenate([src, loop], axis=0)
    dst = jnp.concatenate([dst, loop], axis=0)
    ones = jnp.ones(src.shape[0], dtype=h.dtype)
    deg = jax.ops.segment_sum(ones, dst, num_segments=N)
    dinv = jnp.where(deg > 0, jax.lax.rsqrt(deg), 0.0)
    norm = dinv[src] * dinv[dst]  # per-edge normalization
    msg = h[src] * norm[:, None]  # gather + scale
    agg = jax.ops.segment_sum(msg, dst, num_segments=N)  # scatter-add
    agg = agg + b1
    # --- Linear(3, num_classes) ---
    out = agg @ W2 + b2
    return out

if __name__ == "__main__":
    import jax
    _d = setup_inputs()
    print(jax.jit(kernel)(*tuple(_d.values())))

</pallas_src>

<mosaic_0001>
#map = affine_map<(d0, d1) -> (0, 0, 0)>
#map1 = affine_map<(d0, d1) -> (0, 0)>
module attributes {stable_mosaic.version = 14 : i64} {
  func.func @_fused_body(%arg0: i32, %arg1: i32, %arg2: memref<2x2500x128xi32, #tpu.memory_space<hbm>>, %arg3: memref<10000x16xf32, #tpu.memory_space<hbm>>, %arg4: memref<2x10240x16xf32, #tpu.memory_space<hbm>>, %arg5: memref<10240x16xf32, #tpu.memory_space<hbm>>, %arg6: memref<157x128xi32, #tpu.memory_space<vmem>>, %arg7: memref<79x128xi32, #tpu.memory_space<vmem>>, %arg8: memref<79x128xi32, #tpu.memory_space<vmem>>, %arg9: memref<40x16xf32, #tpu.memory_space<vmem>>, %arg10: memref<5x128xi32, #tpu.memory_space<vmem>>, %arg11: memref<640x16xf32, #tpu.memory_space<vmem>>, %arg12: memref<640x16xf32, #tpu.memory_space<vmem>>, %arg13: memref<640x16xf32, #tpu.memory_space<vmem>>, %arg14: memref<40x16xf32, #tpu.memory_space<vmem>>, %arg15: memref<40x16xf32, #tpu.memory_space<vmem>>, %arg16: memref<128x16xf32, #tpu.memory_space<vmem>>, %arg17: memref<128x16xf32, #tpu.memory_space<vmem>>, %arg18: memref<640x16xf32, #tpu.memory_space<vmem_shared>>, %arg19: memref<10240x16xf32, #tpu.memory_space<vmem_shared>>, %arg20: memref<10240x16xf32, #tpu.memory_space<vmem_shared>>, %arg21: memref<!tpu.dma_semaphore, #tpu.memory_space<semaphore_mem>>, %arg22: memref<!tpu.dma_semaphore, #tpu.memory_space<semaphore_mem>>) attributes {dimension_semantics = [#tpu.dimension_semantics<core_parallel>, #tpu.dimension_semantics<subcore_parallel>], iteration_bounds = array<i64: 2, 16>, scalar_prefetch = 0 : i64, scratch_operands = 17 : i64, tpu.core_type = #tpu.core_type<sc_vector_subcore>, window_params = [{transform_indices = #map}, {transform_indices = #map1}, {transform_indices = #map}, {transform_indices = #map1}]} {
    %mul3A = arith.constant 16 : i32
    %mul3A_0 = arith.muli %arg0, %mul3A : i32
    %add3A = arith.addi %mul3A_0, %arg1 : i32
    %mul3A_1 = arith.constant 78 : i32
    %mul3A_2 = arith.muli %mul3A_1, %add3A : i32
    %min3A = arith.constant 4 : i32
    %min3A_3 = arith.minsi %add3A, %min3A : i32
    %add3A_4 = arith.addi %mul3A_2, %min3A_3 : i32
    %lt3A = arith.constant 4 : i32
    %lt3A_5 = arith.cmpi slt, %add3A, %lt3A : i32
    %mul3A_6 = arith.constant 156 : i32
    %mul3A_7 = arith.muli %mul3A_6, %arg1 : i32
    %min3A_8 = arith.constant 4 : i32
    %min3A_9 = arith.minsi %arg1, %min3A_8 : i32
    %add3A_10 = arith.addi %mul3A_7, %min3A_9 : i32
    %lt3A_11 = arith.constant 4 : i32
    %lt3A_12 = arith.cmpi slt, %arg1, %lt3A_11 : i32
    %iota3A = tpu.iota {dimensions = array<i32: 0>} : vector<16xi32>
    %broadcast_in_dim3A = arith.constant 0.000000e+00 : f32
    %broadcast_in_dim3A_13 = vector.broadcast %broadcast_in_dim3A : f32 to vector<16xf32>
    %swap3A = arith.constant 0 : i32
    %swap3A_14 = arith.index_cast %swap3A : i32 to index
    %swap3A_15 = arith.constant 0 : index
    %swap3A_16 = tpu.vector_load %arg9[%swap3A_14, %swap3A_15] {strides = array<i32>} : memref<40x16xf32, #tpu.memory_space<vmem>>, vector<16xf32>,
    tpu.vector_store %arg9[%swap3A_14, %swap3A_15], %broadcast_in_dim3A_13 {strides = array<i32>} : memref<40x16xf32, #tpu.memory_space<vmem>>, vector<16xf32>,
    %broadcast_in_dim3A_17 = arith.constant 0.000000e+00 : f32
    %broadcast_in_dim3A_18 = vector.broadcast %broadcast_in_dim3A_17 : f32 to vector<16xf32>
    %swap3A_19 = arith.constant 1 : i32
    %swap3A_20 = arith.index_cast %swap3A_19 : i32 to index
    %swap3A_21 = arith.constant 0 : index
    %swap3A_22 = tpu.vector_load %arg9[%swap3A_20, %swap3A_21] {strides = array<i32>} : memref<40x16xf32, #tpu.memory_space<vmem>>, vector<16xf32>,
    tpu.vector_store %arg9[%swap3A_20, %swap3A_21], %broadcast_in_dim3A_18 {strides = array<i32>} : memref<40x16xf32, #tpu.memory_space<vmem>>, vector<16xf32>,
    %broadcast_in_dim3A_23 = arith.constant 0.000000e+00 : f32
    %broadcast_in_dim3A_24 = vector.broadcast %broadcast_in_dim3A_23 : f32 to vector<16xf32>
    %swap3A_25 = arith.constant 2 : i32
    %swap3A_26 = arith.index_cast %swap3A_25 : i32 to index
    %swap3A_27 = arith.constant 0 : index
    %swap3A_28 = tpu.vector_load %arg9[%swap3A_26, %swap3A_27] {strides = array<i32>} : memref<40x16xf32, #tpu.memory_space<vmem>>, vector<16xf32>,
    tpu.vector_store %arg9[%swap3A_26, %swap3A_27], %broadcast_in_dim3A_24 {strides = array<i32>} : memref<40x16xf32, #tpu.memory_space<vmem>>, vector<16xf32>,
    %broadcast_in_dim3A_29 = arith.constant 0.000000e+00 : f32
    %broadcast_in_dim3A_30 = vector.broadcast %broadcast_in_dim3A_29 : f32 to vector<16xf32>
    %swap3A_31 = arith.constant 3 : i32
    %swap3A_32 = arith.index_cast %swap3A_31 : i32 to index
    %swap3A_33 = arith.constant 0 : index
    %swap3A_34 = tpu.vector_load %arg9[%swap3A_32, %swap3A_33] {strides = array<i32>} : memref<40x16xf32, #tpu.memory_space<vmem>>, vector<16xf32>,
    tpu.vector_store %arg9[%swap3A_32, %swap3A_33], %broadcast_in_dim3A_30 {strides = array<i32>} : memref<40x16xf32, #tpu.memory_space<vmem>>, vector<16xf32>,
    %broadcast_in_dim3A_35 = arith.constant 0.000000e+00 : f32
    %broadcast_in_dim3A_36 = vector.broadcast %broadcast_in_dim3A_35 : f32 to vector<16xf32>
    %swap3A_37 = arith.constant 4 : i32
    %swap3A_38 = arith.index_cast %swap3A_37 : i32 to index
    %swap3A_39 = arith.constant 0 : index
    %swap3A_40 = tpu.vector_load %arg9[%swap3A_38, %swap3A_39] {strides = array<i32>} : memref<40x16xf32, #tpu.memory_space<vmem>>, vector<16xf32>,
    tpu.vector_store %arg9[%swap3A_38, %swap3A_39], %broadcast_in_dim3A_36 {strides = array<i32>} : memref<40x16xf32, #tpu.memory_space<vmem>>, vector<16xf32>,
    %broadcast_in_dim3A_41 = arith.constant 0.000000e+00 : f32
    %broadcast_in_dim3A_42 = vector.broadcast %broadcast_in_dim3A_41 : f32 to vector<16xf32>
    %swap3A_43 = arith.constant 5 : i32
    %swap3A_44 = arith.index_cast %swap3A_43 : i32 to index
    %swap3A_45 = arith.constant 0 : index
    %swap3A_46 = tpu.vector_load %arg9[%swap3A_44, %swap3A_45] {strides = array<i32>} : memref<40x16xf32, #tpu.memory_space<vmem>>, vector<16xf32>,
    tpu.vector_store %arg9[%swap3A_44, %swap3A_45], %broadcast_in_dim3A_42 {strides = array<i32>} : memref<40x16xf32, #tpu.memory_space<vmem>>, vector<16xf32>,
    %broadcast_in_dim3A_47 = arith.constant 0.000000e+00 : f32
    %broadcast_in_dim3A_48 = vector.broadcast %broadcast_in_dim3A_47 : f32 to vector<16xf32>
    %swap3A_49 = arith.constant 6 : i32
    %swap3A_50 = arith.index_cast %swap3A_49 : i32 to index
    %swap3A_51 = arith.constant 0 : index
    %swap3A_52 = tpu.vector_load %arg9[%swap3A_50, %swap3A_51] {strides = array<i32>} : memref<40x16xf32, #tpu.memory_space<vmem>>, vector<16xf32>,
    tpu.vector_store %arg9[%swap3A_50, %swap3A_51], %broadcast_in_dim3A_48 {strides = array<i32>} : memref<40x16xf32, #tpu.memory_space<vmem>>, vector<16xf32>,
    %broadcast_in_dim3A_53 = arith.constant 0.000000e+00 : f32
    %broadcast_in_dim3A_54 = vector.broadcast %broadcast_in_dim3A_53 : f32 to vector<16xf32>
    %swap3A_55 = arith.constant 7 : i32
    %swap3A_56 = arith.index_cast %swap3A_55 : i32 to index
    %swap3A_57 = arith.constant 0 : index
    %swap3A_58 = tpu.vector_load %arg9[%swap3A_56, %swap3A_57] {strides = array<i32>} : memref<40x16xf32, #tpu.memory_space<vmem>>, vector<16xf32>,
    tpu.vector_store %arg9[%swap3A_56, %swap3A_57], %broadcast_in_dim3A_54 {strides = array<i32>} : memref<40x16xf32, #tpu.memory_space<vmem>>, vector<16xf32>,
    %broadcast_in_dim3A_59 = arith.constant 0.000000e+00 : f32
    %broadcast_in_dim3A_60 = vector.broadcast %broadcast_in_dim3A_59 : f32 to vector<16xf32>
    %swap3A_61 = arith.constant 8 : i32
    %swap3A_62 = arith.index_cast %swap3A_61 : i32 to index
    %swap3A_63 = arith.constant 0 : index
    %swap3A_64 = tpu.vector_load %arg9[%swap3A_62, %swap3A_63] {strides = array<i32>} : memref<40x16xf32, #tpu.memory_space<vmem>>, vector<16xf32>,
    tpu.vector_store %arg9[%swap3A_62, %swap3A_63], %broadcast_in_dim3A_60 {strides = array<i32>} : memref<40x16xf32, #tpu.memory_space<vmem>>, vector<16xf32>,
    %broadcast_in_dim3A_65 = arith.constant 0.000000e+00 : f32
    %broadcast_in_dim3A_66 = vector.broadcast %broadcast_in_dim3A_65 : f32 to vector<16xf32>
    %swap3A_67 = arith.constant 9 : i32
    %swap3A_68 = arith.index_cast %swap3A_67 : i32 to index
    %swap3A_69 = arith.constant 0 : index
    %swap3A_70 = tpu.vector_load %arg9[%swap3A_68, %swap3A_69] {strides = array<i32>} : memref<40x16xf32, #tpu.memory_space<vmem>>, vector<16xf32>,
    tpu.vector_store %arg9[%swap3A_68, %swap3A_69], %broadcast_in_dim3A_66 {strides = array<i32>} : memref<40x16xf32, #tpu.memory_space<vmem>>, vector<16xf32>,
    %broadcast_in_dim3A_71 = arith.constant 0.000000e+00 : f32
    %broadcast_in_dim3A_72 = vector.broadcast %broadcast_in_dim3A_71 : f32 to vector<16xf32>
    %swap3A_73 = arith.constant 10 : i32
    %swap3A_74 = arith.index_cast %swap3A_73 : i32 to index
    %swap3A_75 = arith.constant 0 : index
    %swap3A_76 = tpu.vector_load %arg9[%swap3A_74, %swap3A_75] {strides = array<i32>} : memref<40x16xf32, #tpu.memory_space<vmem>>, vector<16xf32>,
    tpu.vector_store %arg9[%swap3A_74, %swap3A_75], %broadcast_in_dim3A_72 {strides = array<i32>} : memref<40x16xf32, #tpu.memory_space<vmem>>, vector<16xf32>,
    %broadcast_in_dim3A_77 = arith.constant 0.000000e+00 : f32
    %broadcast_in_dim3A_78 = vector.broadcast %broadcast_in_dim3A_77 : f32 to vector<16xf32>
    %swap3A_79 = arith.constant 11 : i32
    %swap3A_80 = arith.index_cast %swap3A_79 : i32 to index
    %swap3A_81 = arith.constant 0 : index
    %swap3A_82 = tpu.vector_load %arg9[%swap3A_80, %swap3A_81] {strides = array<i32>} : memref<40x16xf32, #tpu.memory_space<vmem>>, vector<16xf32>,
    tpu.vector_store %arg9[%swap3A_80, %swap3A_81], %broadcast_in_dim3A_78 {strides = array<i32>} : memref<40x16xf32, #tpu.memory_space<vmem>>, vector<16xf32>,
    %broadcast_in_dim3A_83 = arith.constant 0.000000e+00 : f32
    %broadcast_in_dim3A_84 = vector.broadcast %broadcast_in_dim3A_83 : f32 to vector<16xf32>
    %swap3A_85 = arith.constant 12 : i32
    %swap3A_86 = arith.index_cast %swap3A_85 : i32 to index
    %swap3A_87 = arith.constant 0 : index
    %swap3A_88 = tpu.vector_load %arg9[%swap3A_86, %swap3A_87] {strides = array<i32>} : memref<40x16xf32, #tpu.memory_space<vmem>>, vector<16xf32>,
    tpu.vector_store %arg9[%swap3A_86, %swap3A_87], %broadcast_in_dim3A_84 {strides = array<i32>} : memref<40x16xf32, #tpu.memory_space<vmem>>, vector<16xf32>,
    %broadcast_in_dim3A_89 = arith.constant 0.000000e+00 : f32
    %broadcast_in_dim3A_90 = vector.broadcast %broadcast_in_dim3A_89 : f32 to vector<16xf32>
    %swap3A_91 = arith.constant 13 : i32
    %swap3A_92 = arith.index_cast %swap3A_91 : i32 to index
    %swap3A_93 = arith.constant 0 : index
    %swap3A_94 = tpu.vector_load %arg9[%swap3A_92, %swap3A_93] {strides = array<i32>} : memref<40x16xf32, #tpu.memory_space<vmem>>, vector<16xf32>,
    tpu.vector_store %arg9[%swap3A_92, %swap3A_93], %broadcast_in_dim3A_90 {strides = array<i32>} : memref<40x16xf32, #tpu.memory_space<vmem>>, vector<16xf32>,
    %broadcast_in_dim3A_95 = arith.constant 0.000000e+00 : f32
    %broadcast_in_dim3A_96 = vector.broadcast %broadcast_in_dim3A_95 : f32 to vector<16xf32>
    %swap3A_97 = arith.constant 14 : i32
    %swap3A_98 = arith.index_cast %swap3A_97 : i32 to index
    %swap3A_99 = arith.constant 0 : index
    %swap3A_100 = tpu.vector_load %arg9[%swap3A_98, %swap3A_99] {strides = array<i32>} : memref<40x16xf32, #tpu.memory_space<vmem>>, vector<16xf32>,
    tpu.vector_store %arg9[%swap3A_98, %swap3A_99], %broadcast_in_dim3A_96 {strides = array<i32>} : memref<40x16xf32, #tpu.memory_space<vmem>>, vector<16xf32>,
    %broadcast_in_dim3A_101 = arith.constant 0.000000e+00 : f32
    %broadcast_in_dim3A_102 = vector.broadcast %broadcast_in_dim3A_101 : f32 to vector<16xf32>
    %swap3A_103 = arith.constant 15 : i32
    %swap3A_104 = arith.index_cast %swap3A_103 : i32 to index
    %swap3A_105 = arith.constant 0 : index
    %swap3A_106 = tpu.vector_load %arg9[%swap3A_104, %swap3A_105] {strides = array<i32>} : memref<40x16xf32, #tpu.memory_space<vmem>>, vector<16xf32>,
    tpu.vector_store %arg9[%swap3A_104, %swap3A_105], %broadcast_in_dim3A_102 {strides = array<i32>} : memref<40x16xf32, #tpu.memory_space<vmem>>, vector<16xf32>,
    %broadcast_in_dim3A_107 = arith.constant 0.000000e+00 : f32
    %broadcast_in_dim3A_108 = vector.broadcast %broadcast_in_dim3A_107 : f32 to vector<16xf32>
    %swap3A_109 = arith.constant 16 : i32
    %swap3A_110 = arith.index_cast %swap3A_109 : i32 to index
    %swap3A_111 = arith.constant 0 : index
    %swap3A_112 = tpu.vector_load %arg9[%swap3A_110, %swap3A_111] {strides = array<i32>} : memref<40x16xf32, #tpu.memory_space<vmem>>, vector<16xf32>,
    tpu.vector_store %arg9[%swap3A_110, %swap3A_111], %broadcast_in_dim3A_108 {strides = array<i32>} : memref<40x16xf32, #tpu.memory_space<vmem>>, vector<16xf32>,
    %broadcast_in_dim3A_113 = arith.constant 0.000000e+00 : f32
    %broadcast_in_dim3A_114 = vector.broadcast %broadcast_in_dim3A_113 : f32 to vector<16xf32>
    %swap3A_115 = arith.constant 17 : i32
    %swap3A_116 = arith.index_cast %swap3A_115 : i32 to index
    %swap3A_117 = arith.constant 0 : index
    %swap3A_118 = tpu.vector_load %arg9[%swap3A_116, %swap3A_117] {strides = array<i32>} : memref<40x16xf32, #tpu.memory_space<vmem>>, vector<16xf32>,
    tpu.vector_store %arg9[%swap3A_116, %swap3A_117], %broadcast_in_dim3A_114 {strides = array<i32>} : memref<40x16xf32, #tpu.memory_space<vmem>>, vector<16xf32>,
    %broadcast_in_dim3A_119 = arith.constant 0.000000e+00 : f32
    %broadcast_in_dim3A_120 = vector.broadcast %broadcast_in_dim3A_119 : f32 to vector<16xf32>
    %swap3A_121 = arith.constant 18 : i32
    %swap3A_122 = arith.index_cast %swap3A_121 : i32 to index
    %swap3A_123 = arith.constant 0 : index
    %swap3A_124 = tpu.vector_load %arg9[%swap3A_122, %swap3A_123] {strides = array<i32>} : memref<40x16xf32, #tpu.memory_space<vmem>>, vector<16xf32>,
    tpu.vector_store %arg9[%swap3A_122, %swap3A_123], %broadcast_in_dim3A_120 {strides = array<i32>} : memref<40x16xf32, #tpu.memory_space<vmem>>, vector<16xf32>,
    %broadcast_in_dim3A_125 = arith.constant 0.000000e+00 : f32
    %broadcast_in_dim3A_126 = vector.broadcast %broadcast_in_dim3A_125 : f32 to vector<16xf32>
    %swap3A_127 = arith.constant 19 : i32
    %swap3A_128 = arith.index_cast %swap3A_127 : i32 to index
    %swap3A_129 = arith.constant 0 : index
    %swap3A_130 = tpu.vector_load %arg9[%swap3A_128, %swap3A_129] {strides = array<i32>} : memref<40x16xf32, #tpu.memory_space<vmem>>, vector<16xf32>,
    tpu.vector_store %arg9[%swap3A_128, %swap3A_129], %broadcast_in_dim3A_126 {strides = array<i32>} : memref<40x16xf32, #tpu.memory_space<vmem>>, vector<16xf32>,
    %broadcast_in_dim3A_131 = arith.constant 0.000000e+00 : f32
    %broadcast_in_dim3A_132 = vector.broadcast %broadcast_in_dim3A_131 : f32 to vector<16xf32>
    %swap3A_133 = arith.constant 20 : i32
    %swap3A_134 = arith.index_cast %swap3A_133 : i32 to index
    %swap3A_135 = arith.constant 0 : index
    %swap3A_136 = tpu.vector_load %arg9[%swap3A_134, %swap3A_135] {strides = array<i32>} : memref<40x16xf32, #tpu.memory_space<vmem>>, vector<16xf32>,
    tpu.vector_store %arg9[%swap3A_134, %swap3A_135], %broadcast_in_dim3A_132 {strides = array<i32>} : memref<40x16xf32, #tpu.memory_space<vmem>>, vector<16xf32>,
    %broadcast_in_dim3A_137 = arith.constant 0.000000e+00 : f32
    %broadcast_in_dim3A_138 = vector.broadcast %broadcast_in_dim3A_137 : f32 to vector<16xf32>
    %swap3A_139 = arith.constant 21 : i32
    %swap3A_140 = arith.index_cast %swap3A_139 : i32 to index
    %swap3A_141 = arith.constant 0 : index
    %swap3A_142 = tpu.vector_load %arg9[%swap3A_140, %swap3A_141] {strides = array<i32>} : memref<40x16xf32, #tpu.memory_space<vmem>>, vector<16xf32>,
    tpu.vector_store %arg9[%swap3A_140, %swap3A_141], %broadcast_in_dim3A_138 {strides = array<i32>} : memref<40x16xf32, #tpu.memory_space<vmem>>, vector<16xf32>,
    %broadcast_in_dim3A_143 = arith.constant 0.000000e+00 : f32
    %broadcast_in_dim3A_144 = vector.broadcast %broadcast_in_dim3A_143 : f32 to vector<16xf32>
    %swap3A_145 = arith.constant 22 : i32
    %swap3A_146 = arith.index_cast %swap3A_145 : i32 to index
    %swap3A_147 = arith.constant 0 : index
    %swap3A_148 = tpu.vector_load %arg9[%swap3A_146, %swap3A_147] {strides = array<i32>} : memref<40x16xf32, #tpu.memory_space<vmem>>, vector<16xf32>,
    tpu.vector_store %arg9[%swap3A_146, %swap3A_147], %broadcast_in_dim3A_144 {strides = array<i32>} : memref<40x16xf32, #tpu.memory_space<vmem>>, vector<16xf32>,
    %broadcast_in_dim3A_149 = arith.constant 0.000000e+00 : f32
    %broadcast_in_dim3A_150 = vector.broadcast %broadcast_in_dim3A_149 : f32 to vector<16xf32>
    %swap3A_151 = arith.constant 23 : i32
    %swap3A_152 = arith.index_cast %swap3A_151 : i32 to index
    %swap3A_153 = arith.constant 0 : index
    %swap3A_154 = tpu.vector_load %arg9[%swap3A_152, %swap3A_153] {strides = array<i32>} : memref<40x16xf32, #tpu.memory_space<vmem>>, vector<16xf32>,
    tpu.vector_store %arg9[%swap3A_152, %swap3A_153], %broadcast_in_dim3A_150 {strides = array<i32>} : memref<40x16xf32, #tpu.memory_space<vmem>>, vector<16xf32>,
    %broadcast_in_dim3A_155 = arith.constant 0.000000e+00 : f32
    %broadcast_in_dim3A_156 = vector.broadcast %broadcast_in_dim3A_155 : f32 to vector<16xf32>
    %swap3A_157 = arith.constant 24 : i32
    %swap3A_158 = arith.index_cast %swap3A_157 : i32 to index
    %swap3A_159 = arith.constant 0 : index
    %swap3A_160 = tpu.vector_load %arg9[%swap3A_158, %swap3A_159] {strides = array<i32>} : memref<40x16xf32, #tpu.memory_space<vmem>>, vector<16xf32>,
    tpu.vector_store %arg9[%swap3A_158, %swap3A_159], %broadcast_in_dim3A_156 {strides = array<i32>} : memref<40x16xf32, #tpu.memory_space<vmem>>, vector<16xf32>,
    %broadcast_in_dim3A_161 = arith.constant 0.000000e+00 : f32
    %broadcast_in_dim3A_162 = vector.broadcast %broadcast_in_dim3A_161 : f32 to vector<16xf32>
    %swap3A_163 = arith.constant 25 : i32
    %swap3A_164 = arith.index_cast %swap3A_163 : i32 to index
    %swap3A_165 = arith.constant 0 : index
    %swap3A_166 = tpu.vector_load %arg9[%swap3A_164, %swap3A_165] {strides = array<i32>} : memref<40x16xf32, #tpu.memory_space<vmem>>, vector<16xf32>,
    tpu.vector_store %arg9[%swap3A_164, %swap3A_165], %broadcast_in_dim3A_162 {strides = array<i32>} : memref<40x16xf32, #tpu.memory_space<vmem>>, vector<16xf32>,
    %broadcast_in_dim3A_167 = arith.constant 0.000000e+00 : f32
    %broadcast_in_dim3A_168 = vector.broadcast %broadcast_in_dim3A_167 : f32 to vector<16xf32>
    %swap3A_169 = arith.constant 26 : i32
    %swap3A_170 = arith.index_cast %swap3A_169 : i32 to index
    %swap3A_171 = arith.constant 0 : index
    %swap3A_172 = tpu.vector_load %arg9[%swap3A_170, %swap3A_171] {strides = array<i32>} : memref<40x16xf32, #tpu.memory_space<vmem>>, vector<16xf32>,
    tpu.vector_store %arg9[%swap3A_170, %swap3A_171], %broadcast_in_dim3A_168 {strides = array<i32>} : memref<40x16xf32, #tpu.memory_space<vmem>>, vector<16xf32>,
    %broadcast_in_dim3A_173 = arith.constant 0.000000e+00 : f32
    %broadcast_in_dim3A_174 = vector.broadcast %broadcast_in_dim3A_173 : f32 to vector<16xf32>
    %swap3A_175 = arith.constant 27 : i32
    %swap3A_176 = arith.index_cast %swap3A_175 : i32 to index
    %swap3A_177 = arith.constant 0 : index
    %swap3A_178 = tpu.vector_load %arg9[%swap3A_176, %swap3A_177] {strides = array<i32>} : memref<40x16xf32, #tpu.memory_space<vmem>>, vector<16xf32>,
    tpu.vector_store %arg9[%swap3A_176, %swap3A_177], %broadcast_in_dim3A_174 {strides = array<i32>} : memref<40x16xf32, #tpu.memory_space<vmem>>, vector<16xf32>,
    %broadcast_in_dim3A_179 = arith.constant 0.000000e+00 : f32
    %broadcast_in_dim3A_180 = vector.broadcast %broadcast_in_dim3A_179 : f32 to vector<16xf32>
    %swap3A_181 = arith.constant 28 : i32
    %swap3A_182 = arith.index_cast %swap3A_181 : i32 to index
    %swap3A_183 = arith.constant 0 : index
    %swap3A_184 = tpu.vector_load %arg9[%swap3A_182, %swap3A_183] {strides = array<i32>} : memref<40x16xf32, #tpu.memory_space<vmem>>, vector<16xf32>,
    tpu.vector_store %arg9[%swap3A_182, %swap3A_183], %broadcast_in_dim3A_180 {strides = array<i32>} : memref<40x16xf32, #tpu.memory_space<vmem>>, vector<16xf32>,
    %broadcast_in_dim3A_185 = arith.constant 0.000000e+00 : f32
    %broadcast_in_dim3A_186 = vector.broadcast %broadcast_in_dim3A_185 : f32 to vector<16xf32>
    %swap3A_187 = arith.constant 29 : i32
    %swap3A_188 = arith.index_cast %swap3A_187 : i32 to index
    %swap3A_189 = arith.constant 0 : index
    %swap3A_190 = tpu.vector_load %arg9[%swap3A_188, %swap3A_189] {strides = array<i32>} : memref<40x16xf32, #tpu.memory_space<vmem>>, vector<16xf32>,
    tpu.vector_store %arg9[%swap3A_188, %swap3A_189], %broadcast_in_dim3A_186 {strides = array<i32>} : memref<40x16xf32, #tpu.memory_space<vmem>>, vector<16xf32>,
    %broadcast_in_dim3A_191 = arith.constant 0.000000e+00 : f32
    %broadcast_in_dim3A_192 = vector.broadcast %broadcast_in_dim3A_191 : f32 to vector<16xf32>
    %swap3A_193 = arith.constant 30 : i32
    %swap3A_194 = arith.index_cast %swap3A_193 : i32 to index
    %swap3A_195 = arith.constant 0 : index
    %swap3A_196 = tpu.vector_load %arg9[%swap3A_194, %swap3A_195] {strides = array<i32>} : memref<40x16xf32, #tpu.memory_space<vmem>>, vector<16xf32>,
    tpu.vector_store %arg9[%swap3A_194, %swap3A_195], %broadcast_in_dim3A_192 {strides = array<i32>} : memref<40x16xf32, #tpu.memory_space<vmem>>, vector<16xf32>,
    %broadcast_in_dim3A_197 = arith.constant 0.000000e+00 : f32
    %broadcast_in_dim3A_198 = vector.broadcast %broadcast_in_dim3A_197 : f32 to vector<16xf32>
    %swap3A_199 = arith.constant 31 : i32
    %swap3A_200 = arith.index_cast %swap3A_199 : i32 to index
    %swap3A_201 = arith.constant 0 : index
    %swap3A_202 = tpu.vector_load %arg9[%swap3A_200, %swap3A_201] {strides = array<i32>} : memref<40x16xf32, #tpu.memory_space<vmem>>, vector<16xf32>,
    tpu.vector_store %arg9[%swap3A_200, %swap3A_201], %broadcast_in_dim3A_198 {strides = array<i32>} : memref<40x16xf32, #tpu.memory_space<vmem>>, vector<16xf32>,
    %broadcast_in_dim3A_203 = arith.constant 0.000000e+00 : f32
    %broadcast_in_dim3A_204 = vector.broadcast %broadcast_in_dim3A_203 : f32 to vector<16xf32>
    %swap3A_205 = arith.constant 32 : i32
    %swap3A_206 = arith.index_cast %swap3A_205 : i32 to index
    %swap3A_207 = arith.constant 0 : index
    %swap3A_208 = tpu.vector_load %arg9[%swap3A_206, %swap3A_207] {strides = array<i32>} : memref<40x16xf32, #tpu.memory_space<vmem>>, vector<16xf32>,
    tpu.vector_store %arg9[%swap3A_206, %swap3A_207], %broadcast_in_dim3A_204 {strides = array<i32>} : memref<40x16xf32, #tpu.memory_space<vmem>>, vector<16xf32>,
    %broadcast_in_dim3A_209 = arith.constant 0.000000e+00 : f32
    %broadcast_in_dim3A_210 = vector.broadcast %broadcast_in_dim3A_209 : f32 to vector<16xf32>
    %swap3A_211 = arith.constant 33 : i32
    %swap3A_212 = arith.index_cast %swap3A_211 : i32 to index
    %swap3A_213 = arith.constant 0 : index
    %swap3A_214 = tpu.vector_load %arg9[%swap3A_212, %swap3A_213] {strides = array<i32>} : memref<40x16xf32, #tpu.memory_space<vmem>>, vector<16xf32>,
    tpu.vector_store %arg9[%swap3A_212, %swap3A_213], %broadcast_in_dim3A_210 {strides = array<i32>} : memref<40x16xf32, #tpu.memory_space<vmem>>, vector<16xf32>,
    %broadcast_in_dim3A_215 = arith.constant 0.000000e+00 : f32
    %broadcast_in_dim3A_216 = vector.broadcast %broadcast_in_dim3A_215 : f32 to vector<16xf32>
    %swap3A_217 = arith.constant 34 : i32
    %swap3A_218 = arith.index_cast %swap3A_217 : i32 to index
    %swap3A_219 = arith.constant 0 : index
    %swap3A_220 = tpu.vector_load %arg9[%swap3A_218, %swap3A_219] {strides = array<i32>} : memref<40x16xf32, #tpu.memory_space<vmem>>, vector<16xf32>,
    tpu.vector_store %arg9[%swap3A_218, %swap3A_219], %broadcast_in_dim3A_216 {strides = array<i32>} : memref<40x16xf32, #tpu.memory_space<vmem>>, vector<16xf32>,
    %broadcast_in_dim3A_221 = arith.constant 0.000000e+00 : f32
    %broadcast_in_dim3A_222 = vector.broadcast %broadcast_in_dim3A_221 : f32 to vector<16xf32>
    %swap3A_223 = arith.constant 35 : i32
    %swap3A_224 = arith.index_cast %swap3A_223 : i32 to index
    %swap3A_225 = arith.constant 0 : index
    %swap3A_226 = tpu.vector_load %arg9[%swap3A_224, %swap3A_225] {strides = array<i32>} : memref<40x16xf32, #tpu.memory_space<vmem>>, vector<16xf32>,
    tpu.vector_store %arg9[%swap3A_224, %swap3A_225], %broadcast_in_dim3A_222 {strides = array<i32>} : memref<40x16xf32, #tpu.memory_space<vmem>>, vector<16xf32>,
    %broadcast_in_dim3A_227 = arith.constant 0.000000e+00 : f32
    %broadcast_in_dim3A_228 = vector.broadcast %broadcast_in_dim3A_227 : f32 to vector<16xf32>
    %swap3A_229 = arith.constant 36 : i32
    %swap3A_230 = arith.index_cast %swap3A_229 : i32 to index
    %swap3A_231 = arith.constant 0 : index
    %swap3A_232 = tpu.vector_load %arg9[%swap3A_230, %swap3A_231] {strides = array<i32>} : memref<40x16xf32, #tpu.memory_space<vmem>>, vector<16xf32>,
    tpu.vector_store %arg9[%swap3A_230, %swap3A_231], %broadcast_in_dim3A_228 {strides = array<i32>} : memref<40x16xf32, #tpu.memory_space<vmem>>, vector<16xf32>,
    %broadcast_in_dim3A_233 = arith.constant 0.000000e+00 : f32
    %broadcast_in_dim3A_234 = vector.broadcast %broadcast_in_dim3A_233 : f32 to vector<16xf32>
    %swap3A_235 = arith.constant 37 : i32
    %swap3A_236 = arith.index_cast %swap3A_235 : i32 to index
    %swap3A_237 = arith.constant 0 : index
    %swap3A_238 = tpu.vector_load %arg9[%swap3A_236, %swap3A_237] {strides = array<i32>} : memref<40x16xf32, #tpu.memory_space<vmem>>, vector<16xf32>,
    tpu.vector_store %arg9[%swap3A_236, %swap3A_237], %broadcast_in_dim3A_234 {strides = array<i32>} : memref<40x16xf32, #tpu.memory_space<vmem>>, vector<16xf32>,
    %broadcast_in_dim3A_239 = arith.constant 0.000000e+00 : f32
    %broadcast_in_dim3A_240 = vector.broadcast %broadcast_in_dim3A_239 : f32 to vector<16xf32>
    %swap3A_241 = arith.constant 38 : i32
    %swap3A_242 = arith.index_cast %swap3A_241 : i32 to index
    %swap3A_243 = arith.constant 0 : index
    %swap3A_244 = tpu.vector_load %arg9[%swap3A_242, %swap3A_243] {strides = array<i32>} : memref<40x16xf32, #tpu.memory_space<vmem>>, vector<16xf32>,
    tpu.vector_store %arg9[%swap3A_242, %swap3A_243], %broadcast_in_dim3A_240 {strides = array<i32>} : memref<40x16xf32, #tpu.memory_space<vmem>>, vector<16xf32>,
    %broadcast_in_dim3A_245 = arith.constant 0.000000e+00 : f32
    %broadcast_in_dim3A_246 = vector.broadcast %broadcast_in_dim3A_245 : f32 to vector<16xf32>
    %swap3A_247 = arith.constant 39 : i32
    %swap3A_248 = arith.index_cast %swap3A_247 : i32 to index
    %swap3A_249 = arith.constant 0 : index
    %swap3A_250 = tpu.vector_load %arg9[%swap3A_248, %swap3A_249] {strides = array<i32>} : memref<40x16xf32, #tpu.memory_space<vmem>>, vector<16xf32>,
    tpu.vector_store %arg9[%swap3A_248, %swap3A_249], %broadcast_in_dim3A_246 {strides = array<i32>} : memref<40x16xf32, #tpu.memory_space<vmem>>, vector<16xf32>,
    %add3A_251 = arith.constant 0 : i32
    %add3A_252 = vector.broadcast %add3A_251 : i32 to vector<16xi32>
    %add3A_253 = arith.addi %iota3A, %add3A_252 : vector<16xi32>
    %swap3A_254 = arith.constant 0 : i32
    %swap3A_255 = arith.index_cast %swap3A_254 : i32 to index
    %swap3A_256 = arith.constant 0 : index
    %swap3A_257 = tpu.vector_load %arg10[%swap3A_255, %swap3A_256] {strides = array<i32>} : memref<5x128xi32, #tpu.memory_space<vmem>>, vector<16xi32>,
    tpu.vector_store %arg10[%swap3A_255, %swap3A_256], %add3A_253 {strides = array<i32>} : memref<5x128xi32, #tpu.memory_space<vmem>>, vector<16xi32>,
    %add3A_258 = arith.constant 16 : i32
    %add3A_259 = vector.broadcast %add3A_258 : i32 to vector<16xi32>
    %add3A_260 = arith.addi %iota3A, %add3A_259 : vector<16xi32>
    %swap3A_261 = arith.constant 0 : i32
    %swap3A_262 = arith.index_cast %swap3A_261 : i32 to index
    %swap3A_263 = arith.constant 16 : index
    %swap3A_264 = tpu.vector_load %arg10[%swap3A_262, %swap3A_263] {strides = array<i32>} : memref<5x128xi32, #tpu.memory_space<vmem>>, vector<16xi32>,
    tpu.vector_store %arg10[%swap3A_262, %swap3A_263], %add3A_260 {strides = array<i32>} : memref<5x128xi32, #tpu.memory_space<vmem>>, vector<16xi32>,
    %add3A_265 = arith.constant 32 : i32
    %add3A_266 = vector.broadcast %add3A_265 : i32 to vector<16xi32>
    %add3A_267 = arith.addi %iota3A, %add3A_266 : vector<16xi32>
    %swap3A_268 = arith.constant 0 : i32
    %swap3A_269 = arith.index_cast %swap3A_268 : i32 to index
    %swap3A_270 = arith.constant 32 : index
    %swap3A_271 = tpu.vector_load %arg10[%swap3A_269, %swap3A_270] {strides = array<i32>} : memref<5x128xi32, #tpu.memory_space<vmem>>, vector<16xi32>,
    tpu.vector_store %arg10[%swap3A_269, %swap3A_270], %add3A_267 {strides = array<i32>} : memref<5x128xi32, #tpu.memory_space<vmem>>, vector<16xi32>,
    %add3A_272 = arith.constant 48 : i32
    %add3A_273 = vector.broadcast %add3A_272 : i32 to vector<16xi32>
    %add3A_274 = arith.addi %iota3A, %add3A_273 : vector<16xi32>
    %swap3A_275 = arith.constant 0 : i32
    %swap3A_276 = arith.index_cast %swap3A_275 : i32 to index
    %swap3A_277 = arith.constant 48 : index
    %swap3A_278 = tpu.vector_load %arg10[%swap3A_276, %swap3A_277] {strides = array<i32>} : memref<5x128xi32, #tpu.memory_space<vmem>>, vector<16xi32>,
    tpu.vector_store %arg10[%swap3A_276, %swap3A_277], %add3A_274 {strides = array<i32>} : memref<5x128xi32, #tpu.memory_space<vmem>>, vector<16xi32>,
    %add3A_279 = arith.constant 64 : i32
    %add3A_280 = vector.broadcast %add3A_279 : i32 to vector<16xi32>
    %add3A_281 = arith.addi %iota3A, %add3A_280 : vector<16xi32>
    %swap3A_282 = arith.constant 0 : i32
    %swap3A_283 = arith.index_cast %swap3A_282 : i32 to index
    %swap3A_284 = arith.constant 64 : index
    %swap3A_285 = tpu.vector_load %arg10[%swap3A_283, %swap3A_284] {strides = array<i32>} : memref<5x128xi32, #tpu.memory_space<vmem>>, vector<16xi32>,
    tpu.vector_store %arg10[%swap3A_283, %swap3A_284], %add3A_281 {strides = array<i32>} : memref<5x128xi32, #tpu.memory_space<vmem>>, vector<16xi32>,
    %add3A_286 = arith.constant 80 : i32
    %add3A_287 = vector.broadcast %add3A_286 : i32 to vector<16xi32>
    %add3A_288 = arith.addi %iota3A, %add3A_287 : vector<16xi32>
    %swap3A_289 = arith.constant 0 : i32
    %swap3A_290 = arith.index_cast %swap3A_289 : i32 to index
    %swap3A_291 = arith.constant 80 : index
    %swap3A_292 = tpu.vector_load %arg10[%swap3A_290, %swap3A_291] {strides = array<i32>} : memref<5x128xi32, #tpu.memory_space<vmem>>, vector<16xi32>,
    tpu.vector_store %arg10[%swap3A_290, %swap3A_291], %add3A_288 {strides = array<i32>} : memref<5x128xi32, #tpu.memory_space<vmem>>, vector<16xi32>,
    %add3A_293 = arith.constant 96 : i32
    %add3A_294 = vector.broadcast %add3A_293 : i32 to vector<16xi32>
    %add3A_295 = arith.addi %iota3A, %add3A_294 : vector<16xi32>
    %swap3A_296 = arith.constant 0 : i32
    %swap3A_297 = arith.index_cast %swap3A_296 : i32 to index
    %swap3A_298 = arith.constant 96 : index
    %swap3A_299 = tpu.vector_load %arg10[%swap3A_297, %swap3A_298] {strides = array<i32>} : memref<5x128xi32, #tpu.memory_space<vmem>>, vector<16xi32>,
    tpu.vector_store %arg10[%swap3A_297, %swap3A_298], %add3A_295 {strides = array<i32>} : memref<5x128xi32, #tpu.memory_space<vmem>>, vector<16xi32>,
    %add3A_300 = arith.constant 112 : i32
    %add3A_301 = vector.broadcast %add3A_300 : i32 to vector<16xi32>
    %add3A_302 = arith.addi %iota3A, %add3A_301 : vector<16xi32>
    %swap3A_303 = arith.constant 0 : i32
    %swap3A_304 = arith.index_cast %swap3A_303 : i32 to index
    %swap3A_305 = arith.constant 112 : index
    %swap3A_306 = tpu.vector_load %arg10[%swap3A_304, %swap3A_305] {strides = array<i32>} : memref<5x128xi32, #tpu.memory_space<vmem>>, vector<16xi32>,
    tpu.vector_store %arg10[%swap3A_304, %swap3A_305], %add3A_302 {strides = array<i32>} : memref<5x128xi32, #tpu.memory_space<vmem>>, vector<16xi32>,
    %add3A_307 = arith.constant 128 : i32
    %add3A_308 = vector.broadcast %add3A_307 : i32 to vector<16xi32>
    %add3A_309 = arith.addi %iota3A, %add3A_308 : vector<16xi32>
    %swap3A_310 = arith.constant 1 : i32
    %swap3A_311 = arith.index_cast %swap3A_310 : i32 to index
    %swap3A_312 = arith.constant 0 : index
    %swap3A_313 = tpu.vector_load %arg10[%swap3A_311, %swap3A_312] {strides = array<i32>} : memref<5x128xi32, #tpu.memory_space<vmem>>, vector<16xi32>,
    tpu.vector_store %arg10[%swap3A_311, %swap3A_312], %add3A_309 {strides = array<i32>} : memref<5x128xi32, #tpu.memory_space<vmem>>, vector<16xi32>,
    %add3A_314 = arith.constant 144 : i32
    %add3A_315 = vector.broadcast %add3A_314 : i32 to vector<16xi32>
    %add3A_316 = arith.addi %iota3A, %add3A_315 : vector<16xi32>
    %swap3A_317 = arith.constant 1 : i32
    %swap3A_318 = arith.index_cast %swap3A_317 : i32 to index
    %swap3A_319 = arith.constant 16 : index
    %swap3A_320 = tpu.vector_load %arg10[%swap3A_318, %swap3A_319] {strides = array<i32>} : memref<5x128xi32, #tpu.memory_space<vmem>>, vector<16xi32>,
    tpu.vector_store %arg10[%swap3A_318, %swap3A_319], %add3A_316 {strides = array<i32>} : memref<5x128xi32, #tpu.memory_space<vmem>>, vector<16xi32>,
    %add3A_321 = arith.constant 160 : i32
    %add3A_322 = vector.broadcast %add3A_321 : i32 to vector<16xi32>
    %add3A_323 = arith.addi %iota3A, %add3A_322 : vector<16xi32>
    %swap3A_324 = arith.constant 1 : i32
    %swap3A_325 = arith.index_cast %swap3A_324 : i32 to index
    %swap3A_326 = arith.constant 32 : index
    %swap3A_327 = tpu.vector_load %arg10[%swap3A_325, %swap3A_326] {strides = array<i32>} : memref<5x128xi32, #tpu.memory_space<vmem>>, vector<16xi32>,
    tpu.vector_store %arg10[%swap3A_325, %swap3A_326], %add3A_323 {strides = array<i32>} : memref<5x128xi32, #tpu.memory_space<vmem>>, vector<16xi32>,
    %add3A_328 = arith.constant 176 : i32
    %add3A_329 = vector.broadcast %add3A_328 : i32 to vector<16xi32>
    %add3A_330 = arith.addi %iota3A, %add3A_329 : vector<16xi32>
    %swap3A_331 = arith.constant 1 : i32
    %swap3A_332 = arith.index_cast %swap3A_331 : i32 to index
    %swap3A_333 = arith.constant 48 : index
    %swap3A_334 = tpu.vector_load %arg10[%swap3A_332, %swap3A_333] {strides = array<i32>} : memref<5x128xi32, #tpu.memory_space<vmem>>, vector<16xi32>,
    tpu.vector_store %arg10[%swap3A_332, %swap3A_333], %add3A_330 {strides = array<i32>} : memref<5x128xi32, #tpu.memory_space<vmem>>, vector<16xi32>,
    %add3A_335 = arith.constant 192 : i32
    %add3A_336 = vector.broadcast %add3A_335 : i32 to vector<16xi32>
    %add3A_337 = arith.addi %iota3A, %add3A_336 : vector<16xi32>
    %swap3A_338 = arith.constant 1 : i32
    %swap3A_339 = arith.index_cast %swap3A_338 : i32 to index
    %swap3A_340 = arith.constant 64 : index
    %swap3A_341 = tpu.vector_load %arg10[%swap3A_339, %swap3A_340] {strides = array<i32>} : memref<5x128xi32, #tpu.memory_space<vmem>>, vector<16xi32>,
    tpu.vector_store %arg10[%swap3A_339, %swap3A_340], %add3A_337 {strides = array<i32>} : memref<5x128xi32, #tpu.memory_space<vmem>>, vector<16xi32>,
    %add3A_342 = arith.constant 208 : i32
    %add3A_343 = vector.broadcast %add3A_342 : i32 to vector<16xi32>
    %add3A_344 = arith.addi %iota3A, %add3A_343 : vector<16xi32>
    %swap3A_345 = arith.constant 1 : i32
    %swap3A_346 = arith.index_cast %swap3A_345 : i32 to index
    %swap3A_347 = arith.constant 80 : index
    %swap3A_348 = tpu.vector_load %arg10[%swap3A_346, %swap3A_347] {strides = array<i32>} : memref<5x128xi32, #tpu.memory_space<vmem>>, vector<16xi32>,
    tpu.vector_store %arg10[%swap3A_346, %swap3A_347], %add3A_344 {strides = array<i32>} : memref<5x128xi32, #tpu.memory_space<vmem>>, vector<16xi32>,
    %add3A_349 = arith.constant 224 : i32
    %add3A_350 = vector.broadcast %add3A_349 : i32 to vector<16xi32>
    %add3A_351 = arith.addi %iota3A, %add3A_350 : vector<16xi32>
    %swap3A_352 = arith.constant 1 : i32
    %swap3A_353 = arith.index_cast %swap3A_352 : i32 to index
    %swap3A_354 = arith.constant 96 : index
    %swap3A_355 = tpu.vector_load %arg10[%swap3A_353, %swap3A_354] {strides = array<i32>} : memref<5x128xi32, #tpu.memory_space<vmem>>, vector<16xi32>,
    tpu.vector_store %arg10[%swap3A_353, %swap3A_354], %add3A_351 {strides = array<i32>} : memref<5x128xi32, #tpu.memory_space<vmem>>, vector<16xi32>,
    %add3A_356 = arith.constant 240 : i32
    %add3A_357 = vector.broadcast %add3A_356 : i32 to vector<16xi32>
    %add3A_358 = arith.addi %iota3A, %add3A_357 : vector<16xi32>
    %swap3A_359 = arith.constant 1 : i32
    %swap3A_360 = arith.index_cast %swap3A_359 : i32 to index
    %swap3A_361 = arith.constant 112 : index
    %swap3A_362 = tpu.vector_load %arg10[%swap3A_360, %swap3A_361] {strides = array<i32>} : memref<5x128xi32, #tpu.memory_space<vmem>>, vector<16xi32>,
    tpu.vector_store %arg10[%swap3A_360, %swap3A_361], %add3A_358 {strides = array<i32>} : memref<5x128xi32, #tpu.memory_space<vmem>>, vector<16xi32>,
    %add3A_363 = arith.constant 256 : i32
    %add3A_364 = vector.broadcast %add3A_363 : i32 to vector<16xi32>
    %add3A_365 = arith.addi %iota3A, %add3A_364 : vector<16xi32>
    %swap3A_366 = arith.constant 2 : i32
    %swap3A_367 = arith.index_cast %swap3A_366 : i32 to index
    %swap3A_368 = arith.constant 0 : index
    %swap3A_369 = tpu.vector_load %arg10[%swap3A_367, %swap3A_368] {strides = array<i32>} : memref<5x128xi32, #tpu.memory_space<vmem>>, vector<16xi32>,
    tpu.vector_store %arg10[%swap3A_367, %swap3A_368], %add3A_365 {strides = array<i32>} : memref<5x128xi32, #tpu.memory_space<vmem>>, vector<16xi32>,
    %add3A_370 = arith.constant 272 : i32
    %add3A_371 = vector.broadcast %add3A_370 : i32 to vector<16xi32>
    %add3A_372 = arith.addi %iota3A, %add3A_371 : vector<16xi32>
    %swap3A_373 = arith.constant 2 : i32
    %swap3A_374 = arith.index_cast %swap3A_373 : i32 to index
    %swap3A_375 = arith.constant 16 : index
    %swap3A_376 = tpu.vector_load %arg10[%swap3A_374, %swap3A_375] {strides = array<i32>} : memref<5x128xi32, #tpu.memory_space<vmem>>, vector<16xi32>,
    tpu.vector_store %arg10[%swap3A_374, %swap3A_375], %add3A_372 {strides = array<i32>} : memref<5x128xi32, #tpu.memory_space<vmem>>, vector<16xi32>,
    %add3A_377 = arith.constant 288 : i32
    %add3A_378 = vector.broadcast %add3A_377 : i32 to vector<16xi32>
    %add3A_379 = arith.addi %iota3A, %add3A_378 : vector<16xi32>
    %swap3A_380 = arith.constant 2 : i32
    %swap3A_381 = arith.index_cast %swap3A_380 : i32 to index
    %swap3A_382 = arith.constant 32 : index
    %swap3A_383 = tpu.vector_load %arg10[%swap3A_381, %swap3A_382] {strides = array<i32>} : memref<5x128xi32, #tpu.memory_space<vmem>>, vector<16xi32>,
    tpu.vector_store %arg10[%swap3A_381, %swap3A_382], %add3A_379 {strides = array<i32>} : memref<5x128xi32, #tpu.memory_space<vmem>>, vector<16xi32>,
    %add3A_384 = arith.constant 304 : i32
    %add3A_385 = vector.broadcast %add3A_384 : i32 to vector<16xi32>
    %add3A_386 = arith.addi %iota3A, %add3A_385 : vector<16xi32>
    %swap3A_387 = arith.constant 2 : i32
    %swap3A_388 = arith.index_cast %swap3A_387 : i32 to index
    %swap3A_389 = arith.constant 48 : index
    %swap3A_390 = tpu.vector_load %arg10[%swap3A_388, %swap3A_389] {strides = array<i32>} : memref<5x128xi32, #tpu.memory_space<vmem>>, vector<16xi32>,
    tpu.vector_store %arg10[%swap3A_388, %swap3A_389], %add3A_386 {strides = array<i32>} : memref<5x128xi32, #tpu.memory_space<vmem>>, vector<16xi32>,
    %add3A_391 = arith.constant 320 : i32
    %add3A_392 = vector.broadcast %add3A_391 : i32 to vector<16xi32>
    %add3A_393 = arith.addi %iota3A, %add3A_392 : vector<16xi32>
    %swap3A_394 = arith.constant 2 : i32
    %swap3A_395 = arith.index_cast %swap3A_394 : i32 to index
    %swap3A_396 = arith.constant 64 : index
    %swap3A_397 = tpu.vector_load %arg10[%swap3A_395, %swap3A_396] {strides = array<i32>} : memref<5x128xi32, #tpu.memory_space<vmem>>, vector<16xi32>,
    tpu.vector_store %arg10[%swap3A_395, %swap3A_396], %add3A_393 {strides = array<i32>} : memref<5x128xi32, #tpu.memory_space<vmem>>, vector<16xi32>,
    %add3A_398 = arith.constant 336 : i32
    %add3A_399 = vector.broadcast %add3A_398 : i32 to vector<16xi32>
    %add3A_400 = arith.addi %iota3A, %add3A_399 : vector<16xi32>
    %swap3A_401 = arith.constant 2 : i32
    %swap3A_402 = arith.index_cast %swap3A_401 : i32 to index
    %swap3A_403 = arith.constant 80 : index
    %swap3A_404 = tpu.vector_load %arg10[%swap3A_402, %swap3A_403] {strides = array<i32>} : memref<5x128xi32, #tpu.memory_space<vmem>>, vector<16xi32>,
    tpu.vector_store %arg10[%swap3A_402, %swap3A_403], %add3A_400 {strides = array<i32>} : memref<5x128xi32, #tpu.memory_space<vmem>>, vector<16xi32>,
    %add3A_405 = arith.constant 352 : i32
    %add3A_406 = vector.broadcast %add3A_405 : i32 to vector<16xi32>
    %add3A_407 = arith.addi %iota3A, %add3A_406 : vector<16xi32>
    %swap3A_408 = arith.constant 2 : i32
    %swap3A_409 = arith.index_cast %swap3A_408 : i32 to index
    %swap3A_410 = arith.constant 96 : index
    %swap3A_411 = tpu.vector_load %arg10[%swap3A_409, %swap3A_410] {strides = array<i32>} : memref<5x128xi32, #tpu.memory_space<vmem>>, vector<16xi32>,
    tpu.vector_store %arg10[%swap3A_409, %swap3A_410], %add3A_407 {strides = array<i32>} : memref<5x128xi32, #tpu.memory_space<vmem>>, vector<16xi32>,
    %add3A_412 = arith.constant 368 : i32
    %add3A_413 = vector.broadcast %add3A_412 : i32 to vector<16xi32>
    %add3A_414 = arith.addi %iota3A, %add3A_413 : vector<16xi32>
    %swap3A_415 = arith.constant 2 : i32
    %swap3A_416 = arith.index_cast %swap3A_415 : i32 to index
    %swap3A_417 = arith.constant 112 : index
    %swap3A_418 = tpu.vector_load %arg10[%swap3A_416, %swap3A_417] {strides = array<i32>} : memref<5x128xi32, #tpu.memory_space<vmem>>, vector<16xi32>,
    tpu.vector_store %arg10[%swap3A_416, %swap3A_417], %add3A_414 {strides = array<i32>} : memref<5x128xi32, #tpu.memory_space<vmem>>, vector<16xi32>,
    %add3A_419 = arith.constant 384 : i32
    %add3A_420 = vector.broadcast %add3A_419 : i32 to vector<16xi32>
    %add3A_421 = arith.addi %iota3A, %add3A_420 : vector<16xi32>
    %swap3A_422 = arith.constant 3 : i32
    %swap3A_423 = arith.index_cast %swap3A_422 : i32 to index
    %swap3A_424 = arith.constant 0 : index
    %swap3A_425 = tpu.vector_load %arg10[%swap3A_423, %swap3A_424] {strides = array<i32>} : memref<5x128xi32, #tpu.memory_space<vmem>>, vector<16xi32>,
    tpu.vector_store %arg10[%swap3A_423, %swap3A_424], %add3A_421 {strides = array<i32>} : memref<5x128xi32, #tpu.memory_space<vmem>>, vector<16xi32>,
    %add3A_426 = arith.constant 400 : i32
    %add3A_427 = vector.broadcast %add3A_426 : i32 to vector<16xi32>
    %add3A_428 = arith.addi %iota3A, %add3A_427 : vector<16xi32>
    %swap3A_429 = arith.constant 3 : i32
    %swap3A_430 = arith.index_cast %swap3A_429 : i32 to index
    %swap3A_431 = arith.constant 16 : index
    %swap3A_432 = tpu.vector_load %arg10[%swap3A_430, %swap3A_431] {strides = array<i32>} : memref<5x128xi32, #tpu.memory_space<vmem>>, vector<16xi32>,
    tpu.vector_store %arg10[%swap3A_430, %swap3A_431], %add3A_428 {strides = array<i32>} : memref<5x128xi32, #tpu.memory_space<vmem>>, vector<16xi32>,
    %add3A_433 = arith.constant 416 : i32
    %add3A_434 = vector.broadcast %add3A_433 : i32 to vector<16xi32>
    %add3A_435 = arith.addi %iota3A, %add3A_434 : vector<16xi32>
    %swap3A_436 = arith.constant 3 : i32
    %swap3A_437 = arith.index_cast %swap3A_436 : i32 to index
    %swap3A_438 = arith.constant 32 : index
    %swap3A_439 = tpu.vector_load %arg10[%swap3A_437, %swap3A_438] {strides = array<i32>} : memref<5x128xi32, #tpu.memory_space<vmem>>, vector<16xi32>,
    tpu.vector_store %arg10[%swap3A_437, %swap3A_438], %add3A_435 {strides = array<i32>} : memref<5x128xi32, #tpu.memory_space<vmem>>, vector<16xi32>,
    %add3A_440 = arith.constant 432 : i32
    %add3A_441 = vector.broadcast %add3A_440 : i32 to vector<16xi32>
    %add3A_442 = arith.addi %iota3A, %add3A_441 : vector<16xi32>
    %swap3A_443 = arith.constant 3 : i32
    %swap3A_444 = arith.index_cast %swap3A_443 : i32 to index
    %swap3A_445 = arith.constant 48 : index
    %swap3A_446 = tpu.vector_load %arg10[%swap3A_444, %swap3A_445] {strides = array<i32>} : memref<5x128xi32, #tpu.memory_space<vmem>>, vector<16xi32>,
    tpu.vector_store %arg10[%swap3A_444, %swap3A_445], %add3A_442 {strides = array<i32>} : memref<5x128xi32, #tpu.memory_space<vmem>>, vector<16xi32>,
    %add3A_447 = arith.constant 448 : i32
    %add3A_448 = vector.broadcast %add3A_447 : i32 to vector<16xi32>
    %add3A_449 = arith.addi %iota3A, %add3A_448 : vector<16xi32>
    %swap3A_450 = arith.constant 3 : i32
    %swap3A_451 = arith.index_cast %swap3A_450 : i32 to index
    %swap3A_452 = arith.constant 64 : index
    %swap3A_453 = tpu.vector_load %arg10[%swap3A_451, %swap3A_452] {strides = array<i32>} : memref<5x128xi32, #tpu.memory_space<vmem>>, vector<16xi32>,
    tpu.vector_store %arg10[%swap3A_451, %swap3A_452], %add3A_449 {strides = array<i32>} : memref<5x128xi32, #tpu.memory_space<vmem>>, vector<16xi32>,
    %add3A_454 = arith.constant 464 : i32
    %add3A_455 = vector.broadcast %add3A_454 : i32 to vector<16xi32>
    %add3A_456 = arith.addi %iota3A, %add3A_455 : vector<16xi32>
    %swap3A_457 = arith.constant 3 : i32
    %swap3A_458 = arith.index_cast %swap3A_457 : i32 to index
    %swap3A_459 = arith.constant 80 : index
    %swap3A_460 = tpu.vector_load %arg10[%swap3A_458, %swap3A_459] {strides = array<i32>} : memref<5x128xi32, #tpu.memory_space<vmem>>, vector<16xi32>,
    tpu.vector_store %arg10[%swap3A_458, %swap3A_459], %add3A_456 {strides = array<i32>} : memref<5x128xi32, #tpu.memory_space<vmem>>, vector<16xi32>,
    %add3A_461 = arith.constant 480 : i32
    %add3A_462 = vector.broadcast %add3A_461 : i32 to vector<16xi32>
    %add3A_463 = arith.addi %iota3A, %add3A_462 : vector<16xi32>
    %swap3A_464 = arith.constant 3 : i32
    %swap3A_465 = arith.index_cast %swap3A_464 : i32 to index
    %swap3A_466 = arith.constant 96 : index
    %swap3A_467 = tpu.vector_load %arg10[%swap3A_465, %swap3A_466] {strides = array<i32>} : memref<5x128xi32, #tpu.memory_space<vmem>>, vector<16xi32>,
    tpu.vector_store %arg10[%swap3A_465, %swap3A_466], %add3A_463 {strides = array<i32>} : memref<5x128xi32, #tpu.memory_space<vmem>>, vector<16xi32>,
    %add3A_468 = arith.constant 496 : i32
    %add3A_469 = vector.broadcast %add3A_468 : i32 to vector<16xi32>
    %add3A_470 = arith.addi %iota3A, %add3A_469 : vector<16xi32>
    %swap3A_471 = arith.constant 3 : i32
    %swap3A_472 = arith.index_cast %swap3A_471 : i32 to index
    %swap3A_473 = arith.constant 112 : index
    %swap3A_474 = tpu.vector_load %arg10[%swap3A_472, %swap3A_473] {strides = array<i32>} : memref<5x128xi32, #tpu.memory_space<vmem>>, vector<16xi32>,
    tpu.vector_store %arg10[%swap3A_472, %swap3A_473], %add3A_470 {strides = array<i32>} : memref<5x128xi32, #tpu.memory_space<vmem>>, vector<16xi32>,
    %add3A_475 = arith.constant 512 : i32
    %add3A_476 = vector.broadcast %add3A_475 : i32 to vector<16xi32>
    %add3A_477 = arith.addi %iota3A, %add3A_476 : vector<16xi32>
    %swap3A_478 = arith.constant 4 : i32
    %swap3A_479 = arith.index_cast %swap3A_478 : i32 to index
    %swap3A_480 = arith.constant 0 : index
    %swap3A_481 = tpu.vector_load %arg10[%swap3A_479, %swap3A_480] {strides = array<i32>} : memref<5x128xi32, #tpu.memory_space<vmem>>, vector<16xi32>,
    tpu.vector_store %arg10[%swap3A_479, %swap3A_480], %add3A_477 {strides = array<i32>} : memref<5x128xi32, #tpu.memory_space<vmem>>, vector<16xi32>,
    %add3A_482 = arith.constant 528 : i32
    %add3A_483 = vector.broadcast %add3A_482 : i32 to vector<16xi32>
    %add3A_484 = arith.addi %iota3A, %add3A_483 : vector<16xi32>
    %swap3A_485 = arith.constant 4 : i32
    %swap3A_486 = arith.index_cast %swap3A_485 : i32 to index
    %swap3A_487 = arith.constant 16 : index
    %swap3A_488 = tpu.vector_load %arg10[%swap3A_486, %swap3A_487] {strides = array<i32>} : memref<5x128xi32, #tpu.memory_space<vmem>>, vector<16xi32>,
    tpu.vector_store %arg10[%swap3A_486, %swap3A_487], %add3A_484 {strides = array<i32>} : memref<5x128xi32, #tpu.memory_space<vmem>>, vector<16xi32>,
    %add3A_489 = arith.constant 544 : i32
    %add3A_490 = vector.broadcast %add3A_489 : i32 to vector<16xi32>
    %add3A_491 = arith.addi %iota3A, %add3A_490 : vector<16xi32>
    %swap3A_492 = arith.constant 4 : i32
    %swap3A_493 = arith.index_cast %swap3A_492 : i32 to index
    %swap3A_494 = arith.constant 32 : index
    %swap3A_495 = tpu.vector_load %arg10[%swap3A_493, %swap3A_494] {strides = array<i32>} : memref<5x128xi32, #tpu.memory_space<vmem>>, vector<16xi32>,
    tpu.vector_store %arg10[%swap3A_493, %swap3A_494], %add3A_491 {strides = array<i32>} : memref<5x128xi32, #tpu.memory_space<vmem>>, vector<16xi32>,
    %add3A_496 = arith.constant 560 : i32
    %add3A_497 = vector.broadcast %add3A_496 : i32 to vector<16xi32>
    %add3A_498 = arith.addi %iota3A, %add3A_497 : vector<16xi32>
    %swap3A_499 = arith.constant 4 : i32
    %swap3A_500 = arith.index_cast %swap3A_499 : i32 to index
    %swap3A_501 = arith.constant 48 : index
    %swap3A_502 = tpu.vector_load %arg10[%swap3A_500, %swap3A_501] {strides = array<i32>} : memref<5x128xi32, #tpu.memory_space<vmem>>, vector<16xi32>,
    tpu.vector_store %arg10[%swap3A_500, %swap3A_501], %add3A_498 {strides = array<i32>} : memref<5x128xi32, #tpu.memory_space<vmem>>, vector<16xi32>,
    %add3A_503 = arith.constant 576 : i32
    %add3A_504 = vector.broadcast %add3A_503 : i32 to vector<16xi32>
    %add3A_505 = arith.addi %iota3A, %add3A_504 : vector<16xi32>
    %swap3A_506 = arith.constant 4 : i32
    %swap3A_507 = arith.index_cast %swap3A_506 : i32 to index
    %swap3A_508 = arith.constant 64 : index
    %swap3A_509 = tpu.vector_load %arg10[%swap3A_507, %swap3A_508] {strides = array<i32>} : memref<5x128xi32, #tpu.memory_space<vmem>>, vector<16xi32>,
    tpu.vector_store %arg10[%swap3A_507, %swap3A_508], %add3A_505 {strides = array<i32>} : memref<5x128xi32, #tpu.memory_space<vmem>>, vector<16xi32>,
    %add3A_510 = arith.constant 592 : i32
    %add3A_511 = vector.broadcast %add3A_510 : i32 to vector<16xi32>
    %add3A_512 = arith.addi %iota3A, %add3A_511 : vector<16xi32>
    %swap3A_513 = arith.constant 4 : i32
    %swap3A_514 = arith.index_cast %swap3A_513 : i32 to index
    %swap3A_515 = arith.constant 80 : index
    %swap3A_516 = tpu.vector_load %arg10[%swap3A_514, %swap3A_515] {strides = array<i32>} : memref<5x128xi32, #tpu.memory_space<vmem>>, vector<16xi32>,
    tpu.vector_store %arg10[%swap3A_514, %swap3A_515], %add3A_512 {strides = array<i32>} : memref<5x128xi32, #tpu.memory_space<vmem>>, vector<16xi32>,
    %add3A_517 = arith.constant 608 : i32
    %add3A_518 = vector.broadcast %add3A_517 : i32 to vector<16xi32>
    %add3A_519 = arith.addi %iota3A, %add3A_518 : vector<16xi32>
    %swap3A_520 = arith.constant 4 : i32
    %swap3A_521 = arith.index_cast %swap3A_520 : i32 to index
    %swap3A_522 = arith.constant 96 : index
    %swap3A_523 = tpu.vector_load %arg10[%swap3A_521, %swap3A_522] {strides = array<i32>} : memref<5x128xi32, #tpu.memory_space<vmem>>, vector<16xi32>,
    tpu.vector_store %arg10[%swap3A_521, %swap3A_522], %add3A_519 {strides = array<i32>} : memref<5x128xi32, #tpu.memory_space<vmem>>, vector<16xi32>,
    %add3A_524 = arith.constant 624 : i32
    %add3A_525 = vector.broadcast %add3A_524 : i32 to vector<16xi32>
    %add3A_526 = arith.addi %iota3A, %add3A_525 : vector<16xi32>
    %swap3A_527 = arith.constant 4 : i32
    %swap3A_528 = arith.index_cast %swap3A_527 : i32 to index
    %swap3A_529 = arith.constant 112 : index
    %swap3A_530 = tpu.vector_load %arg10[%swap3A_528, %swap3A_529] {strides = array<i32>} : memref<5x128xi32, #tpu.memory_space<vmem>>, vector<16xi32>,
    tpu.vector_store %arg10[%swap3A_528, %swap3A_529], %add3A_526 {strides = array<i32>} : memref<5x128xi32, #tpu.memory_space<vmem>>, vector<16xi32>,
    %mul3A_531 = arith.constant 40 : i32
    %mul3A_532 = arith.muli %arg1, %mul3A_531 : i32
    "tpu.region"() ({
      %run_scoped3A_635 = tpu.sem_alloc : memref<!tpu.dma_semaphore, #tpu.memory_space<semaphore_mem>>
      %dma_start3A_636 = arith.constant 0 : i32
      %dma_start3A_637 = tpu.memref_slice %arg18[%mul3A_532, %dma_start3A_636] : memref<640x16xf32, #tpu.memory_space<vmem_shared>> -> memref<40x16xf32, #tpu.memory_space<vmem_shared>>
      %dma_start3A_638 = arith.constant 0 : i32
      %dma_start3A_639 = tpu.memref_slice %arg18[%mul3A_532, %dma_start3A_638] : memref<640x16xf32, #tpu.memory_space<vmem_shared>> -> memref<40x16xf32, #tpu.memory_space<vmem_shared>>
      tpu.enqueue_dma source(%arg9 : memref<40x16xf32, #tpu.memory_space<vmem>>) target(%dma_start3A_639 : memref<40x16xf32, #tpu.memory_space<vmem_shared>>) target_semaphore(%run_scoped3A_635 : memref<!tpu.dma_semaphore, #tpu.memory_space<semaphore_mem>>)
      %dma_wait3A = arith.constant 0 : i32
      %dma_wait3A_640 = tpu.memref_slice %arg18[%mul3A_532, %dma_wait3A] : memref<640x16xf32, #tpu.memory_space<vmem_shared>> -> memref<40x16xf32, #tpu.memory_space<vmem_shared>>
      %dma_wait3A_641 = arith.constant 0 : i32
      %dma_wait3A_642 = tpu.memref_slice %arg18[%mul3A_532, %dma_wait3A_641] : memref<640x16xf32, #tpu.memory_space<vmem_shared>> -> memref<40x16xf32, #tpu.memory_space<vmem_shared>>
      tpu.wait_dma2 semaphore(%run_scoped3A_635 : memref<!tpu.dma_semaphore, #tpu.memory_space<semaphore_mem>>) src(%arg9 : memref<40x16xf32, #tpu.memory_space<vmem>>) dst(%dma_wait3A_642 : memref<40x16xf32, #tpu.memory_space<vmem_shared>>)
      tpu.yield
    }) : () -> ()
    %scan3A = arith.constant 0 : i32
    %scan3A_533 = arith.constant 0 : i32
    %scan3A_534 = arith.constant 640 : i32
    %scan3A_535 = arith.addi %scan3A_533, %scan3A_534 : i32
    %scan3A_536 = arith.constant 1 : i32
    scf.for %scan3A_635 = %scan3A_533 to %scan3A_535 step %scan3A_536  : i32 {
      %broadcast_in_dim3A_636 = arith.constant 0.000000e+00 : f32
      %broadcast_in_dim3A_637 = vector.broadcast %broadcast_in_dim3A_636 : f32 to vector<16xf32>
      %swap3A_638 = arith.index_cast %scan3A_635 : i32 to index
      %swap3A_639 = arith.constant 0 : index
      %swap3A_640 = tpu.vector_load %arg11[%swap3A_638, %swap3A_639] {strides = array<i32>} : memref<640x16xf32, #tpu.memory_space<vmem>>, vector<16xf32>,
      tpu.vector_store %arg11[%swap3A_638, %swap3A_639], %broadcast_in_dim3A_637 {strides = array<i32>} : memref<640x16xf32, #tpu.memory_space<vmem>>, vector<16xf32>,
    }
    %scan3A_537 = arith.constant 640 : i32
    %run_scoped3A = arith.constant 1 : i32
    "tpu.region"() ({
      %run_scoped3A_635 = tpu.sem_alloc : memref<!tpu.dma_semaphore, #tpu.memory_space<semaphore_mem>>
      %dma_start3A_636 = arith.constant 0 : i32
      %dma_start3A_637 = arith.constant 0 : i32
      %dma_start3A_638 = tpu.memref_slice %arg6[%dma_start3A_636, %dma_start3A_637] : memref<157x128xi32, #tpu.memory_space<vmem>> -> memref<156x128xi32, #tpu.memory_space<vmem>>
      %dma_start3A_639 = arith.constant 0 : i32
      %dma_start3A_640 = tpu.memref_slice %arg2[%run_scoped3A, %add3A_10, %dma_start3A_639] : memref<2x2500x128xi32, #tpu.memory_space<hbm>> -> memref<1x156x128xi32, #tpu.memory_space<hbm>>
      %dma_start3A_641 = tpu.memref_squeeze %dma_start3A_640 : memref<1x156x128xi32, #tpu.memory_space<hbm>> -> memref<156x128xi32, #tpu.memory_space<hbm>>
      %dma_start3A_642 = arith.constant 0 : i32
      %dma_start3A_643 = arith.constant 0 : i32
      %dma_start3A_644 = tpu.memref_slice %arg6[%dma_start3A_642, %dma_start3A_643] : memref<157x128xi32, #tpu.memory_space<vmem>> -> memref<156x128xi32, #tpu.memory_space<vmem>>
      %dma_start3A_645 = arith.constant 0 : i32
      %dma_start3A_646 = tpu.memref_slice %arg2[%run_scoped3A, %add3A_10, %dma_start3A_645] : memref<2x2500x128xi32, #tpu.memory_space<hbm>> -> memref<1x156x128xi32, #tpu.memory_space<hbm>>
      %dma_start3A_647 = tpu.memref_squeeze %dma_start3A_646 : memref<1x156x128xi32, #tpu.memory_space<hbm>> -> memref<156x128xi32, #tpu.memory_space<hbm>>
      tpu.enqueue_dma source(%dma_start3A_647 : memref<156x128xi32, #tpu.memory_space<hbm>>) target(%dma_start3A_644 : memref<156x128xi32, #tpu.memory_space<vmem>>) target_semaphore(%run_scoped3A_635 : memref<!tpu.dma_semaphore, #tpu.memory_space<semaphore_mem>>)
      %dma_wait3A = arith.constant 0 : i32
      %dma_wait3A_648 = arith.constant 0 : i32
      %dma_wait3A_649 = tpu.memref_slice %arg6[%dma_wait3A, %dma_wait3A_648] : memref<157x128xi32, #tpu.memory_space<vmem>> -> memref<156x128xi32, #tpu.memory_space<vmem>>
      %dma_wait3A_650 = arith.constant 0 : i32
      %dma_wait3A_651 = tpu.memref_slice %arg2[%run_scoped3A, %add3A_10, %dma_wait3A_650] : memref<2x2500x128xi32, #tpu.memory_space<hbm>> -> memref<1x156x128xi32, #tpu.memory_space<hbm>>
      %dma_wait3A_652 = tpu.memref_squeeze %dma_wait3A_651 : memref<1x156x128xi32, #tpu.memory_space<hbm>> -> memref<156x128xi32, #tpu.memory_space<hbm>>
      %dma_wait3A_653 = arith.constant 0 : i32
      %dma_wait3A_654 = arith.constant 0 : i32
      %dma_wait3A_655 = tpu.memref_slice %arg6[%dma_wait3A_653, %dma_wait3A_654] : memref<157x128xi32, #tpu.memory_space<vmem>> -> memref<156x128xi32, #tpu.memory_space<vmem>>
      %dma_wait3A_656 = arith.constant 0 : i32
      %dma_wait3A_657 = tpu.memref_slice %arg2[%run_scoped3A, %add3A_10, %dma_wait3A_656] : memref<2x2500x128xi32, #tpu.memory_space<hbm>> -> memref<1x156x128xi32, #tpu.memory_space<hbm>>
      %dma_wait3A_658 = tpu.memref_squeeze %dma_wait3A_657 : memref<1x156x128xi32, #tpu.memory_space<hbm>> -> memref<156x128xi32, #tpu.memory_space<hbm>>
      tpu.wait_dma2 semaphore(%run_scoped3A_635 : memref<!tpu.dma_semaphore, #tpu.memory_space<semaphore_mem>>) src(%dma_wait3A_658 : memref<156x128xi32, #tpu.memory_space<hbm>>) dst(%dma_wait3A_655 : memref<156x128xi32, #tpu.memory_space<vmem>>)
      tpu.yield
    }) : () -> ()
    %run_scoped3A_538 = arith.constant 0 : i32
    "tpu.region"() ({
      %run_scoped3A_635 = tpu.sem_alloc : memref<!tpu.dma_semaphore, #tpu.memory_space<semaphore_mem>>
      %dma_start3A_636 = arith.constant 0 : i32
      %dma_start3A_637 = arith.constant 0 : i32
      %dma_start3A_638 = tpu.memref_slice %arg7[%dma_start3A_636, %dma_start3A_637] : memref<79x128xi32, #tpu.memory_space<vmem>> -> memref<78x128xi32, #tpu.memory_space<vmem>>
      %dma_start3A_639 = arith.constant 0 : i32
      %dma_start3A_640 = tpu.memref_slice %arg2[%run_scoped3A_538, %add3A_4, %dma_start3A_639] : memref<2x2500x128xi32, #tpu.memory_space<hbm>> -> memref<1x78x128xi32, #tpu.memory_space<hbm>>
      %dma_start3A_641 = tpu.memref_squeeze %dma_start3A_640 : memref<1x78x128xi32, #tpu.memory_space<hbm>> -> memref<78x128xi32, #tpu.memory_space<hbm>>
      %dma_start3A_642 = arith.constant 0 : i32
      %dma_start3A_643 = arith.constant 0 : i32
      %dma_start3A_644 = tpu.memref_slice %arg7[%dma_start3A_642, %dma_start3A_643] : memref<79x128xi32, #tpu.memory_space<vmem>> -> memref<78x128xi32, #tpu.memory_space<vmem>>
      %dma_start3A_645 = arith.constant 0 : i32
      %dma_start3A_646 = tpu.memref_slice %arg2[%run_scoped3A_538, %add3A_4, %dma_start3A_645] : memref<2x2500x128xi32, #tpu.memory_space<hbm>> -> memref<1x78x128xi32, #tpu.memory_space<hbm>>
      %dma_start3A_647 = tpu.memref_squeeze %dma_start3A_646 : memref<1x78x128xi32, #tpu.memory_space<hbm>> -> memref<78x128xi32, #tpu.memory_space<hbm>>
      tpu.enqueue_dma source(%dma_start3A_647 : memref<78x128xi32, #tpu.memory_space<hbm>>) target(%dma_start3A_644 : memref<78x128xi32, #tpu.memory_space<vmem>>) target_semaphore(%run_scoped3A_635 : memref<!tpu.dma_semaphore, #tpu.memory_space<semaphore_mem>>)
      %dma_wait3A = arith.constant 0 : i32
      %dma_wait3A_648 = arith.constant 0 : i32
      %dma_wait3A_649 = tpu.memref_slice %arg7[%dma_wait3A, %dma_wait3A_648] : memref<79x128xi32, #tpu.memory_space<vmem>> -> memref<78x128xi32, #tpu.memory_space<vmem>>
      %dma_wait3A_650 = arith.constant 0 : i32
      %dma_wait3A_651 = tpu.memref_slice %arg2[%run_scoped3A_538, %add3A_4, %dma_wait3A_650] : memref<2x2500x128xi32, #tpu.memory_space<hbm>> -> memref<1x78x128xi32, #tpu.memory_space<hbm>>
      %dma_wait3A_652 = tpu.memref_squeeze %dma_wait3A_651 : memref<1x78x128xi32, #tpu.memory_space<hbm>> -> memref<78x128xi32, #tpu.memory_space<hbm>>
      %dma_wait3A_653 = arith.constant 0 : i32
      %dma_wait3A_654 = arith.constant 0 : i32
      %dma_wait3A_655 = tpu.memref_slice %arg7[%dma_wait3A_653, %dma_wait3A_654] : memref<79x128xi32, #tpu.memory_space<vmem>> -> memref<78x128xi32, #tpu.memory_space<vmem>>
      %dma_wait3A_656 = arith.constant 0 : i32
      %dma_wait3A_657 = tpu.memref_slice %arg2[%run_scoped3A_538, %add3A_4, %dma_wait3A_656] : memref<2x2500x128xi32, #tpu.memory_space<hbm>> -> memref<1x78x128xi32, #tpu.memory_space<hbm>>
      %dma_wait3A_658 = tpu.memref_squeeze %dma_wait3A_657 : memref<1x78x128xi32, #tpu.memory_space<hbm>> -> memref<78x128xi32, #tpu.memory_space<hbm>>
      tpu.wait_dma2 semaphore(%run_scoped3A_635 : memref<!tpu.dma_semaphore, #tpu.memory_space<semaphore_mem>>) src(%dma_wait3A_658 : memref<78x128xi32, #tpu.memory_space<hbm>>) dst(%dma_wait3A_655 : memref<78x128xi32, #tpu.memory_space<vmem>>)
      tpu.yield
    }) : () -> ()
    %run_scoped3A_539 = arith.constant 1 : i32
    "tpu.region"() ({
      %run_scoped3A_635 = tpu.sem_alloc : memref<!tpu.dma_semaphore, #tpu.memory_space<semaphore_mem>>
      %dma_start3A_636 = arith.constant 0 : i32
      %dma_start3A_637 = arith.constant 0 : i32
      %dma_start3A_638 = tpu.memref_slice %arg8[%dma_start3A_636, %dma_start3A_637] : memref<79x128xi32, #tpu.memory_space<vmem>> -> memref<78x128xi32, #tpu.memory_space<vmem>>
      %dma_start3A_639 = arith.constant 0 : i32
      %dma_start3A_640 = tpu.memref_slice %arg2[%run_scoped3A_539, %add3A_4, %dma_start3A_639] : memref<2x2500x128xi32, #tpu.memory_space<hbm>> -> memref<1x78x128xi32, #tpu.memory_space<hbm>>
      %dma_start3A_641 = tpu.memref_squeeze %dma_start3A_640 : memref<1x78x128xi32, #tpu.memory_space<hbm>> -> memref<78x128xi32, #tpu.memory_space<hbm>>
      %dma_start3A_642 = arith.constant 0 : i32
      %dma_start3A_643 = arith.constant 0 : i32
      %dma_start3A_644 = tpu.memref_slice %arg8[%dma_start3A_642, %dma_start3A_643] : memref<79x128xi32, #tpu.memory_space<vmem>> -> memref<78x128xi32, #tpu.memory_space<vmem>>
      %dma_start3A_645 = arith.constant 0 : i32
      %dma_start3A_646 = tpu.memref_slice %arg2[%run_scoped3A_539, %add3A_4, %dma_start3A_645] : memref<2x2500x128xi32, #tpu.memory_space<hbm>> -> memref<1x78x128xi32, #tpu.memory_space<hbm>>
      %dma_start3A_647 = tpu.memref_squeeze %dma_start3A_646 : memref<1x78x128xi32, #tpu.memory_space<hbm>> -> memref<78x128xi32, #tpu.memory_space<hbm>>
      tpu.enqueue_dma source(%dma_start3A_647 : memref<78x128xi32, #tpu.memory_space<hbm>>) target(%dma_start3A_644 : memref<78x128xi32, #tpu.memory_space<vmem>>) target_semaphore(%run_scoped3A_635 : memref<!tpu.dma_semaphore, #tpu.memory_space<semaphore_mem>>)
      %dma_wait3A = arith.constant 0 : i32
      %dma_wait3A_648 = arith.constant 0 : i32
      %dma_wait3A_649 = tpu.memref_slice %arg8[%dma_wait3A, %dma_wait3A_648] : memref<79x128xi32, #tpu.memory_space<vmem>> -> memref<78x128xi32, #tpu.memory_space<vmem>>
      %dma_wait3A_650 = arith.constant 0 : i32
      %dma_wait3A_651 = tpu.memref_slice %arg2[%run_scoped3A_539, %add3A_4, %dma_wait3A_650] : memref<2x2500x128xi32, #tpu.memory_space<hbm>> -> memref<1x78x128xi32, #tpu.memory_space<hbm>>
      %dma_wait3A_652 = tpu.memref_squeeze %dma_wait3A_651 : memref<1x78x128xi32, #tpu.memory_space<hbm>> -> memref<78x128xi32, #tpu.memory_space<hbm>>
      %dma_wait3A_653 = arith.constant 0 : i32
      %dma_wait3A_654 = arith.constant 0 : i32
      %dma_wait3A_655 = tpu.memref_slice %arg8[%dma_wait3A_653, %dma_wait3A_654] : memref<79x128xi32, #tpu.memory_space<vmem>> -> memref<78x128xi32, #tpu.memory_space<vmem>>
      %dma_wait3A_656 = arith.constant 0 : i32
      %dma_wait3A_657 = tpu.memref_slice %arg2[%run_scoped3A_539, %add3A_4, %dma_wait3A_656] : memref<2x2500x128xi32, #tpu.memory_space<hbm>> -> memref<1x78x128xi32, #tpu.memory_space<hbm>>
      %dma_wait3A_658 = tpu.memref_squeeze %dma_wait3A_657 : memref<1x78x128xi32, #tpu.memory_space<hbm>> -> memref<78x128xi32, #tpu.memory_space<hbm>>
      tpu.wait_dma2 semaphore(%run_scoped3A_635 : memref<!tpu.dma_semaphore, #tpu.memory_space<semaphore_mem>>) src(%dma_wait3A_658 : memref<78x128xi32, #tpu.memory_space<hbm>>) dst(%dma_wait3A_655 : memref<78x128xi32, #tpu.memory_space<vmem>>)
      tpu.yield
    }) : () -> ()
    %convert_element_type3A = arith.extui %lt3A_12 : i1 to i32
    %cond3A = arith.constant 0 : i32
    %cond3A_540 = arith.cmpi ne, %convert_element_type3A, %cond3A : i32
    scf.if %cond3A_540 {
      %add3A_635 = arith.constant 156 : i32
      %add3A_636 = arith.addi %add3A_10, %add3A_635 : i32
      %run_scoped3A_637 = arith.constant 1 : i32
      "tpu.region"() ({
        %run_scoped3A_638 = tpu.sem_alloc : memref<!tpu.dma_semaphore, #tpu.memory_space<semaphore_mem>>
        %dma_start3A_639 = arith.constant 156 : i32
        %dma_start3A_640 = arith.constant 0 : i32
        %dma_start3A_641 = tpu.memref_slice %arg6[%dma_start3A_639, %dma_start3A_640] : memref<157x128xi32, #tpu.memory_space<vmem>> -> memref<1x128xi32, #tpu.memory_space<vmem>>
        %dma_start3A_642 = arith.constant 0 : i32
        %dma_start3A_643 = tpu.memref_slice %arg2[%run_scoped3A_637, %add3A_636, %dma_start3A_642] : memref<2x2500x128xi32, #tpu.memory_space<hbm>> -> memref<1x1x128xi32, #tpu.memory_space<hbm>>
        %dma_start3A_644 = tpu.memref_squeeze %dma_start3A_643 : memref<1x1x128xi32, #tpu.memory_space<hbm>> -> memref<1x128xi32, #tpu.memory_space<hbm>>
        %dma_start3A_645 = arith.constant 156 : i32
        %dma_start3A_646 = arith.constant 0 : i32
        %dma_start3A_647 = tpu.memref_slice %arg6[%dma_start3A_645, %dma_start3A_646] : memref<157x128xi32, #tpu.memory_space<vmem>> -> memref<1x128xi32, #tpu.memory_space<vmem>>
        %dma_start3A_648 = arith.constant 0 : i32
        %dma_start3A_649 = tpu.memref_slice %arg2[%run_scoped3A_637, %add3A_636, %dma_start3A_648] : memref<2x2500x128xi32, #tpu.memory_space<hbm>> -> memref<1x1x128xi32, #tpu.memory_space<hbm>>
        %dma_start3A_650 = tpu.memref_squeeze %dma_start3A_649 : memref<1x1x128xi32, #tpu.memory_space<hbm>> -> memref<1x128xi32, #tpu.memory_space<hbm>>
        tpu.enqueue_dma source(%dma_start3A_650 : memref<1x128xi32, #tpu.memory_space<hbm>>) target(%dma_start3A_647 : memref<1x128xi32, #tpu.memory_space<vmem>>) target_semaphore(%run_scoped3A_638 : memref<!tpu.dma_semaphore, #tpu.memory_space<semaphore_mem>>)
        %dma_wait3A = arith.constant 156 : i32
        %dma_wait3A_651 = arith.constant 0 : i32
        %dma_wait3A_652 = tpu.memref_slice %arg6[%dma_wait3A, %dma_wait3A_651] : memref<157x128xi32, #tpu.memory_space<vmem>> -> memref<1x128xi32, #tpu.memory_space<vmem>>
        %dma_wait3A_653 = arith.constant 0 : i32
        %dma_wait3A_654 = tpu.memref_slice %arg2[%run_scoped3A_637, %add3A_636, %dma_wait3A_653] : memref<2x2500x128xi32, #tpu.memory_space<hbm>> -> memref<1x1x128xi32, #tpu.memory_space<hbm>>
        %dma_wait3A_655 = tpu.memref_squeeze %dma_wait3A_654 : memref<1x1x128xi32, #tpu.memory_space<hbm>> -> memref<1x128xi32, #tpu.memory_space<hbm>>
        %dma_wait3A_656 = arith.constant 156 : i32
        %dma_wait3A_657 = arith.constant 0 : i32
        %dma_wait3A_658 = tpu.memref_slice %arg6[%dma_wait3A_656, %dma_wait3A_657] : memref<157x128xi32, #tpu.memory_space<vmem>> -> memref<1x128xi32, #tpu.memory_space<vmem>>
        %dma_wait3A_659 = arith.constant 0 : i32
        %dma_wait3A_660 = tpu.memref_slice %arg2[%run_scoped3A_637, %add3A_636, %dma_wait3A_659] : memref<2x2500x128xi32, #tpu.memory_space<hbm>> -> memref<1x1x128xi32, #tpu.memory_space<hbm>>
        %dma_wait3A_661 = tpu.memref_squeeze %dma_wait3A_660 : memref<1x1x128xi32, #tpu.memory_space<hbm>> -> memref<1x128xi32, #tpu.memory_space<hbm>>
        tpu.wait_dma2 semaphore(%run_scoped3A_638 : memref<!tpu.dma_semaphore, #tpu.memory_space<semaphore_mem>>) src(%dma_wait3A_661 : memref<1x128xi32, #tpu.memory_space<hbm>>) dst(%dma_wait3A_658 : memref<1x128xi32, #tpu.memory_space<vmem>>)
        tpu.yield
      }) : () -> ()
    } else {
    }
    %convert_element_type3A_541 = arith.extui %lt3A_5 : i1 to i32
    %cond3A_542 = arith.constant 0 : i32
    %cond3A_543 = arith.cmpi ne, %convert_element_type3A_541, %cond3A_542 : i32
    scf.if %cond3A_543 {
      %add3A_635 = arith.constant 78 : i32
      %add3A_636 = arith.addi %add3A_4, %add3A_635 : i32
      %run_scoped3A_637 = arith.constant 0 : i32
      "tpu.region"() ({
        %run_scoped3A_641 = tpu.sem_alloc : memref<!tpu.dma_semaphore, #tpu.memory_space<semaphore_mem>>
        %dma_start3A_642 = arith.constant 78 : i32
        %dma_start3A_643 = arith.constant 0 : i32
        %dma_start3A_644 = tpu.memref_slice %arg7[%dma_start3A_642, %dma_start3A_643] : memref<79x128xi32, #tpu.memory_space<vmem>> -> memref<1x128xi32, #tpu.memory_space<vmem>>
        %dma_start3A_645 = arith.constant 0 : i32
        %dma_start3A_646 = tpu.memref_slice %arg2[%run_scoped3A_637, %add3A_636, %dma_start3A_645] : memref<2x2500x128xi32, #tpu.memory_space<hbm>> -> memref<1x1x128xi32, #tpu.memory_space<hbm>>
        %dma_start3A_647 = tpu.memref_squeeze %dma_start3A_646 : memref<1x1x128xi32, #tpu.memory_space<hbm>> -> memref<1x128xi32, #tpu.memory_space<hbm>>
        %dma_start3A_648 = arith.constant 78 : i32
        %dma_start3A_649 = arith.constant 0 : i32
        %dma_start3A_650 = tpu.memref_slice %arg7[%dma_start3A_648, %dma_start3A_649] : memref<79x128xi32, #tpu.memory_space<vmem>> -> memref<1x128xi32, #tpu.memory_space<vmem>>
        %dma_start3A_651 = arith.constant 0 : i32
        %dma_start3A_652 = tpu.memref_slice %arg2[%run_scoped3A_637, %add3A_636, %dma_start3A_651] : memref<2x2500x128xi32, #tpu.memory_space<hbm>> -> memref<1x1x128xi32, #tpu.memory_space<hbm>>
        %dma_start3A_653 = tpu.memref_squeeze %dma_start3A_652 : memref<1x1x128xi32, #tpu.memory_space<hbm>> -> memref<1x128xi32, #tpu.memory_space<hbm>>
        tpu.enqueue_dma source(%dma_start3A_653 : memref<1x128xi32, #tpu.memory_space<hbm>>) target(%dma_start3A_650 : memref<1x128xi32, #tpu.memory_space<vmem>>) target_semaphore(%run_scoped3A_641 : memref<!tpu.dma_semaphore, #tpu.memory_space<semaphore_mem>>)
        %dma_wait3A = arith.constant 78 : i32
        %dma_wait3A_654 = arith.constant 0 : i32
        %dma_wait3A_655 = tpu.memref_slice %arg7[%dma_wait3A, %dma_wait3A_654] : memref<79x128xi32, #tpu.memory_space<vmem>> -> memref<1x128xi32, #tpu.memory_space<vmem>>
        %dma_wait3A_656 = arith.constant 0 : i32
        %dma_wait3A_657 = tpu.memref_slice %arg2[%run_scoped3A_637, %add3A_636, %dma_wait3A_656] : memref<2x2500x128xi32, #tpu.memory_space<hbm>> -> memref<1x1x128xi32, #tpu.memory_space<hbm>>
        %dma_wait3A_658 = tpu.memref_squeeze %dma_wait3A_657 : memref<1x1x128xi32, #tpu.memory_space<hbm>> -> memref<1x128xi32, #tpu.memory_space<hbm>>
        %dma_wait3A_659 = arith.constant 78 : i32
        %dma_wait3A_660 = arith.constant 0 : i32
        %dma_wait3A_661 = tpu.memref_slice %arg7[%dma_wait3A_659, %dma_wait3A_660] : memref<79x128xi32, #tpu.memory_space<vmem>> -> memref<1x128xi32, #tpu.memory_space<vmem>>
        %dma_wait3A_662 = arith.constant 0 : i32
        %dma_wait3A_663 = tpu.memref_slice %arg2[%run_scoped3A_637, %add3A_636, %dma_wait3A_662] : memref<2x2500x128xi32, #tpu.memory_space<hbm>> -> memref<1x1x128xi32, #tpu.memory_space<hbm>>
        %dma_wait3A_664 = tpu.memref_squeeze %dma_wait3A_663 : memref<1x1x128xi32, #tpu.memory_space<hbm>> -> memref<1x128xi32, #tpu.memory_space<hbm>>
        tpu.wait_dma2 semaphore(%run_scoped3A_641 : memref<!tpu.dma_semaphore, #tpu.memory_space<semaphore_mem>>) src(%dma_wait3A_664 : memref<1x128xi32, #tpu.memory_space<hbm>>) dst(%dma_wait3A_661 : memref<1x128xi32, #tpu.memory_space<vmem>>)
        tpu.yield
      }) : () -> ()
      %add3A_638 = arith.constant 78 : i32
      %add3A_639 = arith.addi %add3A_4, %add3A_638 : i32
      %run_scoped3A_640 = arith.constant 1 : i32
      "tpu.region"() ({
        %run_scoped3A_641 = tpu.sem_alloc : memref<!tpu.dma_semaphore, #tpu.memory_space<semaphore_mem>>
        %dma_start3A_642 = arith.constant 78 : i32
        %dma_start3A_643 = arith.constant 0 : i32
        %dma_start3A_644 = tpu.memref_slice %arg8[%dma_start3A_642, %dma_start3A_643] : memref<79x128xi32, #tpu.memory_space<vmem>> -> memref<1x128xi32, #tpu.memory_space<vmem>>
        %dma_start3A_645 = arith.constant 0 : i32
        %dma_start3A_646 = tpu.memref_slice %arg2[%run_scoped3A_640, %add3A_639, %dma_start3A_645] : memref<2x2500x128xi32, #tpu.memory_space<hbm>> -> memref<1x1x128xi32, #tpu.memory_space<hbm>>
        %dma_start3A_647 = tpu.memref_squeeze %dma_start3A_646 : memref<1x1x128xi32, #tpu.memory_space<hbm>> -> memref<1x128xi32, #tpu.memory_space<hbm>>
        %dma_start3A_648 = arith.constant 78 : i32
        %dma_start3A_649 = arith.constant 0 : i32
        %dma_start3A_650 = tpu.memref_slice %arg8[%dma_start3A_648, %dma_start3A_649] : memref<79x128xi32, #tpu.memory_space<vmem>> -> memref<1x128xi32, #tpu.memory_space<vmem>>
        %dma_start3A_651 = arith.constant 0 : i32
        %dma_start3A_652 = tpu.memref_slice %arg2[%run_scoped3A_640, %add3A_639, %dma_start3A_651] : memref<2x2500x128xi32, #tpu.memory_space<hbm>> -> memref<1x1x128xi32, #tpu.memory_space<hbm>>
        %dma_start3A_653 = tpu.memref_squeeze %dma_start3A_652 : memref<1x1x128xi32, #tpu.memory_space<hbm>> -> memref<1x128xi32, #tpu.memory_space<hbm>>
        tpu.enqueue_dma source(%dma_start3A_653 : memref<1x128xi32, #tpu.memory_space<hbm>>) target(%dma_start3A_650 : memref<1x128xi32, #tpu.memory_space<vmem>>) target_semaphore(%run_scoped3A_641 : memref<!tpu.dma_semaphore, #tpu.memory_space<semaphore_mem>>)
        %dma_wait3A = arith.constant 78 : i32
        %dma_wait3A_654 = arith.constant 0 : i32
        %dma_wait3A_655 = tpu.memref_slice %arg8[%dma_wait3A, %dma_wait3A_654] : memref<79x128xi32, #tpu.memory_space<vmem>> -> memref<1x128xi32, #tpu.memory_space<vmem>>
        %dma_wait3A_656 = arith.constant 0 : i32
        %dma_wait3A_657 = tpu.memref_slice %arg2[%run_scoped3A_640, %add3A_639, %dma_wait3A_656] : memref<2x2500x128xi32, #tpu.memory_space<hbm>> -> memref<1x1x128xi32, #tpu.memory_space<hbm>>
        %dma_wait3A_658 = tpu.memref_squeeze %dma_wait3A_657 : memref<1x1x128xi32, #tpu.memory_space<hbm>> -> memref<1x128xi32, #tpu.memory_space<hbm>>
        %dma_wait3A_659 = arith.constant 78 : i32
        %dma_wait3A_660 = arith.constant 0 : i32
        %dma_wait3A_661 = tpu.memref_slice %arg8[%dma_wait3A_659, %dma_wait3A_660] : memref<79x128xi32, #tpu.memory_space<vmem>> -> memref<1x128xi32, #tpu.memory_space<vmem>>
        %dma_wait3A_662 = arith.constant 0 : i32
        %dma_wait3A_663 = tpu.memref_slice %arg2[%run_scoped3A_640, %add3A_639, %dma_wait3A_662] : memref<2x2500x128xi32, #tpu.memory_space<hbm>> -> memref<1x1x128xi32, #tpu.memory_space<hbm>>
        %dma_wait3A_664 = tpu.memref_squeeze %dma_wait3A_663 : memref<1x1x128xi32, #tpu.memory_space<hbm>> -> memref<1x128xi32, #tpu.memory_space<hbm>>
        tpu.wait_dma2 semaphore(%run_scoped3A_641 : memref<!tpu.dma_semaphore, #tpu.memory_space<semaphore_mem>>) src(%dma_wait3A_664 : memref<1x128xi32, #tpu.memory_space<hbm>>) dst(%dma_wait3A_661 : memref<1x128xi32, #tpu.memory_space<vmem>>)
        tpu.yield
      }) : () -> ()
    } else {
    }
    %lt3A_544 = arith.constant 15 : i32
    %lt3A_545 = arith.cmpi slt, %arg1, %lt3A_544 : i32
    %convert_element_type3A_546 = arith.extui %lt3A_545 : i1 to i32
    %cond3A_547 = arith.constant 0 : i32
    %cond3A_548 = arith.cmpi ne, %convert_element_type3A_546, %cond3A_547 : i32
    scf.if %cond3A_548 {
      %mul3A_635 = arith.constant 640 : i32
      %mul3A_636 = arith.muli %arg1, %mul3A_635 : i32
      "tpu.region"() ({
        %run_scoped3A_637 = tpu.sem_alloc : memref<!tpu.dma_semaphore, #tpu.memory_space<semaphore_mem>>
        %dma_start3A_638 = arith.constant 0 : i32
        %dma_start3A_639 = tpu.memref_slice %arg3[%mul3A_636, %dma_start3A_638] : memref<10000x16xf32, #tpu.memory_space<hbm>> -> memref<640x16xf32, #tpu.memory_space<hbm>>
        %dma_start3A_640 = arith.constant 0 : i32
        %dma_start3A_641 = tpu.memref_slice %arg3[%mul3A_636, %dma_start3A_640] : memref<10000x16xf32, #tpu.memory_space<hbm>> -> memref<640x16xf32, #tpu.memory_space<hbm>>
        tpu.enqueue_dma source(%dma_start3A_641 : memref<640x16xf32, #tpu.memory_space<hbm>>) target(%arg12 : memref<640x16xf32, #tpu.memory_space<vmem>>) target_semaphore(%run_scoped3A_637 : memref<!tpu.dma_semaphore, #tpu.memory_space<semaphore_mem>>)
        %dma_wait3A = arith.constant 0 : i32
        %dma_wait3A_642 = tpu.memref_slice %arg3[%mul3A_636, %dma_wait3A] : memref<10000x16xf32, #tpu.memory_space<hbm>> -> memref<640x16xf32, #tpu.memory_space<hbm>>
        %dma_wait3A_643 = arith.constant 0 : i32
        %dma_wait3A_644 = tpu.memref_slice %arg3[%mul3A_636, %dma_wait3A_643] : memref<10000x16xf32, #tpu.memory_space<hbm>> -> memref<640x16xf32, #tpu.memory_space<hbm>>
        tpu.wait_dma2 semaphore(%run_scoped3A_637 : memref<!tpu.dma_semaphore, #tpu.memory_space<semaphore_mem>>) src(%dma_wait3A_644 : memref<640x16xf32, #tpu.memory_space<hbm>>) dst(%arg12 : memref<640x16xf32, #tpu.memory_space<vmem>>)
        tpu.yield
      }) : () -> ()
    } else {
    }
    %eq3A = arith.constant 15 : i32
    %eq3A_549 = arith.cmpi eq, %arg1, %eq3A : i32
    %convert_element_type3A_550 = arith.extui %eq3A_549 : i1 to i32
    %cond3A_551 = arith.constant 0 : i32
    %cond3A_552 = arith.cmpi ne, %convert_element_type3A_550, %cond3A_551 : i32
    scf.if %cond3A_552 {
      "tpu.region"() ({
        %run_scoped3A_635 = tpu.sem_alloc : memref<!tpu.dma_semaphore, #tpu.memory_space<semaphore_mem>>
        %dma_start3A_636 = arith.constant 0 : i32
        %dma_start3A_637 = arith.constant 0 : i32
        %dma_start3A_638 = tpu.memref_slice %arg12[%dma_start3A_636, %dma_start3A_637] : memref<640x16xf32, #tpu.memory_space<vmem>> -> memref<400x16xf32, #tpu.memory_space<vmem>>
        %dma_start3A_639 = arith.constant 9600 : i32
        %dma_start3A_640 = arith.constant 0 : i32
        %dma_start3A_641 = tpu.memref_slice %arg3[%dma_start3A_639, %dma_start3A_640] : memref<10000x16xf32, #tpu.memory_space<hbm>> -> memref<400x16xf32, #tpu.memory_space<hbm>>
        %dma_start3A_642 = arith.constant 0 : i32
        %dma_start3A_643 = arith.constant 0 : i32
        %dma_start3A_644 = tpu.memref_slice %arg12[%dma_start3A_642, %dma_start3A_643] : memref<640x16xf32, #tpu.memory_space<vmem>> -> memref<400x16xf32, #tpu.memory_space<vmem>>
        %dma_start3A_645 = arith.constant 9600 : i32
        %dma_start3A_646 = arith.constant 0 : i32
        %dma_start3A_647 = tpu.memref_slice %arg3[%dma_start3A_645, %dma_start3A_646] : memref<10000x16xf32, #tpu.memory_space<hbm>> -> memref<400x16xf32, #tpu.memory_space<hbm>>
        tpu.enqueue_dma source(%dma_start3A_647 : memref<400x16xf32, #tpu.memory_space<hbm>>) target(%dma_start3A_644 : memref<400x16xf32, #tpu.memory_space<vmem>>) target_semaphore(%run_scoped3A_635 : memref<!tpu.dma_semaphore, #tpu.memory_space<semaphore_mem>>)
        %dma_wait3A = arith.constant 0 : i32
        %dma_wait3A_648 = arith.constant 0 : i32
        %dma_wait3A_649 = tpu.memref_slice %arg12[%dma_wait3A, %dma_wait3A_648] : memref<640x16xf32, #tpu.memory_space<vmem>> -> memref<400x16xf32, #tpu.memory_space<vmem>>
        %dma_wait3A_650 = arith.constant 9600 : i32
        %dma_wait3A_651 = arith.constant 0 : i32
        %dma_wait3A_652 = tpu.memref_slice %arg3[%dma_wait3A_650, %dma_wait3A_651] : memref<10000x16xf32, #tpu.memory_space<hbm>> -> memref<400x16xf32, #tpu.memory_space<hbm>>
        %dma_wait3A_653 = arith.constant 0 : i32
        %dma_wait3A_654 = arith.constant 0 : i32
        %dma_wait3A_655 = tpu.memref_slice %arg12[%dma_wait3A_653, %dma_wait3A_654] : memref<640x16xf32, #tpu.memory_space<vmem>> -> memref<400x16xf32, #tpu.memory_space<vmem>>
        %dma_wait3A_656 = arith.constant 9600 : i32
        %dma_wait3A_657 = arith.constant 0 : i32
        %dma_wait3A_658 = tpu.memref_slice %arg3[%dma_wait3A_656, %dma_wait3A_657] : memref<10000x16xf32, #tpu.memory_space<hbm>> -> memref<400x16xf32, #tpu.memory_space<hbm>>
        tpu.wait_dma2 semaphore(%run_scoped3A_635 : memref<!tpu.dma_semaphore, #tpu.memory_space<semaphore_mem>>) src(%dma_wait3A_658 : memref<400x16xf32, #tpu.memory_space<hbm>>) dst(%dma_wait3A_655 : memref<400x16xf32, #tpu.memory_space<vmem>>)
        tpu.yield
      }) : () -> ()
    } else {
    }
    %barrier3A = arith.constant 0 : index
    tpu.barrier barrier_id(%barrier3A)
    %broadcast_in_dim3A_553 = arith.constant 1.000000e+00 : f32
    %broadcast_in_dim3A_554 = vector.broadcast %broadcast_in_dim3A_553 : f32 to vector<16xf32>
    %convert_element_type3A_555 = arith.extui %lt3A_12 : i1 to i32
    %add3A_556 = arith.constant 156 : i32
    %add3A_557 = arith.addi %add3A_556, %convert_element_type3A_555 : i32
    %while3A = arith.constant 0 : i32
    %while3A_558 = arith.constant 0 : i32
    %while3A_559 = arith.subi %add3A_557, %while3A_558 : i32
    %while3A_560 = arith.addi %while3A_558, %while3A_559 : i32
    %while3A_561 = arith.constant 1 : i32
    %while3A_562 = arith.divsi %while3A_559, %while3A_561 : i32
    %while3A_563 = arith.muli %while3A_562, %while3A_561 : i32
    %while3A_564 = arith.addi %while3A_558, %while3A_563 : i32
    %while3A_565 = arith.constant 1 : i32
    scf.for %while3A_635 = %while3A_558 to %while3A_564 step %while3A_565  : i32 {
      %get3A = arith.index_cast %while3A_635 : i32 to index
      %get3A_636 = arith.constant 0 : index
      %get3A_637 = tpu.vector_load %arg6[%get3A, %get3A_636] {strides = array<i32>} : memref<157x128xi32, #tpu.memory_space<vmem>>, vector<16xi32>,
      %shift_right_logical3A = arith.constant 4 : i32
      %shift_right_logical3A_638 = vector.broadcast %shift_right_logical3A : i32 to vector<16xi32>
      %shift_right_logical3A_639 = arith.shrui %get3A_637, %shift_right_logical3A_638 : vector<16xi32>
      %and3A_640 = arith.constant 15 : i32
      %and3A_641 = vector.broadcast %and3A_640 : i32 to vector<16xi32>
      %and3A_642 = arith.andi %get3A_637, %and3A_641 : vector<16xi32>
      tpu.vector_store_idx %arg11[%shift_right_logical3A_639, %and3A_642], %broadcast_in_dim3A_554 {add = true} : memref<640x16xf32, #tpu.memory_space<vmem>>[vector<16xi32>, vector<16xi32>], vector<16xf32>,
      %get3A_643 = arith.index_cast %while3A_635 : i32 to index
      %get3A_644 = arith.constant 16 : index
      %get3A_645 = tpu.vector_load %arg6[%get3A_643, %get3A_644] {strides = array<i32>} : memref<157x128xi32, #tpu.memory_space<vmem>>, vector<16xi32>,
      %shift_right_logical3A_646 = arith.constant 4 : i32
      %shift_right_logical3A_647 = vector.broadcast %shift_right_logical3A_646 : i32 to vector<16xi32>
      %shift_right_logical3A_648 = arith.shrui %get3A_645, %shift_right_logical3A_647 : vector<16xi32>
      %and3A_649 = arith.constant 15 : i32
      %and3A_650 = vector.broadcast %and3A_649 : i32 to vector<16xi32>
      %and3A_651 = arith.andi %get3A_645, %and3A_650 : vector<16xi32>
      tpu.vector_store_idx %arg11[%shift_right_logical3A_648, %and3A_651], %broadcast_in_dim3A_554 {add = true} : memref<640x16xf32, #tpu.memory_space<vmem>>[vector<16xi32>, vector<16xi32>], vector<16xf32>,
      %get3A_652 = arith.index_cast %while3A_635 : i32 to index
      %get3A_653 = arith.constant 32 : index
      %get3A_654 = tpu.vector_load %arg6[%get3A_652, %get3A_653] {strides = array<i32>} : memref<157x128xi32, #tpu.memory_space<vmem>>, vector<16xi32>,
      %shift_right_logical3A_655 = arith.constant 4 : i32
      %shift_right_logical3A_656 = vector.broadcast %shift_right_logical3A_655 : i32 to vector<16xi32>
      %shift_right_logical3A_657 = arith.shrui %get3A_654, %shift_right_logical3A_656 : vector<16xi32>
      %and3A_658 = arith.constant 15 : i32
      %and3A_659 = vector.broadcast %and3A_658 : i32 to vector<16xi32>
      %and3A_660 = arith.andi %get3A_654, %and3A_659 : vector<16xi32>
      tpu.vector_store_idx %arg11[%shift_right_logical3A_657, %and3A_660], %broadcast_in_dim3A_554 {add = true} : memref<640x16xf32, #tpu.memory_space<vmem>>[vector<16xi32>, vector<16xi32>], vector<16xf32>,
      %get3A_661 = arith.index_cast %while3A_635 : i32 to index
      %get3A_662 = arith.constant 48 : index
      %get3A_663 = tpu.vector_load %arg6[%get3A_661, %get3A_662] {strides = array<i32>} : memref<157x128xi32, #tpu.memory_space<vmem>>, vector<16xi32>,
      %shift_right_logical3A_664 = arith.constant 4 : i32
      %shift_right_logical3A_665 = vector.broadcast %shift_right_logical3A_664 : i32 to vector<16xi32>
      %shift_right_logical3A_666 = arith.shrui %get3A_663, %shift_right_logical3A_665 : vector<16xi32>
      %and3A_667 = arith.constant 15 : i32
      %and3A_668 = vector.broadcast %and3A_667 : i32 to vector<16xi32>
      %and3A_669 = arith.andi %get3A_663, %and3A_668 : vector<16xi32>
      tpu.vector_store_idx %arg11[%shift_right_logical3A_666, %and3A_669], %broadcast_in_dim3A_554 {add = true} : memref<640x16xf32, #tpu.memory_space<vmem>>[vector<16xi32>, vector<16xi32>], vector<16xf32>,
      %get3A_670 = arith.index_cast %while3A_635 : i32 to index
      %get3A_671 = arith.constant 64 : index
      %get3A_672 = tpu.vector_load %arg6[%get3A_670, %get3A_671] {strides = array<i32>} : memref<157x128xi32, #tpu.memory_space<vmem>>, vector<16xi32>,
      %shift_right_logical3A_673 = arith.constant 4 : i32
      %shift_right_logical3A_674 = vector.broadcast %shift_right_logical3A_673 : i32 to vector<16xi32>
      %shift_right_logical3A_675 = arith.shrui %get3A_672, %shift_right_logical3A_674 : vector<16xi32>
      %and3A_676 = arith.constant 15 : i32
      %and3A_677 = vector.broadcast %and3A_676 : i32 to vector<16xi32>
      %and3A_678 = arith.andi %get3A_672, %and3A_677 : vector<16xi32>
      tpu.vector_store_idx %arg11[%shift_right_logical3A_675, %and3A_678], %broadcast_in_dim3A_554 {add = true} : memref<640x16xf32, #tpu.memory_space<vmem>>[vector<16xi32>, vector<16xi32>], vector<16xf32>,
      %get3A_679 = arith.index_cast %while3A_635 : i32 to index
      %get3A_680 = arith.constant 80 : index
      %get3A_681 = tpu.vector_load %arg6[%get3A_679, %get3A_680] {strides = array<i32>} : memref<157x128xi32, #tpu.memory_space<vmem>>, vector<16xi32>,
      %shift_right_logical3A_682 = arith.constant 4 : i32
      %shift_right_logical3A_683 = vector.broadcast %shift_right_logical3A_682 : i32 to vector<16xi32>
      %shift_right_logical3A_684 = arith.shrui %get3A_681, %shift_right_logical3A_683 : vector<16xi32>
      %and3A_685 = arith.constant 15 : i32
      %and3A_686 = vector.broadcast %and3A_685 : i32 to vector<16xi32>
      %and3A_687 = arith.andi %get3A_681, %and3A_686 : vector<16xi32>
      tpu.vector_store_idx %arg11[%shift_right_logical3A_684, %and3A_687], %broadcast_in_dim3A_554 {add = true} : memref<640x16xf32, #tpu.memory_space<vmem>>[vector<16xi32>, vector<16xi32>], vector<16xf32>,
      %get3A_688 = arith.index_cast %while3A_635 : i32 to index
      %get3A_689 = arith.constant 96 : index
      %get3A_690 = tpu.vector_load %arg6[%get3A_688, %get3A_689] {strides = array<i32>} : memref<157x128xi32, #tpu.memory_space<vmem>>, vector<16xi32>,
      %shift_right_logical3A_691 = arith.constant 4 : i32
      %shift_right_logical3A_692 = vector.broadcast %shift_right_logical3A_691 : i32 to vector<16xi32>
      %shift_right_logical3A_693 = arith.shrui %get3A_690, %shift_right_logical3A_692 : vector<16xi32>
      %and3A_694 = arith.constant 15 : i32
      %and3A_695 = vector.broadcast %and3A_694 : i32 to vector<16xi32>
      %and3A_696 = arith.andi %get3A_690, %and3A_695 : vector<16xi32>
      tpu.vector_store_idx %arg11[%shift_right_logical3A_693, %and3A_696], %broadcast_in_dim3A_554 {add = true} : memref<640x16xf32, #tpu.memory_space<vmem>>[vector<16xi32>, vector<16xi32>], vector<16xf32>,
      %get3A_697 = arith.index_cast %while3A_635 : i32 to index
      %get3A_698 = arith.constant 112 : index
      %get3A_699 = tpu.vector_load %arg6[%get3A_697, %get3A_698] {strides = array<i32>} : memref<157x128xi32, #tpu.memory_space<vmem>>, vector<16xi32>,
      %shift_right_logical3A_700 = arith.constant 4 : i32
      %shift_right_logical3A_701 = vector.broadcast %shift_right_logical3A_700 : i32 to vector<16xi32>
      %shift_right_logical3A_702 = arith.shrui %get3A_699, %shift_right_logical3A_701 : vector<16xi32>
      %and3A_703 = arith.constant 15 : i32
      %and3A_704 = vector.broadcast %and3A_703 : i32 to vector<16xi32>
      %and3A_705 = arith.andi %get3A_699, %and3A_704 : vector<16xi32>
      tpu.vector_store_idx %arg11[%shift_right_logical3A_702, %and3A_705], %broadcast_in_dim3A_554 {add = true} : memref<640x16xf32, #tpu.memory_space<vmem>>[vector<16xi32>, vector<16xi32>], vector<16xf32>,
    }
    %while3A_566 = arith.constant 1 : i32
    scf.for %while3A_635 = %while3A_564 to %while3A_560 step %while3A_566  : i32 {
      %get3A = arith.index_cast %while3A_635 : i32 to index
      %get3A_636 = arith.constant 0 : index
      %get3A_637 = tpu.vector_load %arg6[%get3A, %get3A_636] {strides = array<i32>} : memref<157x128xi32, #tpu.memory_space<vmem>>, vector<16xi32>,
      %shift_right_logical3A = arith.constant 4 : i32
      %shift_right_logical3A_638 = vector.broadcast %shift_right_logical3A : i32 to vector<16xi32>
      %shift_right_logical3A_639 = arith.shrui %get3A_637, %shift_right_logical3A_638 : vector<16xi32>
      %and3A_640 = arith.constant 15 : i32
      %and3A_641 = vector.broadcast %and3A_640 : i32 to vector<16xi32>
      %and3A_642 = arith.andi %get3A_637, %and3A_641 : vector<16xi32>
      tpu.vector_store_idx %arg11[%shift_right_logical3A_639, %and3A_642], %broadcast_in_dim3A_554 {add = true} : memref<640x16xf32, #tpu.memory_space<vmem>>[vector<16xi32>, vector<16xi32>], vector<16xf32>,
      %get3A_643 = arith.index_cast %while3A_635 : i32 to index
      %get3A_644 = arith.constant 16 : index
      %get3A_645 = tpu.vector_load %arg6[%get3A_643, %get3A_644] {strides = array<i32>} : memref<157x128xi32, #tpu.memory_space<vmem>>, vector<16xi32>,
      %shift_right_logical3A_646 = arith.constant 4 : i32
      %shift_right_logical3A_647 = vector.broadcast %shift_right_logical3A_646 : i32 to vector<16xi32>
      %shift_right_logical3A_648 = arith.shrui %get3A_645, %shift_right_logical3A_647 : vector<16xi32>
      %and3A_649 = arith.constant 15 : i32
      %and3A_650 = vector.broadcast %and3A_649 : i32 to vector<16xi32>
      %and3A_651 = arith.andi %get3A_645, %and3A_650 : vector<16xi32>
      tpu.vector_store_idx %arg11[%shift_right_logical3A_648, %and3A_651], %broadcast_in_dim3A_554 {add = true} : memref<640x16xf32, #tpu.memory_space<vmem>>[vector<16xi32>, vector<16xi32>], vector<16xf32>,
      %get3A_652 = arith.index_cast %while3A_635 : i32 to index
      %get3A_653 = arith.constant 32 : index
      %get3A_654 = tpu.vector_load %arg6[%get3A_652, %get3A_653] {strides = array<i32>} : memref<157x128xi32, #tpu.memory_space<vmem>>, vector<16xi32>,
      %shift_right_logical3A_655 = arith.constant 4 : i32
      %shift_right_logical3A_656 = vector.broadcast %shift_right_logical3A_655 : i32 to vector<16xi32>
      %shift_right_logical3A_657 = arith.shrui %get3A_654, %shift_right_logical3A_656 : vector<16xi32>
      %and3A_658 = arith.constant 15 : i32
      %and3A_659 = vector.broadcast %and3A_658 : i32 to vector<16xi32>
      %and3A_660 = arith.andi %get3A_654, %and3A_659 : vector<16xi32>
      tpu.vector_store_idx %arg11[%shift_right_logical3A_657, %and3A_660], %broadcast_in_dim3A_554 {add = true} : memref<640x16xf32, #tpu.memory_space<vmem>>[vector<16xi32>, vector<16xi32>], vector<16xf32>,
      %get3A_661 = arith.index_cast %while3A_635 : i32 to index
      %get3A_662 = arith.constant 48 : index
      %get3A_663 = tpu.vector_load %arg6[%get3A_661, %get3A_662] {strides = array<i32>} : memref<157x128xi32, #tpu.memory_space<vmem>>, vector<16xi32>,
      %shift_right_logical3A_664 = arith.constant 4 : i32
      %shift_right_logical3A_665 = vector.broadcast %shift_right_logical3A_664 : i32 to vector<16xi32>
      %shift_right_logical3A_666 = arith.shrui %get3A_663, %shift_right_logical3A_665 : vector<16xi32>
      %and3A_667 = arith.constant 15 : i32
      %and3A_668 = vector.broadcast %and3A_667 : i32 to vector<16xi32>
      %and3A_669 = arith.andi %get3A_663, %and3A_668 : vector<16xi32>
      tpu.vector_store_idx %arg11[%shift_right_logical3A_666, %and3A_669], %broadcast_in_dim3A_554 {add = true} : memref<640x16xf32, #tpu.memory_space<vmem>>[vector<16xi32>, vector<16xi32>], vector<16xf32>,
      %get3A_670 = arith.index_cast %while3A_635 : i32 to index
      %get3A_671 = arith.constant 64 : index
      %get3A_672 = tpu.vector_load %arg6[%get3A_670, %get3A_671] {strides = array<i32>} : memref<157x128xi32, #tpu.memory_space<vmem>>, vector<16xi32>,
      %shift_right_logical3A_673 = arith.constant 4 : i32
      %shift_right_logical3A_674 = vector.broadcast %shift_right_logical3A_673 : i32 to vector<16xi32>
      %shift_right_logical3A_675 = arith.shrui %get3A_672, %shift_right_logical3A_674 : vector<16xi32>
      %and3A_676 = arith.constant 15 : i32
      %and3A_677 = vector.broadcast %and3A_676 : i32 to vector<16xi32>
      %and3A_678 = arith.andi %get3A_672, %and3A_677 : vector<16xi32>
      tpu.vector_store_idx %arg11[%shift_right_logical3A_675, %and3A_678], %broadcast_in_dim3A_554 {add = true} : memref<640x16xf32, #tpu.memory_space<vmem>>[vector<16xi32>, vector<16xi32>], vector<16xf32>,
      %get3A_679 = arith.index_cast %while3A_635 : i32 to index
      %get3A_680 = arith.constant 80 : index
      %get3A_681 = tpu.vector_load %arg6[%get3A_679, %get3A_680] {strides = array<i32>} : memref<157x128xi32, #tpu.memory_space<vmem>>, vector<16xi32>,
      %shift_right_logical3A_682 = arith.constant 4 : i32
      %shift_right_logical3A_683 = vector.broadcast %shift_right_logical3A_682 : i32 to vector<16xi32>
      %shift_right_logical3A_684 = arith.shrui %get3A_681, %shift_right_logical3A_683 : vector<16xi32>
      %and3A_685 = arith.constant 15 : i32
      %and3A_686 = vector.broadcast %and3A_685 : i32 to vector<16xi32>
      %and3A_687 = arith.andi %get3A_681, %and3A_686 : vector<16xi32>
      tpu.vector_store_idx %arg11[%shift_right_logical3A_684, %and3A_687], %broadcast_in_dim3A_554 {add = true} : memref<640x16xf32, #tpu.memory_space<vmem>>[vector<16xi32>, vector<16xi32>], vector<16xf32>,
      %get3A_688 = arith.index_cast %while3A_635 : i32 to index
      %get3A_689 = arith.constant 96 : index
      %get3A_690 = tpu.vector_load %arg6[%get3A_688, %get3A_689] {strides = array<i32>} : memref<157x128xi32, #tpu.memory_space<vmem>>, vector<16xi32>,
      %shift_right_logical3A_691 = arith.constant 4 : i32
      %shift_right_logical3A_692 = vector.broadcast %shift_right_logical3A_691 : i32 to vector<16xi32>
      %shift_right_logical3A_693 = arith.shrui %get3A_690, %shift_right_logical3A_692 : vector<16xi32>
      %and3A_694 = arith.constant 15 : i32
      %and3A_695 = vector.broadcast %and3A_694 : i32 to vector<16xi32>
      %and3A_696 = arith.andi %get3A_690, %and3A_695 : vector<16xi32>
      tpu.vector_store_idx %arg11[%shift_right_logical3A_693, %and3A_696], %broadcast_in_dim3A_554 {add = true} : memref<640x16xf32, #tpu.memory_space<vmem>>[vector<16xi32>, vector<16xi32>], vector<16xf32>,
      %get3A_697 = arith.index_cast %while3A_635 : i32 to index
      %get3A_698 = arith.constant 112 : index
      %get3A_699 = tpu.vector_load %arg6[%get3A_697, %get3A_698] {strides = array<i32>} : memref<157x128xi32, #tpu.memory_space<vmem>>, vector<16xi32>,
      %shift_right_logical3A_700 = arith.constant 4 : i32
      %shift_right_logical3A_701 = vector.broadcast %shift_right_logical3A_700 : i32 to vector<16xi32>
      %shift_right_logical3A_702 = arith.shrui %get3A_699, %shift_right_logical3A_701 : vector<16xi32>
      %and3A_703 = arith.constant 15 : i32
      %and3A_704 = vector.broadcast %and3A_703 : i32 to vector<16xi32>
      %and3A_705 = arith.andi %get3A_699, %and3A_704 : vector<16xi32>
      tpu.vector_store_idx %arg11[%shift_right_logical3A_702, %and3A_705], %broadcast_in_dim3A_554 {add = true} : memref<640x16xf32, #tpu.memory_space<vmem>>[vector<16xi32>, vector<16xi32>], vector<16xf32>,
    }
    %run_scoped3A_567 = arith.constant 0 : i32
    "tpu.region"() ({
      %run_scoped3A_635 = tpu.sem_alloc : memref<!tpu.dma_semaphore, #tpu.memory_space<semaphore_mem>>
      %dma_start3A_636 = arith.constant 0 : i32
      %dma_start3A_637 = arith.constant 0 : i32
      %dma_start3A_638 = tpu.memref_slice %arg11[%dma_start3A_636, %dma_start3A_637] : memref<640x16xf32, #tpu.memory_space<vmem>> -> memref<128x16xf32, #tpu.memory_space<vmem>>
      %dma_start3A_639 = arith.constant 0 : i32
      %dma_start3A_640 = tpu.memref_slice %arg10[%run_scoped3A_567, %dma_start3A_639] : memref<5x128xi32, #tpu.memory_space<vmem>> -> memref<1x128xi32, #tpu.memory_space<vmem>>
      %dma_start3A_641 = tpu.memref_squeeze %dma_start3A_640 : memref<1x128xi32, #tpu.memory_space<vmem>> -> memref<128xi32, #tpu.memory_space<vmem>>
      %dma_start3A_642 = arith.constant 0 : i32
      %dma_start3A_643 = arith.constant 0 : i32
      %dma_start3A_644 = tpu.memref_slice %arg18[%dma_start3A_642, %dma_start3A_643] : memref<640x16xf32, #tpu.memory_space<vmem_shared>> -> memref<640x16xf32, #tpu.memory_space<vmem_shared>>
      tpu.enqueue_indirect_dma source(%dma_start3A_638 : memref<128x16xf32, #tpu.memory_space<vmem>>) target(%dma_start3A_644 : memref<640x16xf32, #tpu.memory_space<vmem_shared>>) offsets(%dma_start3A_641 : memref<128xi32, #tpu.memory_space<vmem>>) semaphore(%run_scoped3A_635 : memref<!tpu.dma_semaphore, #tpu.memory_space<semaphore_mem>>) {add = true}
      %dma_wait3A = arith.constant 0 : i32
      %dma_wait3A_645 = arith.constant 0 : i32
      %dma_wait3A_646 = tpu.memref_slice %arg11[%dma_wait3A, %dma_wait3A_645] : memref<640x16xf32, #tpu.memory_space<vmem>> -> memref<128x16xf32, #tpu.memory_space<vmem>>
      %dma_wait3A_647 = arith.constant 0 : i32
      %dma_wait3A_648 = tpu.memref_slice %arg10[%run_scoped3A_567, %dma_wait3A_647] : memref<5x128xi32, #tpu.memory_space<vmem>> -> memref<1x128xi32, #tpu.memory_space<vmem>>
      %dma_wait3A_649 = tpu.memref_squeeze %dma_wait3A_648 : memref<1x128xi32, #tpu.memory_space<vmem>> -> memref<128xi32, #tpu.memory_space<vmem>>
      %dma_wait3A_650 = arith.constant 0 : i32
      %dma_wait3A_651 = arith.constant 0 : i32
      %dma_wait3A_652 = tpu.memref_slice %arg18[%dma_wait3A_650, %dma_wait3A_651] : memref<640x16xf32, #tpu.memory_space<vmem_shared>> -> memref<640x16xf32, #tpu.memory_space<vmem_shared>>
      tpu.wait_indirect_dma semaphore(%run_scoped3A_635 : memref<!tpu.dma_semaphore, #tpu.memory_space<semaphore_mem>>) src(%dma_wait3A_646 : memref<128x16xf32, #tpu.memory_space<vmem>>) dst(%dma_wait3A_652 : memref<640x16xf32, #tpu.memory_space<vmem_shared>>)
      tpu.yield
    }) : () -> ()
    %run_scoped3A_568 = arith.constant 1 : i32
    "tpu.region"() ({
      %run_scoped3A_635 = tpu.sem_alloc : memref<!tpu.dma_semaphore, #tpu.memory_space<semaphore_mem>>
      %dma_start3A_636 = arith.constant 128 : i32
      %dma_start3A_637 = arith.constant 0 : i32
      %dma_start3A_638 = tpu.memref_slice %arg11[%dma_start3A_636, %dma_start3A_637] : memref<640x16xf32, #tpu.memory_space<vmem>> -> memref<128x16xf32, #tpu.memory_space<vmem>>
      %dma_start3A_639 = arith.constant 0 : i32
      %dma_start3A_640 = tpu.memref_slice %arg10[%run_scoped3A_568, %dma_start3A_639] : memref<5x128xi32, #tpu.memory_space<vmem>> -> memref<1x128xi32, #tpu.memory_space<vmem>>
      %dma_start3A_641 = tpu.memref_squeeze %dma_start3A_640 : memref<1x128xi32, #tpu.memory_space<vmem>> -> memref<128xi32, #tpu.memory_space<vmem>>
      %dma_start3A_642 = arith.constant 0 : i32
      %dma_start3A_643 = arith.constant 0 : i32
      %dma_start3A_644 = tpu.memref_slice %arg18[%dma_start3A_642, %dma_start3A_643] : memref<640x16xf32, #tpu.memory_space<vmem_shared>> -> memref<640x16xf32, #tpu.memory_space<vmem_shared>>
      tpu.enqueue_indirect_dma source(%dma_start3A_638 : memref<128x16xf32, #tpu.memory_space<vmem>>) target(%dma_start3A_644 : memref<640x16xf32, #tpu.memory_space<vmem_shared>>) offsets(%dma_start3A_641 : memref<128xi32, #tpu.memory_space<vmem>>) semaphore(%run_scoped3A_635 : memref<!tpu.dma_semaphore, #tpu.memory_space<semaphore_mem>>) {add = true}
      %dma_wait3A = arith.constant 128 : i32
      %dma_wait3A_645 = arith.constant 0 : i32
      %dma_wait3A_646 = tpu.memref_slice %arg11[%dma_wait3A, %dma_wait3A_645] : memref<640x16xf32, #tpu.memory_space<vmem>> -> memref<128x16xf32, #tpu.memory_space<vmem>>
      %dma_wait3A_647 = arith.constant 0 : i32
      %dma_wait3A_648 = tpu.memref_slice %arg10[%run_scoped3A_568, %dma_wait3A_647] : memref<5x128xi32, #tpu.memory_space<vmem>> -> memref<1x128xi32, #tpu.memory_space<vmem>>
      %dma_wait3A_649 = tpu.memref_squeeze %dma_wait3A_648 : memref<1x128xi32, #tpu.memory_space<vmem>> -> memref<128xi32, #tpu.memory_space<vmem>>
      %dma_wait3A_650 = arith.constant 0 : i32
      %dma_wait3A_651 = arith.constant 0 : i32
      %dma_wait3A_652 = tpu.memref_slice %arg18[%dma_wait3A_650, %dma_wait3A_651] : memref<640x16xf32, #tpu.memory_space<vmem_shared>> -> memref<640x16xf32, #tpu.memory_space<vmem_shared>>
      tpu.wait_indirect_dma semaphore(%run_scoped3A_635 : memref<!tpu.dma_semaphore, #tpu.memory_space<semaphore_mem>>) src(%dma_wait3A_646 : memref<128x16xf32, #tpu.memory_space<vmem>>) dst(%dma_wait3A_652 : memref<640x16xf32, #tpu.memory_space<vmem_shared>>)
      tpu.yield
    }) : () -> ()
    %run_scoped3A_569 = arith.constant 2 : i32
    "tpu.region"() ({
      %run_scoped3A_635 = tpu.sem_alloc : memref<!tpu.dma_semaphore, #tpu.memory_space<semaphore_mem>>
      %dma_start3A_636 = arith.constant 256 : i32
      %dma_start3A_637 = arith.constant 0 : i32
      %dma_start3A_638 = tpu.memref_slice %arg11[%dma_start3A_636, %dma_start3A_637] : memref<640x16xf32, #tpu.memory_space<vmem>> -> memref<128x16xf32, #tpu.memory_space<vmem>>
      %dma_start3A_639 = arith.constant 0 : i32
      %dma_start3A_640 = tpu.memref_slice %arg10[%run_scoped3A_569, %dma_start3A_639] : memref<5x128xi32, #tpu.memory_space<vmem>> -> memref<1x128xi32, #tpu.memory_space<vmem>>
      %dma_start3A_641 = tpu.memref_squeeze %dma_start3A_640 : memref<1x128xi32, #tpu.memory_space<vmem>> -> memref<128xi32, #tpu.memory_space<vmem>>
      %dma_start3A_642 = arith.constant 0 : i32
      %dma_start3A_643 = arith.constant 0 : i32
      %dma_start3A_644 = tpu.memref_slice %arg18[%dma_start3A_642, %dma_start3A_643] : memref<640x16xf32, #tpu.memory_space<vmem_shared>> -> memref<640x16xf32, #tpu.memory_space<vmem_shared>>
      tpu.enqueue_indirect_dma source(%dma_start3A_638 : memref<128x16xf32, #tpu.memory_space<vmem>>) target(%dma_start3A_644 : memref<640x16xf32, #tpu.memory_space<vmem_shared>>) offsets(%dma_start3A_641 : memref<128xi32, #tpu.memory_space<vmem>>) semaphore(%run_scoped3A_635 : memref<!tpu.dma_semaphore, #tpu.memory_space<semaphore_mem>>) {add = true}
      %dma_wait3A = arith.constant 256 : i32
      %dma_wait3A_645 = arith.constant 0 : i32
      %dma_wait3A_646 = tpu.memref_slice %arg11[%dma_wait3A, %dma_wait3A_645] : memref<640x16xf32, #tpu.memory_space<vmem>> -> memref<128x16xf32, #tpu.memory_space<vmem>>
      %dma_wait3A_647 = arith.constant 0 : i32
      %dma_wait3A_648 = tpu.memref_slice %arg10[%run_scoped3A_569, %dma_wait3A_647] : memref<5x128xi32, #tpu.memory_space<vmem>> -> memref<1x128xi32, #tpu.memory_space<vmem>>
      %dma_wait3A_649 = tpu.memref_squeeze %dma_wait3A_648 : memref<1x128xi32, #tpu.memory_space<vmem>> -> memref<128xi32, #tpu.memory_space<vmem>>
      %dma_wait3A_650 = arith.constant 0 : i32
      %dma_wait3A_651 = arith.constant 0 : i32
      %dma_wait3A_652 = tpu.memref_slice %arg18[%dma_wait3A_650, %dma_wait3A_651] : memref<640x16xf32, #tpu.memory_space<vmem_shared>> -> memref<640x16xf32, #tpu.memory_space<vmem_shared>>
      tpu.wait_indirect_dma semaphore(%run_scoped3A_635 : memref<!tpu.dma_semaphore, #tpu.memory_space<semaphore_mem>>) src(%dma_wait3A_646 : memref<128x16xf32, #tpu.memory_space<vmem>>) dst(%dma_wait3A_652 : memref<640x16xf32, #tpu.memory_space<vmem_shared>>)
      tpu.yield
    }) : () -> ()
    %run_scoped3A_570 = arith.constant 3 : i32
    "tpu.region"() ({
      %run_scoped3A_635 = tpu.sem_alloc : memref<!tpu.dma_semaphore, #tpu.memory_space<semaphore_mem>>
      %dma_start3A_636 = arith.constant 384 : i32
      %dma_start3A_637 = arith.constant 0 : i32
      %dma_start3A_638 = tpu.memref_slice %arg11[%dma_start3A_636, %dma_start3A_637] : memref<640x16xf32, #tpu.memory_space<vmem>> -> memref<128x16xf32, #tpu.memory_space<vmem>>
      %dma_start3A_639 = arith.constant 0 : i32
      %dma_start3A_640 = tpu.memref_slice %arg10[%run_scoped3A_570, %dma_start3A_639] : memref<5x128xi32, #tpu.memory_space<vmem>> -> memref<1x128xi32, #tpu.memory_space<vmem>>
      %dma_start3A_641 = tpu.memref_squeeze %dma_start3A_640 : memref<1x128xi32, #tpu.memory_space<vmem>> -> memref<128xi32, #tpu.memory_space<vmem>>
      %dma_start3A_642 = arith.constant 0 : i32
      %dma_start3A_643 = arith.constant 0 : i32
      %dma_start3A_644 = tpu.memref_slice %arg18[%dma_start3A_642, %dma_start3A_643] : memref<640x16xf32, #tpu.memory_space<vmem_shared>> -> memref<640x16xf32, #tpu.memory_space<vmem_shared>>
      tpu.enqueue_indirect_dma source(%dma_start3A_638 : memref<128x16xf32, #tpu.memory_space<vmem>>) target(%dma_start3A_644 : memref<640x16xf32, #tpu.memory_space<vmem_shared>>) offsets(%dma_start3A_641 : memref<128xi32, #tpu.memory_space<vmem>>) semaphore(%run_scoped3A_635 : memref<!tpu.dma_semaphore, #tpu.memory_space<semaphore_mem>>) {add = true}
      %dma_wait3A = arith.constant 384 : i32
      %dma_wait3A_645 = arith.constant 0 : i32
      %dma_wait3A_646 = tpu.memref_slice %arg11[%dma_wait3A, %dma_wait3A_645] : memref<640x16xf32, #tpu.memory_space<vmem>> -> memref<128x16xf32, #tpu.memory_space<vmem>>
      %dma_wait3A_647 = arith.constant 0 : i32
      %dma_wait3A_648 = tpu.memref_slice %arg10[%run_scoped3A_570, %dma_wait3A_647] : memref<5x128xi32, #tpu.memory_space<vmem>> -> memref<1x128xi32, #tpu.memory_space<vmem>>
      %dma_wait3A_649 = tpu.memref_squeeze %dma_wait3A_648 : memref<1x128xi32, #tpu.memory_space<vmem>> -> memref<128xi32, #tpu.memory_space<vmem>>
      %dma_wait3A_650 = arith.constant 0 : i32
      %dma_wait3A_651 = arith.constant 0 : i32
      %dma_wait3A_652 = tpu.memref_slice %arg18[%dma_wait3A_650, %dma_wait3A_651] : memref<640x16xf32, #tpu.memory_space<vmem_shared>> -> memref<640x16xf32, #tpu.memory_space<vmem_shared>>
      tpu.wait_indirect_dma semaphore(%run_scoped3A_635 : memref<!tpu.dma_semaphore, #tpu.memory_space<semaphore_mem>>) src(%dma_wait3A_646 : memref<128x16xf32, #tpu.memory_space<vmem>>) dst(%dma_wait3A_652 : memref<640x16xf32, #tpu.memory_space<vmem_shared>>)
      tpu.yield
    }) : () -> ()
    %run_scoped3A_571 = arith.constant 4 : i32
    "tpu.region"() ({
      %run_scoped3A_635 = tpu.sem_alloc : memref<!tpu.dma_semaphore, #tpu.memory_space<semaphore_mem>>
      %dma_start3A_636 = arith.constant 512 : i32
      %dma_start3A_637 = arith.constant 0 : i32
      %dma_start3A_638 = tpu.memref_slice %arg11[%dma_start3A_636, %dma_start3A_637] : memref<640x16xf32, #tpu.memory_space<vmem>> -> memref<128x16xf32, #tpu.memory_space<vmem>>
      %dma_start3A_639 = arith.constant 0 : i32
      %dma_start3A_640 = tpu.memref_slice %arg10[%run_scoped3A_571, %dma_start3A_639] : memref<5x128xi32, #tpu.memory_space<vmem>> -> memref<1x128xi32, #tpu.memory_space<vmem>>
      %dma_start3A_641 = tpu.memref_squeeze %dma_start3A_640 : memref<1x128xi32, #tpu.memory_space<vmem>> -> memref<128xi32, #tpu.memory_space<vmem>>
      %dma_start3A_642 = arith.constant 0 : i32
      %dma_start3A_643 = arith.constant 0 : i32
      %dma_start3A_644 = tpu.memref_slice %arg18[%dma_start3A_642, %dma_start3A_643] : memref<640x16xf32, #tpu.memory_space<vmem_shared>> -> memref<640x16xf32, #tpu.memory_space<vmem_shared>>
      tpu.enqueue_indirect_dma source(%dma_start3A_638 : memref<128x16xf32, #tpu.memory_space<vmem>>) target(%dma_start3A_644 : memref<640x16xf32, #tpu.memory_space<vmem_shared>>) offsets(%dma_start3A_641 : memref<128xi32, #tpu.memory_space<vmem>>) semaphore(%run_scoped3A_635 : memref<!tpu.dma_semaphore, #tpu.memory_space<semaphore_mem>>) {add = true}
      %dma_wait3A = arith.constant 512 : i32
      %dma_wait3A_645 = arith.constant 0 : i32
      %dma_wait3A_646 = tpu.memref_slice %arg11[%dma_wait3A, %dma_wait3A_645] : memref<640x16xf32, #tpu.memory_space<vmem>> -> memref<128x16xf32, #tpu.memory_space<vmem>>
      %dma_wait3A_647 = arith.constant 0 : i32
      %dma_wait3A_648 = tpu.memref_slice %arg10[%run_scoped3A_571, %dma_wait3A_647] : memref<5x128xi32, #tpu.memory_space<vmem>> -> memref<1x128xi32, #tpu.memory_space<vmem>>
      %dma_wait3A_649 = tpu.memref_squeeze %dma_wait3A_648 : memref<1x128xi32, #tpu.memory_space<vmem>> -> memref<128xi32, #tpu.memory_space<vmem>>
      %dma_wait3A_650 = arith.constant 0 : i32
      %dma_wait3A_651 = arith.constant 0 : i32
      %dma_wait3A_652 = tpu.memref_slice %arg18[%dma_wait3A_650, %dma_wait3A_651] : memref<640x16xf32, #tpu.memory_space<vmem_shared>> -> memref<640x16xf32, #tpu.memory_space<vmem_shared>>
      tpu.wait_indirect_dma semaphore(%run_scoped3A_635 : memref<!tpu.dma_semaphore, #tpu.memory_space<semaphore_mem>>) src(%dma_wait3A_646 : memref<128x16xf32, #tpu.memory_space<vmem>>) dst(%dma_wait3A_652 : memref<640x16xf32, #tpu.memory_space<vmem_shared>>)
      tpu.yield
    }) : () -> ()
    %barrier3A_572 = arith.constant 0 : index
    tpu.barrier barrier_id(%barrier3A_572)
    %mul3A_573 = arith.constant 40 : i32
    %mul3A_574 = arith.muli %arg1, %mul3A_573 : i32
    "tpu.region"() ({
      %run_scoped3A_635 = tpu.sem_alloc : memref<!tpu.dma_semaphore, #tpu.memory_space<semaphore_mem>>
      %dma_start3A_636 = arith.constant 0 : i32
      %dma_start3A_637 = tpu.memref_slice %arg18[%mul3A_574, %dma_start3A_636] : memref<640x16xf32, #tpu.memory_space<vmem_shared>> -> memref<40x16xf32, #tpu.memory_space<vmem_shared>>
      %dma_start3A_638 = arith.constant 0 : i32
      %dma_start3A_639 = tpu.memref_slice %arg18[%mul3A_574, %dma_start3A_638] : memref<640x16xf32, #tpu.memory_space<vmem_shared>> -> memref<40x16xf32, #tpu.memory_space<vmem_shared>>
      tpu.enqueue_dma source(%dma_start3A_639 : memref<40x16xf32, #tpu.memory_space<vmem_shared>>) target(%arg14 : memref<40x16xf32, #tpu.memory_space<vmem>>) target_semaphore(%run_scoped3A_635 : memref<!tpu.dma_semaphore, #tpu.memory_space<semaphore_mem>>)
      %dma_wait3A = arith.constant 0 : i32
      %dma_wait3A_640 = tpu.memref_slice %arg18[%mul3A_574, %dma_wait3A] : memref<640x16xf32, #tpu.memory_space<vmem_shared>> -> memref<40x16xf32, #tpu.memory_space<vmem_shared>>
      %dma_wait3A_641 = arith.constant 0 : i32
      %dma_wait3A_642 = tpu.memref_slice %arg18[%mul3A_574, %dma_wait3A_641] : memref<640x16xf32, #tpu.memory_space<vmem_shared>> -> memref<40x16xf32, #tpu.memory_space<vmem_shared>>
      tpu.wait_dma2 semaphore(%run_scoped3A_635 : memref<!tpu.dma_semaphore, #tpu.memory_space<semaphore_mem>>) src(%dma_wait3A_642 : memref<40x16xf32, #tpu.memory_space<vmem_shared>>) dst(%arg14 : memref<40x16xf32, #tpu.memory_space<vmem>>)
      tpu.yield
    }) : () -> ()
    %scan3A_575 = arith.constant 0 : i32
    %scan3A_576 = arith.constant 0 : i32
    %scan3A_577 = arith.constant 40 : i32
    %scan3A_578 = arith.addi %scan3A_576, %scan3A_577 : i32
    %scan3A_579 = arith.constant 1 : i32
    scf.for %scan3A_635 = %scan3A_576 to %scan3A_578 step %scan3A_579  : i32 {
      %get3A = arith.index_cast %scan3A_635 : i32 to index
      %get3A_636 = arith.constant 0 : index
      %get3A_637 = tpu.vector_load %arg14[%get3A, %get3A_636] {strides = array<i32>} : memref<40x16xf32, #tpu.memory_space<vmem>>, vector<16xf32>,
      %add3A_638 = arith.constant 1.000000e+00 : f32
      %add3A_639 = vector.broadcast %add3A_638 : f32 to vector<16xf32>
      %add3A_640 = arith.addf %get3A_637, %add3A_639 : vector<16xf32>
      %bitcast3A = vector.bitcast %add3A_640 : vector<16xf32> to vector<16xi32>
      %shift_right_logical3A = arith.constant 1 : i32
      %shift_right_logical3A_641 = vector.broadcast %shift_right_logical3A : i32 to vector<16xi32>
      %shift_right_logical3A_642 = arith.shrui %bitcast3A, %shift_right_logical3A_641 : vector<16xi32>
      %sub3A = arith.constant 1597463007 : i32
      %sub3A_643 = vector.broadcast %sub3A : i32 to vector<16xi32>
      %sub3A_644 = arith.subi %sub3A_643, %shift_right_logical3A_642 : vector<16xi32>
      %bitcast3A_645 = vector.bitcast %sub3A_644 : vector<16xi32> to vector<16xf32>
      %mul3A_646 = arith.constant 5.000000e-01 : f32
      %mul3A_647 = vector.broadcast %mul3A_646 : f32 to vector<16xf32>
      %mul3A_648 = arith.mulf %mul3A_647, %add3A_640 : vector<16xf32>
      %mul3A_649 = arith.mulf %mul3A_648, %bitcast3A_645 : vector<16xf32>
      %mul3A_650 = arith.mulf %mul3A_649, %bitcast3A_645 : vector<16xf32>
      %sub3A_651 = arith.constant 1.500000e+00 : f32
      %sub3A_652 = vector.broadcast %sub3A_651 : f32 to vector<16xf32>
      %sub3A_653 = arith.subf %sub3A_652, %mul3A_650 : vector<16xf32>
      %mul3A_654 = arith.mulf %bitcast3A_645, %sub3A_653 : vector<16xf32>
      %mul3A_655 = arith.mulf %mul3A_648, %mul3A_654 : vector<16xf32>
      %mul3A_656 = arith.mulf %mul3A_655, %mul3A_654 : vector<16xf32>
      %sub3A_657 = arith.constant 1.500000e+00 : f32
      %sub3A_658 = vector.broadcast %sub3A_657 : f32 to vector<16xf32>
      %sub3A_659 = arith.subf %sub3A_658, %mul3A_656 : vector<16xf32>
      %mul3A_660 = arith.mulf %mul3A_654, %sub3A_659 : vector<16xf32>
      %mul3A_661 = arith.mulf %mul3A_648, %mul3A_660 : vector<16xf32>
      %mul3A_662 = arith.mulf %mul3A_661, %mul3A_660 : vector<16xf32>
      %sub3A_663 = arith.constant 1.500000e+00 : f32
      %sub3A_664 = vector.broadcast %sub3A_663 : f32 to vector<16xf32>
      %sub3A_665 = arith.subf %sub3A_664, %mul3A_662 : vector<16xf32>
      %mul3A_666 = arith.mulf %mul3A_660, %sub3A_665 : vector<16xf32>
      %swap3A_667 = arith.index_cast %scan3A_635 : i32 to index
      %swap3A_668 = arith.constant 0 : index
      %swap3A_669 = tpu.vector_load %arg15[%swap3A_667, %swap3A_668] {strides = array<i32>} : memref<40x16xf32, #tpu.memory_space<vmem>>, vector<16xf32>,
      tpu.vector_store %arg15[%swap3A_667, %swap3A_668], %mul3A_666 {strides = array<i32>} : memref<40x16xf32, #tpu.memory_space<vmem>>, vector<16xf32>,
    }
    %scan3A_580 = arith.constant 40 : i32
    %scan3A_581 = arith.constant 0 : i32
    %scan3A_582 = arith.constant 0 : i32
    %scan3A_583 = arith.constant 40 : i32
    %scan3A_584 = arith.addi %scan3A_582, %scan3A_583 : i32
    %scan3A_585 = arith.constant 1 : i32
    scf.for %scan3A_635 = %scan3A_582 to %scan3A_584 step %scan3A_585  : i32 {
      %get3A = arith.index_cast %scan3A_635 : i32 to index
      %get3A_636 = arith.constant 0 : index
      %get3A_637 = tpu.vector_load %arg15[%get3A, %get3A_636] {strides = array<i32>} : memref<40x16xf32, #tpu.memory_space<vmem>>, vector<16xf32>,
      %mul3A_638 = arith.constant 16 : i32
      %mul3A_639 = arith.muli %mul3A_638, %scan3A_635 : i32
      %add3A_640 = arith.constant 0 : i32
      %add3A_641 = arith.addi %mul3A_639, %add3A_640 : i32
      %get3A_642 = arith.index_cast %add3A_641 : i32 to index
      %get3A_643 = arith.constant 0 : index
      %get3A_644 = tpu.vector_load %arg12[%get3A_642, %get3A_643] {strides = array<i32>} : memref<640x16xf32, #tpu.memory_space<vmem>>, vector<16xf32>,
      %slice3A = vector.extract_strided_slice %get3A_637 {offsets = [0], sizes = [1], strides = [1]} : vector<16xf32> to vector<1xf32>
      %squeeze3A = vector.extract %slice3A[0] : f32 from vector<1xf32>
      %mul3A_645 = vector.broadcast %squeeze3A : f32 to vector<16xf32>
      %mul3A_646 = arith.mulf %get3A_644, %mul3A_645 : vector<16xf32>
      %swap3A_647 = arith.index_cast %add3A_641 : i32 to index
      %swap3A_648 = arith.constant 0 : index
      %swap3A_649 = tpu.vector_load %arg13[%swap3A_647, %swap3A_648] {strides = array<i32>} : memref<640x16xf32, #tpu.memory_space<vmem>>, vector<16xf32>,
      tpu.vector_store %arg13[%swap3A_647, %swap3A_648], %mul3A_646 {strides = array<i32>} : memref<640x16xf32, #tpu.memory_space<vmem>>, vector<16xf32>,
      %mul3A_650 = arith.constant 16 : i32
      %mul3A_651 = arith.muli %mul3A_650, %scan3A_635 : i32
      %add3A_652 = arith.constant 1 : i32
      %add3A_653 = arith.addi %mul3A_651, %add3A_652 : i32
      %get3A_654 = arith.index_cast %add3A_653 : i32 to index
      %get3A_655 = arith.constant 0 : index
      %get3A_656 = tpu.vector_load %arg12[%get3A_654, %get3A_655] {strides = array<i32>} : memref<640x16xf32, #tpu.memory_space<vmem>>, vector<16xf32>,
      %slice3A_657 = vector.extract_strided_slice %get3A_637 {offsets = [1], sizes = [1], strides = [1]} : vector<16xf32> to vector<1xf32>
      %squeeze3A_658 = vector.extract %slice3A_657[0] : f32 from vector<1xf32>
      %mul3A_659 = vector.broadcast %squeeze3A_658 : f32 to vector<16xf32>
      %mul3A_660 = arith.mulf %get3A_656, %mul3A_659 : vector<16xf32>
      %swap3A_661 = arith.index_cast %add3A_653 : i32 to index
      %swap3A_662 = arith.constant 0 : index
      %swap3A_663 = tpu.vector_load %arg13[%swap3A_661, %swap3A_662] {strides = array<i32>} : memref<640x16xf32, #tpu.memory_space<vmem>>, vector<16xf32>,
      tpu.vector_store %arg13[%swap3A_661, %swap3A_662], %mul3A_660 {strides = array<i32>} : memref<640x16xf32, #tpu.memory_space<vmem>>, vector<16xf32>,
      %mul3A_664 = arith.constant 16 : i32
      %mul3A_665 = arith.muli %mul3A_664, %scan3A_635 : i32
      %add3A_666 = arith.constant 2 : i32
      %add3A_667 = arith.addi %mul3A_665, %add3A_666 : i32
      %get3A_668 = arith.index_cast %add3A_667 : i32 to index
      %get3A_669 = arith.constant 0 : index
      %get3A_670 = tpu.vector_load %arg12[%get3A_668, %get3A_669] {strides = array<i32>} : memref<640x16xf32, #tpu.memory_space<vmem>>, vector<16xf32>,
      %slice3A_671 = vector.extract_strided_slice %get3A_637 {offsets = [2], sizes = [1], strides = [1]} : vector<16xf32> to vector<1xf32>
      %squeeze3A_672 = vector.extract %slice3A_671[0] : f32 from vector<1xf32>
      %mul3A_673 = vector.broadcast %squeeze3A_672 : f32 to vector<16xf32>
      %mul3A_674 = arith.mulf %get3A_670, %mul3A_673 : vector<16xf32>
      %swap3A_675 = arith.index_cast %add3A_667 : i32 to index
      %swap3A_676 = arith.constant 0 : index
      %swap3A_677 = tpu.vector_load %arg13[%swap3A_675, %swap3A_676] {strides = array<i32>} : memref<640x16xf32, #tpu.memory_space<vmem>>, vector<16xf32>,
      tpu.vector_store %arg13[%swap3A_675, %swap3A_676], %mul3A_674 {strides = array<i32>} : memref<640x16xf32, #tpu.memory_space<vmem>>, vector<16xf32>,
      %mul3A_678 = arith.constant 16 : i32
      %mul3A_679 = arith.muli %mul3A_678, %scan3A_635 : i32
      %add3A_680 = arith.constant 3 : i32
      %add3A_681 = arith.addi %mul3A_679, %add3A_680 : i32
      %get3A_682 = arith.index_cast %add3A_681 : i32 to index
      %get3A_683 = arith.constant 0 : index
      %get3A_684 = tpu.vector_load %arg12[%get3A_682, %get3A_683] {strides = array<i32>} : memref<640x16xf32, #tpu.memory_space<vmem>>, vector<16xf32>,
      %slice3A_685 = vector.extract_strided_slice %get3A_637 {offsets = [3], sizes = [1], strides = [1]} : vector<16xf32> to vector<1xf32>
      %squeeze3A_686 = vector.extract %slice3A_685[0] : f32 from vector<1xf32>
      %mul3A_687 = vector.broadcast %squeeze3A_686 : f32 to vector<16xf32>
      %mul3A_688 = arith.mulf %get3A_684, %mul3A_687 : vector<16xf32>
      %swap3A_689 = arith.index_cast %add3A_681 : i32 to index
      %swap3A_690 = arith.constant 0 : index
      %swap3A_691 = tpu.vector_load %arg13[%swap3A_689, %swap3A_690] {strides = array<i32>} : memref<640x16xf32, #tpu.memory_space<vmem>>, vector<16xf32>,
      tpu.vector_store %arg13[%swap3A_689, %swap3A_690], %mul3A_688 {strides = array<i32>} : memref<640x16xf32, #tpu.memory_space<vmem>>, vector<16xf32>,
      %mul3A_692 = arith.constant 16 : i32
      %mul3A_693 = arith.muli %mul3A_692, %scan3A_635 : i32
      %add3A_694 = arith.constant 4 : i32
      %add3A_695 = arith.addi %mul3A_693, %add3A_694 : i32
      %get3A_696 = arith.index_cast %add3A_695 : i32 to index
      %get3A_697 = arith.constant 0 : index
      %get3A_698 = tpu.vector_load %arg12[%get3A_696, %get3A_697] {strides = array<i32>} : memref<640x16xf32, #tpu.memory_space<vmem>>, vector<16xf32>,
      %slice3A_699 = vector.extract_strided_slice %get3A_637 {offsets = [4], sizes = [1], strides = [1]} : vector<16xf32> to vector<1xf32>
      %squeeze3A_700 = vector.extract %slice3A_699[0] : f32 from vector<1xf32>
      %mul3A_701 = vector.broadcast %squeeze3A_700 : f32 to vector<16xf32>
      %mul3A_702 = arith.mulf %get3A_698, %mul3A_701 : vector<16xf32>
      %swap3A_703 = arith.index_cast %add3A_695 : i32 to index
      %swap3A_704 = arith.constant 0 : index
      %swap3A_705 = tpu.vector_load %arg13[%swap3A_703, %swap3A_704] {strides = array<i32>} : memref<640x16xf32, #tpu.memory_space<vmem>>, vector<16xf32>,
      tpu.vector_store %arg13[%swap3A_703, %swap3A_704], %mul3A_702 {strides = array<i32>} : memref<640x16xf32, #tpu.memory_space<vmem>>, vector<16xf32>,
      %mul3A_706 = arith.constant 16 : i32
      %mul3A_707 = arith.muli %mul3A_706, %scan3A_635 : i32
      %add3A_708 = arith.constant 5 : i32
      %add3A_709 = arith.addi %mul3A_707, %add3A_708 : i32
      %get3A_710 = arith.index_cast %add3A_709 : i32 to index
      %get3A_711 = arith.constant 0 : index
      %get3A_712 = tpu.vector_load %arg12[%get3A_710, %get3A_711] {strides = array<i32>} : memref<640x16xf32, #tpu.memory_space<vmem>>, vector<16xf32>,
      %slice3A_713 = vector.extract_strided_slice %get3A_637 {offsets = [5], sizes = [1], strides = [1]} : vector<16xf32> to vector<1xf32>
      %squeeze3A_714 = vector.extract %slice3A_713[0] : f32 from vector<1xf32>
      %mul3A_715 = vector.broadcast %squeeze3A_714 : f32 to vector<16xf32>
      %mul3A_716 = arith.mulf %get3A_712, %mul3A_715 : vector<16xf32>
      %swap3A_717 = arith.index_cast %add3A_709 : i32 to index
      %swap3A_718 = arith.constant 0 : index
      %swap3A_719 = tpu.vector_load %arg13[%swap3A_717, %swap3A_718] {strides = array<i32>} : memref<640x16xf32, #tpu.memory_space<vmem>>, vector<16xf32>,
      tpu.vector_store %arg13[%swap3A_717, %swap3A_718], %mul3A_716 {strides = array<i32>} : memref<640x16xf32, #tpu.memory_space<vmem>>, vector<16xf32>,
      %mul3A_720 = arith.constant 16 : i32
      %mul3A_721 = arith.muli %mul3A_720, %scan3A_635 : i32
      %add3A_722 = arith.constant 6 : i32
      %add3A_723 = arith.addi %mul3A_721, %add3A_722 : i32
      %get3A_724 = arith.index_cast %add3A_723 : i32 to index
      %get3A_725 = arith.constant 0 : index
      %get3A_726 = tpu.vector_load %arg12[%get3A_724, %get3A_725] {strides = array<i32>} : memref<640x16xf32, #tpu.memory_space<vmem>>, vector<16xf32>,
      %slice3A_727 = vector.extract_strided_slice %get3A_637 {offsets = [6], sizes = [1], strides = [1]} : vector<16xf32> to vector<1xf32>
      %squeeze3A_728 = vector.extract %slice3A_727[0] : f32 from vector<1xf32>
      %mul3A_729 = vector.broadcast %squeeze3A_728 : f32 to vector<16xf32>
      %mul3A_730 = arith.mulf %get3A_726, %mul3A_729 : vector<16xf32>
      %swap3A_731 = arith.index_cast %add3A_723 : i32 to index
      %swap3A_732 = arith.constant 0 : index
      %swap3A_733 = tpu.vector_load %arg13[%swap3A_731, %swap3A_732] {strides = array<i32>} : memref<640x16xf32, #tpu.memory_space<vmem>>, vector<16xf32>,
      tpu.vector_store %arg13[%swap3A_731, %swap3A_732], %mul3A_730 {strides = array<i32>} : memref<640x16xf32, #tpu.memory_space<vmem>>, vector<16xf32>,
      %mul3A_734 = arith.constant 16 : i32
      %mul3A_735 = arith.muli %mul3A_734, %scan3A_635 : i32
      %add3A_736 = arith.constant 7 : i32
      %add3A_737 = arith.addi %mul3A_735, %add3A_736 : i32
      %get3A_738 = arith.index_cast %add3A_737 : i32 to index
      %get3A_739 = arith.constant 0 : index
      %get3A_740 = tpu.vector_load %arg12[%get3A_738, %get3A_739] {strides = array<i32>} : memref<640x16xf32, #tpu.memory_space<vmem>>, vector<16xf32>,
      %slice3A_741 = vector.extract_strided_slice %get3A_637 {offsets = [7], sizes = [1], strides = [1]} : vector<16xf32> to vector<1xf32>
      %squeeze3A_742 = vector.extract %slice3A_741[0] : f32 from vector<1xf32>
      %mul3A_743 = vector.broadcast %squeeze3A_742 : f32 to vector<16xf32>
      %mul3A_744 = arith.mulf %get3A_740, %mul3A_743 : vector<16xf32>
      %swap3A_745 = arith.index_cast %add3A_737 : i32 to index
      %swap3A_746 = arith.constant 0 : index
      %swap3A_747 = tpu.vector_load %arg13[%swap3A_745, %swap3A_746] {strides = array<i32>} : memref<640x16xf32, #tpu.memory_space<vmem>>, vector<16xf32>,
      tpu.vector_store %arg13[%swap3A_745, %swap3A_746], %mul3A_744 {strides = array<i32>} : memref<640x16xf32, #tpu.memory_space<vmem>>, vector<16xf32>,
      %mul3A_748 = arith.constant 16 : i32
      %mul3A_749 = arith.muli %mul3A_748, %scan3A_635 : i32
      %add3A_750 = arith.constant 8 : i32
      %add3A_751 = arith.addi %mul3A_749, %add3A_750 : i32
      %get3A_752 = arith.index_cast %add3A_751 : i32 to index
      %get3A_753 = arith.constant 0 : index
      %get3A_754 = tpu.vector_load %arg12[%get3A_752, %get3A_753] {strides = array<i32>} : memref<640x16xf32, #tpu.memory_space<vmem>>, vector<16xf32>,
      %slice3A_755 = vector.extract_strided_slice %get3A_637 {offsets = [8], sizes = [1], strides = [1]} : vector<16xf32> to vector<1xf32>
      %squeeze3A_756 = vector.extract %slice3A_755[0] : f32 from vector<1xf32>
      %mul3A_757 = vector.broadcast %squeeze3A_756 : f32 to vector<16xf32>
      %mul3A_758 = arith.mulf %get3A_754, %mul3A_757 : vector<16xf32>
      %swap3A_759 = arith.index_cast %add3A_751 : i32 to index
      %swap3A_760 = arith.constant 0 : index
      %swap3A_761 = tpu.vector_load %arg13[%swap3A_759, %swap3A_760] {strides = array<i32>} : memref<640x16xf32, #tpu.memory_space<vmem>>, vector<16xf32>,
      tpu.vector_store %arg13[%swap3A_759, %swap3A_760], %mul3A_758 {strides = array<i32>} : memref<640x16xf32, #tpu.memory_space<vmem>>, vector<16xf32>,
      %mul3A_762 = arith.constant 16 : i32
      %mul3A_763 = arith.muli %mul3A_762, %scan3A_635 : i32
      %add3A_764 = arith.constant 9 : i32
      %add3A_765 = arith.addi %mul3A_763, %add3A_764 : i32
      %get3A_766 = arith.index_cast %add3A_765 : i32 to index
      %get3A_767 = arith.constant 0 : index
      %get3A_768 = tpu.vector_load %arg12[%get3A_766, %get3A_767] {strides = array<i32>} : memref<640x16xf32, #tpu.memory_space<vmem>>, vector<16xf32>,
      %slice3A_769 = vector.extract_strided_slice %get3A_637 {offsets = [9], sizes = [1], strides = [1]} : vector<16xf32> to vector<1xf32>
      %squeeze3A_770 = vector.extract %slice3A_769[0] : f32 from vector<1xf32>
      %mul3A_771 = vector.broadcast %squeeze3A_770 : f32 to vector<16xf32>
      %mul3A_772 = arith.mulf %get3A_768, %mul3A_771 : vector<16xf32>
      %swap3A_773 = arith.index_cast %add3A_765 : i32 to index
      %swap3A_774 = arith.constant 0 : index
      %swap3A_775 = tpu.vector_load %arg13[%swap3A_773, %swap3A_774] {strides = array<i32>} : memref<640x16xf32, #tpu.memory_space<vmem>>, vector<16xf32>,
      tpu.vector_store %arg13[%swap3A_773, %swap3A_774], %mul3A_772 {strides = array<i32>} : memref<640x16xf32, #tpu.memory_space<vmem>>, vector<16xf32>,
      %mul3A_776 = arith.constant 16 : i32
      %mul3A_777 = arith.muli %mul3A_776, %scan3A_635 : i32
      %add3A_778 = arith.constant 10 : i32
      %add3A_779 = arith.addi %mul3A_777, %add3A_778 : i32
      %get3A_780 = arith.index_cast %add3A_779 : i32 to index
      %get3A_781 = arith.constant 0 : index
      %get3A_782 = tpu.vector_load %arg12[%get3A_780, %get3A_781] {strides = array<i32>} : memref<640x16xf32, #tpu.memory_space<vmem>>, vector<16xf32>,
      %slice3A_783 = vector.extract_strided_slice %get3A_637 {offsets = [10], sizes = [1], strides = [1]} : vector<16xf32> to vector<1xf32>
      %squeeze3A_784 = vector.extract %slice3A_783[0] : f32 from vector<1xf32>
      %mul3A_785 = vector.broadcast %squeeze3A_784 : f32 to vector<16xf32>
      %mul3A_786 = arith.mulf %get3A_782, %mul3A_785 : vector<16xf32>
      %swap3A_787 = arith.index_cast %add3A_779 : i32 to index
      %swap3A_788 = arith.constant 0 : index
      %swap3A_789 = tpu.vector_load %arg13[%swap3A_787, %swap3A_788] {strides = array<i32>} : memref<640x16xf32, #tpu.memory_space<vmem>>, vector<16xf32>,
      tpu.vector_store %arg13[%swap3A_787, %swap3A_788], %mul3A_786 {strides = array<i32>} : memref<640x16xf32, #tpu.memory_space<vmem>>, vector<16xf32>,
      %mul3A_790 = arith.constant 16 : i32
      %mul3A_791 = arith.muli %mul3A_790, %scan3A_635 : i32
      %add3A_792 = arith.constant 11 : i32
      %add3A_793 = arith.addi %mul3A_791, %add3A_792 : i32
      %get3A_794 = arith.index_cast %add3A_793 : i32 to index
      %get3A_795 = arith.constant 0 : index
      %get3A_796 = tpu.vector_load %arg12[%get3A_794, %get3A_795] {strides = array<i32>} : memref<640x16xf32, #tpu.memory_space<vmem>>, vector<16xf32>,
      %slice3A_797 = vector.extract_strided_slice %get3A_637 {offsets = [11], sizes = [1], strides = [1]} : vector<16xf32> to vector<1xf32>
      %squeeze3A_798 = vector.extract %slice3A_797[0] : f32 from vector<1xf32>
      %mul3A_799 = vector.broadcast %squeeze3A_798 : f32 to vector<16xf32>
      %mul3A_800 = arith.mulf %get3A_796, %mul3A_799 : vector<16xf32>
      %swap3A_801 = arith.index_cast %add3A_793 : i32 to index
      %swap3A_802 = arith.constant 0 : index
      %swap3A_803 = tpu.vector_load %arg13[%swap3A_801, %swap3A_802] {strides = array<i32>} : memref<640x16xf32, #tpu.memory_space<vmem>>, vector<16xf32>,
      tpu.vector_store %arg13[%swap3A_801, %swap3A_802], %mul3A_800 {strides = array<i32>} : memref<640x16xf32, #tpu.memory_space<vmem>>, vector<16xf32>,
      %mul3A_804 = arith.constant 16 : i32
      %mul3A_805 = arith.muli %mul3A_804, %scan3A_635 : i32
      %add3A_806 = arith.constant 12 : i32
      %add3A_807 = arith.addi %mul3A_805, %add3A_806 : i32
      %get3A_808 = arith.index_cast %add3A_807 : i32 to index
      %get3A_809 = arith.constant 0 : index
      %get3A_810 = tpu.vector_load %arg12[%get3A_808, %get3A_809] {strides = array<i32>} : memref<640x16xf32, #tpu.memory_space<vmem>>, vector<16xf32>,
      %slice3A_811 = vector.extract_strided_slice %get3A_637 {offsets = [12], sizes = [1], strides = [1]} : vector<16xf32> to vector<1xf32>
      %squeeze3A_812 = vector.extract %slice3A_811[0] : f32 from vector<1xf32>
      %mul3A_813 = vector.broadcast %squeeze3A_812 : f32 to vector<16xf32>
      %mul3A_814 = arith.mulf %get3A_810, %mul3A_813 : vector<16xf32>
      %swap3A_815 = arith.index_cast %add3A_807 : i32 to index
      %swap3A_816 = arith.constant 0 : index
      %swap3A_817 = tpu.vector_load %arg13[%swap3A_815, %swap3A_816] {strides = array<i32>} : memref<640x16xf32, #tpu.memory_space<vmem>>, vector<16xf32>,
      tpu.vector_store %arg13[%swap3A_815, %swap3A_816], %mul3A_814 {strides = array<i32>} : memref<640x16xf32, #tpu.memory_space<vmem>>, vector<16xf32>,
      %mul3A_818 = arith.constant 16 : i32
      %mul3A_819 = arith.muli %mul3A_818, %scan3A_635 : i32
      %add3A_820 = arith.constant 13 : i32
      %add3A_821 = arith.addi %mul3A_819, %add3A_820 : i32
      %get3A_822 = arith.index_cast %add3A_821 : i32 to index
      %get3A_823 = arith.constant 0 : index
      %get3A_824 = tpu.vector_load %arg12[%get3A_822, %get3A_823] {strides = array<i32>} : memref<640x16xf32, #tpu.memory_space<vmem>>, vector<16xf32>,
      %slice3A_825 = vector.extract_strided_slice %get3A_637 {offsets = [13], sizes = [1], strides = [1]} : vector<16xf32> to vector<1xf32>
      %squeeze3A_826 = vector.extract %slice3A_825[0] : f32 from vector<1xf32>
      %mul3A_827 = vector.broadcast %squeeze3A_826 : f32 to vector<16xf32>
      %mul3A_828 = arith.mulf %get3A_824, %mul3A_827 : vector<16xf32>
      %swap3A_829 = arith.index_cast %add3A_821 : i32 to index
      %swap3A_830 = arith.constant 0 : index
      %swap3A_831 = tpu.vector_load %arg13[%swap3A_829, %swap3A_830] {strides = array<i32>} : memref<640x16xf32, #tpu.memory_space<vmem>>, vector<16xf32>,
      tpu.vector_store %arg13[%swap3A_829, %swap3A_830], %mul3A_828 {strides = array<i32>} : memref<640x16xf32, #tpu.memory_space<vmem>>, vector<16xf32>,
      %mul3A_832 = arith.constant 16 : i32
      %mul3A_833 = arith.muli %mul3A_832, %scan3A_635 : i32
      %add3A_834 = arith.constant 14 : i32
      %add3A_835 = arith.addi %mul3A_833, %add3A_834 : i32
      %get3A_836 = arith.index_cast %add3A_835 : i32 to index
      %get3A_837 = arith.constant 0 : index
      %get3A_838 = tpu.vector_load %arg12[%get3A_836, %get3A_837] {strides = array<i32>} : memref<640x16xf32, #tpu.memory_space<vmem>>, vector<16xf32>,
      %slice3A_839 = vector.extract_strided_slice %get3A_637 {offsets = [14], sizes = [1], strides = [1]} : vector<16xf32> to vector<1xf32>
      %squeeze3A_840 = vector.extract %slice3A_839[0] : f32 from vector<1xf32>
      %mul3A_841 = vector.broadcast %squeeze3A_840 : f32 to vector<16xf32>
      %mul3A_842 = arith.mulf %get3A_838, %mul3A_841 : vector<16xf32>
      %swap3A_843 = arith.index_cast %add3A_835 : i32 to index
      %swap3A_844 = arith.constant 0 : index
      %swap3A_845 = tpu.vector_load %arg13[%swap3A_843, %swap3A_844] {strides = array<i32>} : memref<640x16xf32, #tpu.memory_space<vmem>>, vector<16xf32>,
      tpu.vector_store %arg13[%swap3A_843, %swap3A_844], %mul3A_842 {strides = array<i32>} : memref<640x16xf32, #tpu.memory_space<vmem>>, vector<16xf32>,
      %mul3A_846 = arith.constant 16 : i32
      %mul3A_847 = arith.muli %mul3A_846, %scan3A_635 : i32
      %add3A_848 = arith.constant 15 : i32
      %add3A_849 = arith.addi %mul3A_847, %add3A_848 : i32
      %get3A_850 = arith.index_cast %add3A_849 : i32 to index
      %get3A_851 = arith.constant 0 : index
      %get3A_852 = tpu.vector_load %arg12[%get3A_850, %get3A_851] {strides = array<i32>} : memref<640x16xf32, #tpu.memory_space<vmem>>, vector<16xf32>,
      %slice3A_853 = vector.extract_strided_slice %get3A_637 {offsets = [15], sizes = [1], strides = [1]} : vector<16xf32> to vector<1xf32>
      %squeeze3A_854 = vector.extract %slice3A_853[0] : f32 from vector<1xf32>
      %mul3A_855 = vector.broadcast %squeeze3A_854 : f32 to vector<16xf32>
      %mul3A_856 = arith.mulf %get3A_852, %mul3A_855 : vector<16xf32>
      %swap3A_857 = arith.index_cast %add3A_849 : i32 to index
      %swap3A_858 = arith.constant 0 : index
      %swap3A_859 = tpu.vector_load %arg13[%swap3A_857, %swap3A_858] {strides = array<i32>} : memref<640x16xf32, #tpu.memory_space<vmem>>, vector<16xf32>,
      tpu.vector_store %arg13[%swap3A_857, %swap3A_858], %mul3A_856 {strides = array<i32>} : memref<640x16xf32, #tpu.memory_space<vmem>>, vector<16xf32>,
    }
    %scan3A_586 = arith.constant 40 : i32
    %mul3A_587 = arith.constant 640 : i32
    %mul3A_588 = arith.muli %arg1, %mul3A_587 : i32
    "tpu.region"() ({
      %run_scoped3A_635 = tpu.sem_alloc : memref<!tpu.dma_semaphore, #tpu.memory_space<semaphore_mem>>
      %dma_start3A_636 = arith.constant 0 : i32
      %dma_start3A_637 = tpu.memref_slice %arg19[%mul3A_588, %dma_start3A_636] : memref<10240x16xf32, #tpu.memory_space<vmem_shared>> -> memref<640x16xf32, #tpu.memory_space<vmem_shared>>
      %dma_start3A_638 = arith.constant 0 : i32
      %dma_start3A_639 = tpu.memref_slice %arg19[%mul3A_588, %dma_start3A_638] : memref<10240x16xf32, #tpu.memory_space<vmem_shared>> -> memref<640x16xf32, #tpu.memory_space<vmem_shared>>
      tpu.enqueue_dma source(%arg13 : memref<640x16xf32, #tpu.memory_space<vmem>>) target(%dma_start3A_639 : memref<640x16xf32, #tpu.memory_space<vmem_shared>>) target_semaphore(%run_scoped3A_635 : memref<!tpu.dma_semaphore, #tpu.memory_space<semaphore_mem>>)
      %dma_wait3A = arith.constant 0 : i32
      %dma_wait3A_640 = tpu.memref_slice %arg19[%mul3A_588, %dma_wait3A] : memref<10240x16xf32, #tpu.memory_space<vmem_shared>> -> memref<640x16xf32, #tpu.memory_space<vmem_shared>>
      %dma_wait3A_641 = arith.constant 0 : i32
      %dma_wait3A_642 = tpu.memref_slice %arg19[%mul3A_588, %dma_wait3A_641] : memref<10240x16xf32, #tpu.memory_space<vmem_shared>> -> memref<640x16xf32, #tpu.memory_space<vmem_shared>>
      tpu.wait_dma2 semaphore(%run_scoped3A_635 : memref<!tpu.dma_semaphore, #tpu.memory_space<semaphore_mem>>) src(%arg13 : memref<640x16xf32, #tpu.memory_space<vmem>>) dst(%dma_wait3A_642 : memref<640x16xf32, #tpu.memory_space<vmem_shared>>)
      tpu.yield
    }) : () -> ()
    %mul3A_589 = arith.constant 640 : i32
    %mul3A_590 = arith.muli %arg1, %mul3A_589 : i32
    "tpu.region"() ({
      %run_scoped3A_635 = tpu.sem_alloc : memref<!tpu.dma_semaphore, #tpu.memory_space<semaphore_mem>>
      %dma_start3A_636 = arith.constant 0 : i32
      %dma_start3A_637 = tpu.memref_slice %arg20[%mul3A_590, %dma_start3A_636] : memref<10240x16xf32, #tpu.memory_space<vmem_shared>> -> memref<640x16xf32, #tpu.memory_space<vmem_shared>>
      %dma_start3A_638 = arith.constant 0 : i32
      %dma_start3A_639 = tpu.memref_slice %arg20[%mul3A_590, %dma_start3A_638] : memref<10240x16xf32, #tpu.memory_space<vmem_shared>> -> memref<640x16xf32, #tpu.memory_space<vmem_shared>>
      tpu.enqueue_dma source(%arg13 : memref<640x16xf32, #tpu.memory_space<vmem>>) target(%dma_start3A_639 : memref<640x16xf32, #tpu.memory_space<vmem_shared>>) target_semaphore(%run_scoped3A_635 : memref<!tpu.dma_semaphore, #tpu.memory_space<semaphore_mem>>)
      %dma_wait3A = arith.constant 0 : i32
      %dma_wait3A_640 = tpu.memref_slice %arg20[%mul3A_590, %dma_wait3A] : memref<10240x16xf32, #tpu.memory_space<vmem_shared>> -> memref<640x16xf32, #tpu.memory_space<vmem_shared>>
      %dma_wait3A_641 = arith.constant 0 : i32
      %dma_wait3A_642 = tpu.memref_slice %arg20[%mul3A_590, %dma_wait3A_641] : memref<10240x16xf32, #tpu.memory_space<vmem_shared>> -> memref<640x16xf32, #tpu.memory_space<vmem_shared>>
      tpu.wait_dma2 semaphore(%run_scoped3A_635 : memref<!tpu.dma_semaphore, #tpu.memory_space<semaphore_mem>>) src(%arg13 : memref<640x16xf32, #tpu.memory_space<vmem>>) dst(%dma_wait3A_642 : memref<640x16xf32, #tpu.memory_space<vmem_shared>>)
      tpu.yield
    }) : () -> ()
    %mul3A_591 = arith.constant 320 : i32
    %mul3A_592 = arith.muli %arg0, %mul3A_591 : i32
    %mul3A_593 = arith.constant 640 : i32
    %mul3A_594 = arith.muli %arg1, %mul3A_593 : i32
    %mul3A_595 = arith.constant 320 : i32
    %mul3A_596 = arith.muli %arg0, %mul3A_595 : i32
    %add3A_597 = arith.addi %mul3A_594, %mul3A_596 : i32
    "tpu.region"() ({
      %run_scoped3A_635 = tpu.sem_alloc : memref<!tpu.dma_semaphore, #tpu.memory_space<semaphore_mem>>
      %dma_start3A_636 = arith.constant 0 : i32
      %dma_start3A_637 = tpu.memref_slice %arg13[%mul3A_592, %dma_start3A_636] : memref<640x16xf32, #tpu.memory_space<vmem>> -> memref<320x16xf32, #tpu.memory_space<vmem>>
      %dma_start3A_638 = arith.constant 0 : i32
      %dma_start3A_639 = tpu.memref_slice %arg5[%add3A_597, %dma_start3A_638] : memref<10240x16xf32, #tpu.memory_space<hbm>> -> memref<320x16xf32, #tpu.memory_space<hbm>>
      %dma_start3A_640 = arith.constant 0 : i32
      %dma_start3A_641 = tpu.memref_slice %arg5[%add3A_597, %dma_start3A_640] : memref<10240x16xf32, #tpu.memory_space<hbm>> -> memref<320x16xf32, #tpu.memory_space<hbm>>
      %dma_start3A_642 = arith.constant 0 : i32
      %dma_start3A_643 = tpu.memref_slice %arg13[%mul3A_592, %dma_start3A_642] : memref<640x16xf32, #tpu.memory_space<vmem>> -> memref<320x16xf32, #tpu.memory_space<vmem>>
      tpu.enqueue_dma source(%dma_start3A_643 : memref<320x16xf32, #tpu.memory_space<vmem>>) target(%dma_start3A_641 : memref<320x16xf32, #tpu.memory_space<hbm>>) target_semaphore(%run_scoped3A_635 : memref<!tpu.dma_semaphore, #tpu.memory_space<semaphore_mem>>)
      %dma_wait3A = arith.constant 0 : i32
      %dma_wait3A_644 = tpu.memref_slice %arg13[%mul3A_592, %dma_wait3A] : memref<640x16xf32, #tpu.memory_space<vmem>> -> memref<320x16xf32, #tpu.memory_space<vmem>>
      %dma_wait3A_645 = arith.constant 0 : i32
      %dma_wait3A_646 = tpu.memref_slice %arg5[%add3A_597, %dma_wait3A_645] : memref<10240x16xf32, #tpu.memory_space<hbm>> -> memref<320x16xf32, #tpu.memory_space<hbm>>
      %dma_wait3A_647 = arith.constant 0 : i32
      %dma_wait3A_648 = tpu.memref_slice %arg5[%add3A_597, %dma_wait3A_647] : memref<10240x16xf32, #tpu.memory_space<hbm>> -> memref<320x16xf32, #tpu.memory_space<hbm>>
      %dma_wait3A_649 = arith.constant 0 : i32
      %dma_wait3A_650 = tpu.memref_slice %arg13[%mul3A_592, %dma_wait3A_649] : memref<640x16xf32, #tpu.memory_space<vmem>> -> memref<320x16xf32, #tpu.memory_space<vmem>>
      tpu.wait_dma2 semaphore(%run_scoped3A_635 : memref<!tpu.dma_semaphore, #tpu.memory_space<semaphore_mem>>) src(%dma_wait3A_650 : memref<320x16xf32, #tpu.memory_space<vmem>>) dst(%dma_wait3A_648 : memref<320x16xf32, #tpu.memory_space<hbm>>)
      tpu.yield
    }) : () -> ()
    %barrier3A_598 = arith.constant 0 : index
    tpu.barrier barrier_id(%barrier3A_598)
    %convert_element_type3A_599 = arith.extui %lt3A_5 : i1 to i32
    %add3A_600 = arith.constant 78 : i32
    %add3A_601 = arith.addi %add3A_600, %convert_element_type3A_599 : i32
    %dma_start3A = arith.constant 0 : i32
    %dma_start3A_602 = arith.constant 0 : i32
    %dma_start3A_603 = tpu.memref_slice %arg7[%dma_start3A, %dma_start3A_602] : memref<79x128xi32, #tpu.memory_space<vmem>> -> memref<1x128xi32, #tpu.memory_space<vmem>>
    %dma_start3A_604 = tpu.memref_squeeze %dma_start3A_603 : memref<1x128xi32, #tpu.memory_space<vmem>> -> memref<128xi32, #tpu.memory_space<vmem>>
    %dma_start3A_605 = arith.constant 0 : i32
    %dma_start3A_606 = arith.constant 0 : i32
    %dma_start3A_607 = tpu.memref_slice %arg19[%dma_start3A_605, %dma_start3A_606] : memref<10240x16xf32, #tpu.memory_space<vmem_shared>> -> memref<10240x16xf32, #tpu.memory_space<vmem_shared>>
    tpu.enqueue_indirect_dma source(%dma_start3A_607 : memref<10240x16xf32, #tpu.memory_space<vmem_shared>>) target(%arg16 : memref<128x16xf32, #tpu.memory_space<vmem>>) offsets(%dma_start3A_604 : memref<128xi32, #tpu.memory_space<vmem>>) semaphore(%arg21 : memref<!tpu.dma_semaphore, #tpu.memory_space<semaphore_mem>>)
    %scan3A_608 = arith.constant 0 : i32
    %scan3A_609 = arith.constant 0 : i32
    %scan3A_610 = arith.constant 39 : i32
    %scan3A_611 = arith.addi %scan3A_609, %scan3A_610 : i32
    %scan3A_612 = arith.constant 1 : i32
    scf.for %scan3A_635 = %scan3A_609 to %scan3A_611 step %scan3A_612  : i32 {
      %mul3A_636 = arith.constant 2 : i32
      %mul3A_637 = arith.muli %mul3A_636, %scan3A_635 : i32
      %add3A_638 = arith.constant 1 : i32
      %add3A_639 = arith.addi %mul3A_637, %add3A_638 : i32
      %dma_start3A_640 = arith.constant 0 : i32
      %dma_start3A_641 = tpu.memref_slice %arg7[%add3A_639, %dma_start3A_640] : memref<79x128xi32, #tpu.memory_space<vmem>> -> memref<1x128xi32, #tpu.memory_space<vmem>>
      %dma_start3A_642 = tpu.memref_squeeze %dma_start3A_641 : memref<1x128xi32, #tpu.memory_space<vmem>> -> memref<128xi32, #tpu.memory_space<vmem>>
      %dma_start3A_643 = arith.constant 0 : i32
      %dma_start3A_644 = arith.constant 0 : i32
      %dma_start3A_645 = tpu.memref_slice %arg19[%dma_start3A_643, %dma_start3A_644] : memref<10240x16xf32, #tpu.memory_space<vmem_shared>> -> memref<10240x16xf32, #tpu.memory_space<vmem_shared>>
      tpu.enqueue_indirect_dma source(%dma_start3A_645 : memref<10240x16xf32, #tpu.memory_space<vmem_shared>>) target(%arg17 : memref<128x16xf32, #tpu.memory_space<vmem>>) offsets(%dma_start3A_642 : memref<128xi32, #tpu.memory_space<vmem>>) semaphore(%arg22 : memref<!tpu.dma_semaphore, #tpu.memory_space<semaphore_mem>>)
      %dma_wait3A = arith.constant 0 : i32
      %dma_wait3A_646 = tpu.memref_slice %arg7[%mul3A_637, %dma_wait3A] : memref<79x128xi32, #tpu.memory_space<vmem>> -> memref<1x128xi32, #tpu.memory_space<vmem>>
      %dma_wait3A_647 = tpu.memref_squeeze %dma_wait3A_646 : memref<1x128xi32, #tpu.memory_space<vmem>> -> memref<128xi32, #tpu.memory_space<vmem>>
      %dma_wait3A_648 = arith.constant 0 : i32
      %dma_wait3A_649 = arith.constant 0 : i32
      %dma_wait3A_650 = tpu.memref_slice %arg19[%dma_wait3A_648, %dma_wait3A_649] : memref<10240x16xf32, #tpu.memory_space<vmem_shared>> -> memref<10240x16xf32, #tpu.memory_space<vmem_shared>>
      tpu.wait_indirect_dma semaphore(%arg21 : memref<!tpu.dma_semaphore, #tpu.memory_space<semaphore_mem>>) src(%dma_wait3A_650 : memref<10240x16xf32, #tpu.memory_space<vmem_shared>>) dst(%arg16 : memref<128x16xf32, #tpu.memory_space<vmem>>)
      "tpu.region"() ({
        %run_scoped3A_667 = tpu.sem_alloc : memref<!tpu.dma_semaphore, #tpu.memory_space<semaphore_mem>>
        %dma_start3A_668 = arith.constant 0 : i32
        %dma_start3A_669 = tpu.memref_slice %arg8[%mul3A_637, %dma_start3A_668] : memref<79x128xi32, #tpu.memory_space<vmem>> -> memref<1x128xi32, #tpu.memory_space<vmem>>
        %dma_start3A_670 = tpu.memref_squeeze %dma_start3A_669 : memref<1x128xi32, #tpu.memory_space<vmem>> -> memref<128xi32, #tpu.memory_space<vmem>>
        %dma_start3A_671 = arith.constant 0 : i32
        %dma_start3A_672 = arith.constant 0 : i32
        %dma_start3A_673 = tpu.memref_slice %arg20[%dma_start3A_671, %dma_start3A_672] : memref<10240x16xf32, #tpu.memory_space<vmem_shared>> -> memref<10240x16xf32, #tpu.memory_space<vmem_shared>>
        tpu.enqueue_indirect_dma source(%arg16 : memref<128x16xf32, #tpu.memory_space<vmem>>) target(%dma_start3A_673 : memref<10240x16xf32, #tpu.memory_space<vmem_shared>>) offsets(%dma_start3A_670 : memref<128xi32, #tpu.memory_space<vmem>>) semaphore(%run_scoped3A_667 : memref<!tpu.dma_semaphore, #tpu.memory_space<semaphore_mem>>) {add = true}
        %dma_wait3A_674 = arith.constant 0 : i32
        %dma_wait3A_675 = tpu.memref_slice %arg8[%mul3A_637, %dma_wait3A_674] : memref<79x128xi32, #tpu.memory_space<vmem>> -> memref<1x128xi32, #tpu.memory_space<vmem>>
        %dma_wait3A_676 = tpu.memref_squeeze %dma_wait3A_675 : memref<1x128xi32, #tpu.memory_space<vmem>> -> memref<128xi32, #tpu.memory_space<vmem>>
        %dma_wait3A_677 = arith.constant 0 : i32
        %dma_wait3A_678 = arith.constant 0 : i32
        %dma_wait3A_679 = tpu.memref_slice %arg20[%dma_wait3A_677, %dma_wait3A_678] : memref<10240x16xf32, #tpu.memory_space<vmem_shared>> -> memref<10240x16xf32, #tpu.memory_space<vmem_shared>>
        tpu.wait_indirect_dma semaphore(%run_scoped3A_667 : memref<!tpu.dma_semaphore, #tpu.memory_space<semaphore_mem>>) src(%arg16 : memref<128x16xf32, #tpu.memory_space<vmem>>) dst(%dma_wait3A_679 : memref<10240x16xf32, #tpu.memory_space<vmem_shared>>)
        tpu.yield
      }) : () -> ()
      %add3A_651 = arith.constant 2 : i32
      %add3A_652 = arith.addi %mul3A_637, %add3A_651 : i32
      %lt3A_653 = arith.cmpi slt, %add3A_652, %add3A_601 : i32
      %convert_element_type3A_654 = arith.extui %lt3A_653 : i1 to i32
      %cond3A_655 = arith.constant 0 : i32
      %cond3A_656 = arith.cmpi ne, %convert_element_type3A_654, %cond3A_655 : i32
      scf.if %cond3A_656 {
        %add3A_667 = arith.constant 2 : i32
        %add3A_668 = arith.addi %mul3A_637, %add3A_667 : i32
        %dma_start3A_669 = arith.constant 0 : i32
        %dma_start3A_670 = tpu.memref_slice %arg7[%add3A_668, %dma_start3A_669] : memref<79x128xi32, #tpu.memory_space<vmem>> -> memref<1x128xi32, #tpu.memory_space<vmem>>
        %dma_start3A_671 = tpu.memref_squeeze %dma_start3A_670 : memref<1x128xi32, #tpu.memory_space<vmem>> -> memref<128xi32, #tpu.memory_space<vmem>>
        %dma_start3A_672 = arith.constant 0 : i32
        %dma_start3A_673 = arith.constant 0 : i32
        %dma_start3A_674 = tpu.memref_slice %arg19[%dma_start3A_672, %dma_start3A_673] : memref<10240x16xf32, #tpu.memory_space<vmem_shared>> -> memref<10240x16xf32, #tpu.memory_space<vmem_shared>>
        tpu.enqueue_indirect_dma source(%dma_start3A_674 : memref<10240x16xf32, #tpu.memory_space<vmem_shared>>) target(%arg16 : memref<128x16xf32, #tpu.memory_space<vmem>>) offsets(%dma_start3A_671 : memref<128xi32, #tpu.memory_space<vmem>>) semaphore(%arg21 : memref<!tpu.dma_semaphore, #tpu.memory_space<semaphore_mem>>)
      } else {
      }
      %add3A_657 = arith.constant 1 : i32
      %add3A_658 = arith.addi %mul3A_637, %add3A_657 : i32
      %dma_wait3A_659 = arith.constant 0 : i32
      %dma_wait3A_660 = tpu.memref_slice %arg7[%add3A_658, %dma_wait3A_659] : memref<79x128xi32, #tpu.memory_space<vmem>> -> memref<1x128xi32, #tpu.memory_space<vmem>>
      %dma_wait3A_661 = tpu.memref_squeeze %dma_wait3A_660 : memref<1x128xi32, #tpu.memory_space<vmem>> -> memref<128xi32, #tpu.memory_space<vmem>>
      %dma_wait3A_662 = arith.constant 0 : i32
      %dma_wait3A_663 = arith.constant 0 : i32
      %dma_wait3A_664 = tpu.memref_slice %arg19[%dma_wait3A_662, %dma_wait3A_663] : memref<10240x16xf32, #tpu.memory_space<vmem_shared>> -> memref<10240x16xf32, #tpu.memory_space<vmem_shared>>
      tpu.wait_indirect_dma semaphore(%arg22 : memref<!tpu.dma_semaphore, #tpu.memory_space<semaphore_mem>>) src(%dma_wait3A_664 : memref<10240x16xf32, #tpu.memory_space<vmem_shared>>) dst(%arg17 : memref<128x16xf32, #tpu.memory_space<vmem>>)
      %add3A_665 = arith.constant 1 : i32
      %add3A_666 = arith.addi %mul3A_637, %add3A_665 : i32
      "tpu.region"() ({
        %run_scoped3A_667 = tpu.sem_alloc : memref<!tpu.dma_semaphore, #tpu.memory_space<semaphore_mem>>
        %dma_start3A_668 = arith.constant 0 : i32
        %dma_start3A_669 = tpu.memref_slice %arg8[%add3A_666, %dma_start3A_668] : memref<79x128xi32, #tpu.memory_space<vmem>> -> memref<1x128xi32, #tpu.memory_space<vmem>>
        %dma_start3A_670 = tpu.memref_squeeze %dma_start3A_669 : memref<1x128xi32, #tpu.memory_space<vmem>> -> memref<128xi32, #tpu.memory_space<vmem>>
        %dma_start3A_671 = arith.constant 0 : i32
        %dma_start3A_672 = arith.constant 0 : i32
        %dma_start3A_673 = tpu.memref_slice %arg20[%dma_start3A_671, %dma_start3A_672] : memref<10240x16xf32, #tpu.memory_space<vmem_shared>> -> memref<10240x16xf32, #tpu.memory_space<vmem_shared>>
        tpu.enqueue_indirect_dma source(%arg17 : memref<128x16xf32, #tpu.memory_space<vmem>>) target(%dma_start3A_673 : memref<10240x16xf32, #tpu.memory_space<vmem_shared>>) offsets(%dma_start3A_670 : memref<128xi32, #tpu.memory_space<vmem>>) semaphore(%run_scoped3A_667 : memref<!tpu.dma_semaphore, #tpu.memory_space<semaphore_mem>>) {add = true}
        %dma_wait3A_674 = arith.constant 0 : i32
        %dma_wait3A_675 = tpu.memref_slice %arg8[%add3A_666, %dma_wait3A_674] : memref<79x128xi32, #tpu.memory_space<vmem>> -> memref<1x128xi32, #tpu.memory_space<vmem>>
        %dma_wait3A_676 = tpu.memref_squeeze %dma_wait3A_675 : memref<1x128xi32, #tpu.memory_space<vmem>> -> memref<128xi32, #tpu.memory_space<vmem>>
        %dma_wait3A_677 = arith.constant 0 : i32
        %dma_wait3A_678 = arith.constant 0 : i32
        %dma_wait3A_679 = tpu.memref_slice %arg20[%dma_wait3A_677, %dma_wait3A_678] : memref<10240x16xf32, #tpu.memory_space<vmem_shared>> -> memref<10240x16xf32, #tpu.memory_space<vmem_shared>>
        tpu.wait_indirect_dma semaphore(%run_scoped3A_667 : memref<!tpu.dma_semaphore, #tpu.memory_space<semaphore_mem>>) src(%arg17 : memref<128x16xf32, #tpu.memory_space<vmem>>) dst(%dma_wait3A_679 : memref<10240x16xf32, #tpu.memory_space<vmem_shared>>)
        tpu.yield
      }) : () -> ()
    }
    %scan3A_613 = arith.constant 39 : i32
    %jit3A = arith.constant 2 : i32
    %eq3A_614 = arith.constant 0 : i32
    %eq3A_615 = arith.cmpi eq, %jit3A, %eq3A_614 : i32
    %jit3A_616 = arith.constant 1 : i32
    %select_n3A = arith.select %eq3A_615, %jit3A_616, %jit3A : i32
    %rem3A = arith.remsi %add3A_601, %select_n3A : i32
    %ne3A = arith.constant 0 : i32
    %ne3A_617 = arith.cmpi ne, %rem3A, %ne3A : i32
    %lt3A_618 = arith.constant 0 : i32
    %lt3A_619 = arith.cmpi slt, %rem3A, %lt3A_618 : i32
    %lt3A_620 = arith.constant 0 : i32
    %lt3A_621 = arith.cmpi slt, %select_n3A, %lt3A_620 : i32
    %ne3A_622 = arith.xori %lt3A_619, %lt3A_621 : i1
    %and3A = arith.andi %ne3A_622, %ne3A_617 : i1
    %add3A_623 = arith.addi %rem3A, %select_n3A : i32
    %select_n3A_624 = arith.select %and3A, %add3A_623, %rem3A : i32
    %eq3A_625 = arith.constant 1 : i32
    %eq3A_626 = arith.cmpi eq, %select_n3A_624, %eq3A_625 : i32
    %convert_element_type3A_627 = arith.extui %eq3A_626 : i1 to i32
    %cond3A_628 = arith.constant 0 : i32
    %cond3A_629 = arith.cmpi ne, %convert_element_type3A_627, %cond3A_628 : i32
    scf.if %cond3A_629 {
      %sub3A = arith.constant 1 : i32
      %sub3A_635 = arith.subi %add3A_601, %sub3A : i32
      %dma_wait3A = arith.constant 0 : i32
      %dma_wait3A_636 = tpu.memref_slice %arg7[%sub3A_635, %dma_wait3A] : memref<79x128xi32, #tpu.memory_space<vmem>> -> memref<1x128xi32, #tpu.memory_space<vmem>>
      %dma_wait3A_637 = tpu.memref_squeeze %dma_wait3A_636 : memref<1x128xi32, #tpu.memory_space<vmem>> -> memref<128xi32, #tpu.memory_space<vmem>>
      %dma_wait3A_638 = arith.constant 0 : i32
      %dma_wait3A_639 = arith.constant 0 : i32
      %dma_wait3A_640 = tpu.memref_slice %arg19[%dma_wait3A_638, %dma_wait3A_639] : memref<10240x16xf32, #tpu.memory_space<vmem_shared>> -> memref<10240x16xf32, #tpu.memory_space<vmem_shared>>
      tpu.wait_indirect_dma semaphore(%arg21 : memref<!tpu.dma_semaphore, #tpu.memory_space<semaphore_mem>>) src(%dma_wait3A_640 : memref<10240x16xf32, #tpu.memory_space<vmem_shared>>) dst(%arg16 : memref<128x16xf32, #tpu.memory_space<vmem>>)
      "tpu.region"() ({
        %run_scoped3A_641 = tpu.sem_alloc : memref<!tpu.dma_semaphore, #tpu.memory_space<semaphore_mem>>
        %dma_start3A_642 = arith.constant 0 : i32
        %dma_start3A_643 = tpu.memref_slice %arg8[%sub3A_635, %dma_start3A_642] : memref<79x128xi32, #tpu.memory_space<vmem>> -> memref<1x128xi32, #tpu.memory_space<vmem>>
        %dma_start3A_644 = tpu.memref_squeeze %dma_start3A_643 : memref<1x128xi32, #tpu.memory_space<vmem>> -> memref<128xi32, #tpu.memory_space<vmem>>
        %dma_start3A_645 = arith.constant 0 : i32
        %dma_start3A_646 = arith.constant 0 : i32
        %dma_start3A_647 = tpu.memref_slice %arg20[%dma_start3A_645, %dma_start3A_646] : memref<10240x16xf32, #tpu.memory_space<vmem_shared>> -> memref<10240x16xf32, #tpu.memory_space<vmem_shared>>
        tpu.enqueue_indirect_dma source(%arg16 : memref<128x16xf32, #tpu.memory_space<vmem>>) target(%dma_start3A_647 : memref<10240x16xf32, #tpu.memory_space<vmem_shared>>) offsets(%dma_start3A_644 : memref<128xi32, #tpu.memory_space<vmem>>) semaphore(%run_scoped3A_641 : memref<!tpu.dma_semaphore, #tpu.memory_space<semaphore_mem>>) {add = true}
        %dma_wait3A_648 = arith.constant 0 : i32
        %dma_wait3A_649 = tpu.memref_slice %arg8[%sub3A_635, %dma_wait3A_648] : memref<79x128xi32, #tpu.memory_space<vmem>> -> memref<1x128xi32, #tpu.memory_space<vmem>>
        %dma_wait3A_650 = tpu.memref_squeeze %dma_wait3A_649 : memref<1x128xi32, #tpu.memory_space<vmem>> -> memref<128xi32, #tpu.memory_space<vmem>>
        %dma_wait3A_651 = arith.constant 0 : i32
        %dma_wait3A_652 = arith.constant 0 : i32
        %dma_wait3A_653 = tpu.memref_slice %arg20[%dma_wait3A_651, %dma_wait3A_652] : memref<10240x16xf32, #tpu.memory_space<vmem_shared>> -> memref<10240x16xf32, #tpu.memory_space<vmem_shared>>
        tpu.wait_indirect_dma semaphore(%run_scoped3A_641 : memref<!tpu.dma_semaphore, #tpu.memory_space<semaphore_mem>>) src(%arg16 : memref<128x16xf32, #tpu.memory_space<vmem>>) dst(%dma_wait3A_653 : memref<10240x16xf32, #tpu.memory_space<vmem_shared>>)
        tpu.yield
      }) : () -> ()
    } else {
    }
    %barrier3A_630 = arith.constant 0 : index
    tpu.barrier barrier_id(%barrier3A_630)
    %mul3A_631 = arith.constant 640 : i32
    %mul3A_632 = arith.muli %arg1, %mul3A_631 : i32
    %mul3A_633 = arith.constant 640 : i32
    %mul3A_634 = arith.muli %arg1, %mul3A_633 : i32
    "tpu.region"() ({
      %run_scoped3A_635 = tpu.sem_alloc : memref<!tpu.dma_semaphore, #tpu.memory_space<semaphore_mem>>
      %dma_start3A_636 = arith.constant 0 : i32
      %dma_start3A_637 = tpu.memref_slice %arg4[%arg0, %mul3A_634, %dma_start3A_636] : memref<2x10240x16xf32, #tpu.memory_space<hbm>> -> memref<1x640x16xf32, #tpu.memory_space<hbm>>
      %dma_start3A_638 = tpu.memref_squeeze %dma_start3A_637 : memref<1x640x16xf32, #tpu.memory_space<hbm>> -> memref<640x16xf32, #tpu.memory_space<hbm>>
      %dma_start3A_639 = arith.constant 0 : i32
      %dma_start3A_640 = tpu.memref_slice %arg20[%mul3A_632, %dma_start3A_639] : memref<10240x16xf32, #tpu.memory_space<vmem_shared>> -> memref<640x16xf32, #tpu.memory_space<vmem_shared>>
      tpu.enqueue_dma source(%dma_start3A_640 : memref<640x16xf32, #tpu.memory_space<vmem_shared>>) target(%dma_start3A_638 : memref<640x16xf32, #tpu.memory_space<hbm>>) target_semaphore(%run_scoped3A_635 : memref<!tpu.dma_semaphore, #tpu.memory_space<semaphore_mem>>)
      %dma_wait3A = arith.constant 0 : i32
      %dma_wait3A_641 = tpu.memref_slice %arg4[%arg0, %mul3A_634, %dma_wait3A] : memref<2x10240x16xf32, #tpu.memory_space<hbm>> -> memref<1x640x16xf32, #tpu.memory_space<hbm>>
      %dma_wait3A_642 = tpu.memref_squeeze %dma_wait3A_641 : memref<1x640x16xf32, #tpu.memory_space<hbm>> -> memref<640x16xf32, #tpu.memory_space<hbm>>
      %dma_wait3A_643 = arith.constant 0 : i32
      %dma_wait3A_644 = tpu.memref_slice %arg20[%mul3A_632, %dma_wait3A_643] : memref<10240x16xf32, #tpu.memory_space<vmem_shared>> -> memref<640x16xf32, #tpu.memory_space<vmem_shared>>
      tpu.wait_dma2 semaphore(%run_scoped3A_635 : memref<!tpu.dma_semaphore, #tpu.memory_space<semaphore_mem>>) src(%dma_wait3A_644 : memref<640x16xf32, #tpu.memory_space<vmem_shared>>) dst(%dma_wait3A_642 : memref<640x16xf32, #tpu.memory_space<hbm>>)
      tpu.yield
    }) : () -> ()
    return
  }
}

module attributes {stable_mosaic.version = 14 : i64} {
  func.func @_h_body(%arg0: i32, %arg1: memref<2000x128xf32, #tpu.memory_space<vmem>>, %arg2: memref<128x16xf32, #tpu.memory_space<vmem>>, %arg3: memref<2000x16xf32, #tpu.memory_space<vmem>>) attributes {dimension_semantics = [#tpu.dimension_semantics<arbitrary>], iteration_bounds = array<i64: 5>, scalar_prefetch = 0 : i64, scratch_operands = 0 : i64, tpu.core_type = #tpu.core_type<tc>, window_params = [{transform_indices = @transform_0, window_bounds = array<i64: 2000, 128>}, {pipeline_mode = #tpu.pipeline_mode<synchronous>, transform_indices = @transform_1, window_bounds = array<i64: 128, 16>}, {transform_indices = @transform_2, window_bounds = array<i64: 2000, 16>}]} {
    %get3A = arith.constant 0 : index
    %get3A_0 = arith.constant 0 : index
    %get3A_1 = vector.load %arg1[%get3A, %get3A_0] : memref<2000x128xf32, #tpu.memory_space<vmem>>, vector<2000x128xf32>
    %get3A_2 = arith.constant 0 : index
    %get3A_3 = arith.constant 0 : index
    %get3A_4 = vector.load %arg2[%get3A_2, %get3A_3] : memref<128x16xf32, #tpu.memory_space<vmem>>, vector<128x16xf32>
    %dot_general3A = arith.constant dense<0.000000e+00> : vector<2000x16xf32>
    %dot_general3A_5 = tpu.matmul %get3A_1, %get3A_4, %dot_general3A {dimension_numbers = #tpu.dot_dimension_numbers<[1], [0], [0], [1], [0, 0, 1, 1], [], []>, transpose_lhs_hint = false} : vector<2000x128xf32>, vector<128x16xf32>, vector<2000x16xf32> -> vector<2000x16xf32>
    %iota3A = tpu.iota {dimensions = array<i32: 1>} : vector<2000x16xi32>
    %eq3A = arith.constant 3 : i32
    %eq3A_6 = vector.broadcast %eq3A : i32 to vector<2000x16xi32>
    %eq3A_7 = arith.cmpi eq, %iota3A, %eq3A_6 : vector<2000x16xi32>
    %convert_element_type3A = arith.extui %eq3A_7 : vector<2000x16xi1> to vector<2000x16xi32>
    %convert_element_type3A_8 = arith.sitofp %convert_element_type3A : vector<2000x16xi32> to vector<2000x16xf32>
    %add3A = arith.addf %dot_general3A_5, %convert_element_type3A_8 : vector<2000x16xf32>
    %swap3A = arith.constant 0 : index
    %swap3A_9 = arith.constant 0 : index
    %swap3A_10 = vector.load %arg3[%swap3A, %swap3A_9] : memref<2000x16xf32, #tpu.memory_space<vmem>>, vector<2000x16xf32>
    tpu.vector_store %arg3[%swap3A, %swap3A_9], %add3A {strides = array<i32>} : memref<2000x16xf32, #tpu.memory_space<vmem>>, vector<2000x16xf32>,
    return
  }
  func.func @transform_0(%arg0: i32) -> (i32, i32) {
    %c0_i32 = arith.constant 0 : i32
    %c0_i32_0 = arith.constant 0 : i32
    return %arg0, %c0_i32 : i32, i32
  }
  func.func @transform_1(%arg0: i32) -> (i32, i32) {
    %c0_i32 = arith.constant 0 : i32
    %c0_i32_0 = arith.constant 0 : i32
    %c0_i32_1 = arith.constant 0 : i32
    return %c0_i32, %c0_i32_0 : i32, i32
  }
  func.func @transform_2(%arg0: i32) -> (i32, i32) {
    %c0_i32 = arith.constant 0 : i32
    %c0_i32_0 = arith.constant 0 : i32
    return %arg0, %c0_i32 : i32, i32
  }
}

module attributes {stable_mosaic.version = 14 : i64} {
  func.func @_out_body(%arg0: i32, %arg1: memref<1x10000x16xf32, #tpu.memory_space<vmem>>, %arg2: memref<1x10000x16xf32, #tpu.memory_space<vmem>>, %arg3: memref<10000x16xf32, #tpu.memory_space<vmem>>, %arg4: memref<16x40xf32, #tpu.memory_space<vmem>>, %arg5: memref<1x16xf32, #tpu.memory_space<vmem>>, %arg6: memref<1x40xf32, #tpu.memory_space<vmem>>, %arg7: memref<10000x40xf32, #tpu.memory_space<vmem>>) attributes {dimension_semantics = [#tpu.dimension_semantics<arbitrary>], iteration_bounds = array<i64: 1>, scalar_prefetch = 0 : i64, scratch_operands = 0 : i64, tpu.core_type = #tpu.core_type<tc>, window_params = [{transform_indices = @transform_0, window_bounds = array<i64: 1, 10000, 16>}, {transform_indices = @transform_1, window_bounds = array<i64: 1, 10000, 16>}, {transform_indices = @transform_2, window_bounds = array<i64: 10000, 16>}, {pipeline_mode = #tpu.pipeline_mode<synchronous>, transform_indices = @transform_3, window_bounds = array<i64: 16, 40>}, {pipeline_mode = #tpu.pipeline_mode<synchronous>, transform_indices = @transform_4, window_bounds = array<i64: 1, 16>}, {pipeline_mode = #tpu.pipeline_mode<synchronous>, transform_indices = @transform_5, window_bounds = array<i64: 1, 40>}, {pipeline_mode = #tpu.pipeline_mode<synchronous>, transform_indices = @transform_6, window_bounds = array<i64: 10000, 40>}]} {
    %get3A = arith.constant 0 : index
    %get3A_0 = arith.constant 0 : index
    %get3A_1 = vector.load %arg3[%get3A, %get3A_0] : memref<10000x16xf32, #tpu.memory_space<vmem>>, vector<10000x16xf32>
    %get3A_2 = arith.constant 0 : index
    %get3A_3 = arith.constant 0 : index
    %get3A_4 = arith.constant 0 : index
    %get3A_5 = vector.load %arg1[%get3A_2, %get3A_3, %get3A_4] : memref<1x10000x16xf32, #tpu.memory_space<vmem>>, vector<1x10000x16xf32>
    %get3A_6 = vector.shape_cast %get3A_5 : vector<1x10000x16xf32> to vector<10000x16xf32>
    %get3A_7 = arith.constant 0 : index
    %get3A_8 = arith.constant 0 : index
    %get3A_9 = arith.constant 0 : index
    %get3A_10 = vector.load %arg2[%get3A_7, %get3A_8, %get3A_9] : memref<1x10000x16xf32, #tpu.memory_space<vmem>>, vector<1x10000x16xf32>
    %get3A_11 = vector.shape_cast %get3A_10 : vector<1x10000x16xf32> to vector<10000x16xf32>
    %add3A = arith.addf %get3A_6, %get3A_11 : vector<10000x16xf32>
    %sub3A = arith.subf %add3A, %get3A_1 : vector<10000x16xf32>
    %slice3A = vector.extract_strided_slice %get3A_1 {offsets = [0, 3], sizes = [10000, 1], strides = [1, 1]} : vector<10000x16xf32> to vector<10000x1xf32>
    %mul3A = vector.broadcast %slice3A : vector<10000x1xf32> to vector<10000x16xf32>
    %mul3A_12 = arith.mulf %mul3A, %sub3A : vector<10000x16xf32>
    %get3A_13 = arith.constant 0 : index
    %get3A_14 = arith.constant 0 : index
    %get3A_15 = vector.load %arg5[%get3A_13, %get3A_14] : memref<1x16xf32, #tpu.memory_space<vmem>>, vector<1x16xf32>
    %add3A_16 = vector.broadcast %get3A_15 : vector<1x16xf32> to vector<10000x16xf32>
    %add3A_17 = arith.addf %mul3A_12, %add3A_16 : vector<10000x16xf32>
    %get3A_18 = arith.constant 0 : index
    %get3A_19 = arith.constant 0 : index
    %get3A_20 = vector.load %arg4[%get3A_18, %get3A_19] : memref<16x40xf32, #tpu.memory_space<vmem>>, vector<16x40xf32>
    %dot_general3A = arith.constant dense<0.000000e+00> : vector<10000x40xf32>
    %dot_general3A_21 = tpu.matmul %add3A_17, %get3A_20, %dot_general3A {dimension_numbers = #tpu.dot_dimension_numbers<[1], [0], [0], [1], [0, 0, 1, 1], [], []>, transpose_lhs_hint = false} : vector<10000x16xf32>, vector<16x40xf32>, vector<10000x40xf32> -> vector<10000x40xf32>
    %get3A_22 = arith.constant 0 : index
    %get3A_23 = arith.constant 0 : index
    %get3A_24 = vector.load %arg6[%get3A_22, %get3A_23] : memref<1x40xf32, #tpu.memory_space<vmem>>, vector<1x40xf32>
    %add3A_25 = vector.broadcast %get3A_24 : vector<1x40xf32> to vector<10000x40xf32>
    %add3A_26 = arith.addf %dot_general3A_21, %add3A_25 : vector<10000x40xf32>
    %swap3A = arith.constant 0 : index
    %swap3A_27 = arith.constant 0 : index
    %swap3A_28 = vector.load %arg7[%swap3A, %swap3A_27] : memref<10000x40xf32, #tpu.memory_space<vmem>>, vector<10000x40xf32>
    tpu.vector_store %arg7[%swap3A, %swap3A_27], %add3A_26 {strides = array<i32>} : memref<10000x40xf32, #tpu.memory_space<vmem>>, vector<10000x40xf32>,
    return
  }
  func.func @transform_0(%arg0: i32) -> (i32, i32, i32) {
    %c0_i32 = arith.constant 0 : i32
    %c0_i32_0 = arith.constant 0 : i32
    %c0_i32_1 = arith.constant 0 : i32
    %c0_i32_2 = arith.constant 0 : i32
    return %c0_i32, %c0_i32_0, %c0_i32_1 : i32, i32, i32
  }
  func.func @transform_1(%arg0: i32) -> (i32, i32, i32) {
    %c1_i32 = arith.constant 1 : i32
    %c0_i32 = arith.constant 0 : i32
    %c0_i32_0 = arith.constant 0 : i32
    %c0_i32_1 = arith.constant 0 : i32
    return %c1_i32, %c0_i32, %c0_i32_0 : i32, i32, i32
  }
  func.func @transform_2(%arg0: i32) -> (i32, i32) {
    %c0_i32 = arith.constant 0 : i32
    %c0_i32_0 = arith.constant 0 : i32
    %c0_i32_1 = arith.constant 0 : i32
    return %c0_i32, %c0_i32_0 : i32, i32
  }
  func.func @transform_3(%arg0: i32) -> (i32, i32) {
    %c0_i32 = arith.constant 0 : i32
    %c0_i32_0 = arith.constant 0 : i32
    %c0_i32_1 = arith.constant 0 : i32
    return %c0_i32, %c0_i32_0 : i32, i32
  }
  func.func @transform_4(%arg0: i32) -> (i32, i32) {
    %c0_i32 = arith.constant 0 : i32
    %c0_i32_0 = arith.constant 0 : i32
    %c0_i32_1 = arith.constant 0 : i32
    return %c0_i32, %c0_i32_0 : i32, i32
  }
  func.func @transform_5(%arg0: i32) -> (i32, i32) {
    %c0_i32 = arith.constant 0 : i32
    %c0_i32_0 = arith.constant 0 : i32
    %c0_i32_1 = arith.constant 0 : i32
    return %c0_i32, %c0_i32_0 : i32, i32
  }
  func.func @transform_6(%arg0: i32) -> (i32, i32) {
    %c0_i32 = arith.constant 0 : i32
    %c0_i32_0 = arith.constant 0 : i32
    %c0_i32_1 = arith.constant 0 : i32
    return %c0_i32, %c0_i32_0 : i32, i32
  }
}

</mosaic_0001>

<sc_bundles>
// kernel: kernel.5.cloned.1.call-start
scs
__scs_entry_jumppad:
0x0: {  	(pc) =	sbr.rel $0x88, $3  }
0x1: {  	(tag) =	ssettag $0x0;
	lr =	simm.s32 $0x1  }
0x2: {  	[smem:$0x3F9B] =	sst lr;
	_ =	strace $0xD0000000  }
0x3: {  	_ = 	snop  }
0x4: {  	_ = 	snop  }
0x5: {  	_ = 	snop  }
0x6: {  	_ = 	snop  }
0x7: {  	_ = 	snop  }
__scs_overlays_trampoline_lowered:
0x8: {  	[smem:$0x3FAA] =	sst s0  }
0x9: {  	[smem:$0x3FAB] =	sst s1  }
0xa: {  	[smem:$0x3FAC] =	sst s2  }
0xb: {  	[smem:$0x3FAD] =	sst s3  }
0xc: {  	[smem:$0x3FAE] =	sst s4  }
0xd: {  	[smem:$0x3FAF] =	sst s5  }
0xe: {  	[smem:$0x3FB0] =	sst s6  }
0xf: {  	[smem:$0x3FB1] =	sst s7  }
0x10: {  	[smem:$0x3FB2] =	sst s8  }
0x11: {  	[smem:$0x3FB3] =	sst s9;
	s0 =	simm.s32 @!p0 $0x0  }
0x12: {  	s1 =	sld [smem:$0x3F99];
	s0 =	simm.s32 @p0 $0x1  }
0x13: {  	[smem:$0x3FB4] =	sst s0;
	s0 =	simm.s32 @!p1 $0x0  }
0x14: {  	s2 =	sld [smem:$0x3F98];
	s0 =	simm.s32 @p1 $0x1  }
0x15: {  	[smem:$0x3FB5] =	sst s0;
	s0 =	simm.s32 @!p2 $0x0  }
0x16: {  	s3 =	sld [smem:$0x3FDB];
	s0 =	simm.s32 @p2 $0x1  }
0x17: {  	s4 =	simm.s32 $0x1BF5;
	[smem:$0x3FB7] =	sst s0  }
0x18: {  	s0 =	sld [smem:$0x3F9A];
	_ =	swait.ge [sflag:s4], $0x0  }
0x19: {  	s7 =	sld [smem:$0x3F9B]  }
0x1a: {  	s8 =	sadd.s32 $0xFFFFE003, lr  }
0x1b: {  	s9 =	sadd.s32 $0xFFFFFEF7, lr;
	s5 =	simm.s32 $0xFFFFFFFF;
	p2 =	slt.u32 s8, $0xFFFFF086  }
0x1c: {  	p1 =	slt.u32 s9, $0xF7A;
	s5 =	simm.s32 @!p2 $0x0  }
0x1d: {  	s5 =	simm.s32 @p1 $0x1;
	p0 =	seq.s32 s7, s2  }
0x1e: {  	s7 =	smul.u32 @!p0 $0xF7A, s2;
	p2 =	seq.s32 @!p0 s5, $0x0  }
0x1f: {  	s9 =	smul.u32 $0xF7A, s1;
	s8 =	simm.s32 @!p0 $0x1BF5;
	p2 =	por !p2, p0  }
0x20: {  	[sflag:s8] =	ssyncset.s32 @!p0 $0xFFFFF086;
	s6 =	sadd.s32 @!p0 s3, s7;
	s7 =	simm.s32 @!p0 $0x108  }
0x21: {  	s3 =	sadd.s32 s3, s9;
	s6 =	sadd.s32 @!p0 $0x88, s6;
	s7 =	simm.s32 @p2 $0x1082  }
0x22: {  	[simem:s7], [sflag:s8] =	dma.local @!p0 [hbm:s6], $0xF7A  }
0x23: {  	s9 =	sor.u32 $0xD0000000, s2;
	s6 =	simm.s32 $0x108;
	_ =	swait.ge @!p0 [sflag:s8], $0x0  }
0x24: {  	s3 =	sadd.s32 $0x88, s3;
	s6 =	simm.s32 @!p1 $0x1082;
	[sflag:s4] =	ssyncset.s32 $0xFFFFF086  }
0x25: {  	[simem:s6], [sflag:s4] =	dma.local [hbm:s3], $0xF7A  }
0x26: {  	[smem:$0x3F9B] =	sst s1;
	(tag) =	ssettag s2;
	_ =	strace s9  }
0x27: {  	s1 =	sld [smem:$0x3FAB]  }
0x28: {  	s2 =	sld [smem:$0x3FAC]  }
0x29: {  	s4 =	sld [smem:$0x3FAE]  }
0x2a: {  	p0 =	seq.s32 s5, $0x0;
	s5 =	sld [smem:$0x3FAF]  }
0x2b: {  	s6 =	sld [smem:$0x3FB0]  }
0x2c: {  	s7 =	sld [smem:$0x3FB1]  }
0x2d: {  	s3 =	simm.s32 $0x108;
	s8 =	sld [smem:$0x3FB2]  }
0x2e: {  	s3 =	simm.s32 @!p0 $0x1082;
	s9 =	sld [smem:$0x3FB3]  }
0x2f: {  	lr =	sadd.s32 s0, s3;
	s0 =	sld [smem:$0x3FAA]  }
0x30: {  	s3 =	sld [smem:$0x3FAD]  }
0x31: {  	[smem:$0x3FB6] =	sst s10  }
0x32: {  	s10 =	sld [smem:$0x3FB4];
	_ =	sdelay $0x3  }
0x33: {  	p0 =	seq.s32 s10, $0x1;
	s10 =	sld [smem:$0x3FB6];
	_ =	sdelay $0x3  }
0x34: {  	[smem:$0x3FB6] =	sst s10  }
0x35: {  	s10 =	sld [smem:$0x3FB5];
	_ =	sdelay $0x3  }
0x36: {  	p1 =	seq.s32 s10, $0x1;
	s10 =	sld [smem:$0x3FB6];
	_ =	sdelay $0x3  }
0x37: {  	[smem:$0x3FB6] =	sst s10  }
0x38: {  	s10 =	sld [smem:$0x3FB7]  }
0x39: {  	_ = 	snop;
	(pc) =	sbr.ind lr, $3  }
0x3a: {  	_ = 	snop  }
0x3b: {  	_ = 	snop  }
0x3c: {  	p2 =	seq.s32 s10, $0x1;
	s10 =	sld [smem:$0x3FB6]  }
0x3d: {  	_ =	shalt  }
0x3e: {  	_ =	shalt  }
0x3f: {  	_ =	shalt  }
0x40: {  	_ =	shalt  }
0x41: {  	_ =	shalt  }
0x42: {  	_ =	shalt  }
0x43: {  	_ =	shalt  }
0x44: {  	_ =	shalt  }
0x45: {  	_ =	shalt  }
0x46: {  	_ =	shalt  }
0x47: {  	_ =	shalt  }
0x48: {  	_ =	shalt  }
0x49: {  	_ =	shalt  }
0x4a: {  	_ =	shalt  }
0x4b: {  	_ =	shalt  }
0x4c: {  	_ =	shalt  }
0x4d: {  	_ =	shalt  }
0x4e: {  	_ =	shalt  }
0x4f: {  	_ =	shalt  }
0x50: {  	_ =	shalt  }
0x51: {  	_ =	shalt  }
0x52: {  	_ =	shalt  }
0x53: {  	_ =	shalt  }
0x54: {  	_ =	shalt  }
0x55: {  	_ =	shalt  }
0x56: {  	_ =	shalt  }
0x57: {  	_ =	shalt  }
0x58: {  	_ =	shalt  }
0x59: {  	_ =	shalt  }
0x5a: {  	_ =	shalt  }
0x5b: {  	_ =	shalt  }
0x5c: {  	_ =	shalt  }
0x5d: {  	_ =	shalt  }
0x5e: {  	_ =	shalt  }
0x5f: {  	_ =	shalt  }
0x60: {  	_ =	shalt  }
0x61: {  	_ =	shalt  }
0x62: {  	_ =	shalt  }
0x63: {  	_ =	shalt  }
0x64: {  	_ =	shalt  }
0x65: {  	_ =	shalt  }
0x66: {  	_ =	shalt  }
0x67: {  	_ =	shalt  }
0x68: {  	_ =	shalt  }
0x69: {  	_ =	shalt  }
0x6a: {  	_ =	shalt  }
0x6b: {  	_ =	shalt  }
0x6c: {  	_ =	shalt  }
0x6d: {  	_ =	shalt  }
0x6e: {  	_ =	shalt  }
0x6f: {  	_ =	shalt  }
0x70: {  	_ =	shalt  }
0x71: {  	_ =	shalt  }
0x72: {  	_ =	shalt  }
0x73: {  	_ =	shalt  }
0x74: {  	_ =	shalt  }
0x75: {  	_ =	shalt  }
0x76: {  	_ =	shalt  }
0x77: {  	_ =	shalt  }
0x78: {  	_ =	shalt  }
0x79: {  	_ =	shalt  }
0x7a: {  	_ =	shalt  }
0x7b: {  	_ =	shalt  }
0x7c: {  	_ =	shalt  }
0x7d: {  	_ =	shalt  }
0x7e: {  	_ =	shalt  }
0x7f: {  	_ =	shalt  }
0x80: {  	_ =	shalt  }
0x81: {  	_ =	shalt  }
0x82: {  	_ =	shalt  }
0x83: {  	_ =	shalt  }
0x84: {  	_ =	shalt  }
0x85: {  	_ =	shalt  }
0x86: {  	_ =	shalt  }
0x87: {  	_ =	shalt  }
.Lfunc_end0:
.L_simem_size_0:
called_computation_lowered:
.L_overlay_start_0:
0x88: {  	s2 =	sld [smem:$0x3FD9]  }
0x89: {  	s3 =	sld [smem:$0x3FFE];
	_ =	sdelay $0x1  }
0x8a: {  	s1 =	srdreg.scid  }
0x8b: {  	s0 =	sand.u32 $0x1, s1  }
0x8c: {  	s17 =	sshll.u32 s0, $0xA;
	s2 =	sadd.s32 s3, s2  }
0x8d: {  	s2 =	sadd.s32 s2, s17  }
0x8e: {  	[smem:$0x3FC2] =	sst s2  }
0x8f: {  	_ = 	snop  }
0x90: {  	s2 =	sld [smem:$0x3FD0];
	(tm) =	ssettm $0x1  }
0x91: {  	s18 =	sld [smem:$0x3FFB];
	_ =	sdelay $0x3  }
0x92: {  	_ =	strace s18  }
0x93: {  	s3 =	sld [smem:$0x3FFC];
	_ =	sdelay $0x3  }
0x94: {  	_ =	strace s3  }
0x95: {  	s3 =	sld [smem:$0x3FFD];
	_ =	sdelay $0x3  }
0x96: {  	_ =	strace s3  }
0x97: {  	_ =	strace $0x8FFFFFFF  }
0x98: {  	s19 =	sld [smem:$0x3FDB];
	_ =	sdelay $0x1  }
0x99: {  	s4 =	simm.s32 $_scs_section_size  }
0x9a: {  	s5 =	simm.s32 $_size__tile_overlayer_lowered;
	s6 =	simm.s32 $_tile_overlayer_lowered  }
0x9b: {  	s22 =	simm.s32 $0x1BFF;
	s21 =	sshll.u32 s6, $0x1;
	s3 =	sadd.s32 s4, s19  }
0x9c: {  	s7 =	simm.s32 $0x0;
	s20 =	sshll.u32 s5, $0x1;
	s5 =	sadd.s32 s21, s3  }
0x9d: {  	[timem:s7], [sflag:s22] =	dma.local [hbm:s5], s20  }
0x9e: {  	_ =	swait.ge [sflag:s22], s20  }
0x9f: {  	s4 =	ssub.s32 $0x0, s20;
	[sflag:s22] =	ssyncset.done $0x0  }
0xa0: {  	[sflag:s22] =	ssyncadd.s32 s4;
	_ =	sdelay $0x1  }
0xa1: {  	s23 =	simm.s32 $0x1B8B  }
0xa2: {  	_ =	swait.ge [sflag:s23], $0x1  }
0xa3: {  	[sflag:s23] =	ssyncset.done $0x0  }
0xa4: {  	s25 =	simm.s32 $0x1B8E;
	s24 =	sld [smem:$0x3FFE];
	[sflag:s23] =	ssyncadd.s32 $0xFFFFFFFF  }
0xa5: {  	s26 =	simm.s32 $execute0_lowered;
	[smem:$0x3FD2] =	sst s25  }
0xa6: {  	s5 =	sshll.u32 s26, $0x1;
	_ =	strace $0x80000046;
	[dreg:$0x1] =	wrdreg $0xFFFFFFFF  }
0xa7: {  	s28 =	simm.s32 $_size_execute0_lowered;
	s3 =	sadd.s32 s3, s5;
	[dreg:$0x0] =	wrdreg $0x0  }
0xa8: {  	s5 =	sshll.u32 s28, $0x1;
	[dreg:$0x2] =	wrdreg s3  }
0xa9: {  	[dreg:$0x3] =	wrdreg s5  }
0xaa: {  	[dreg:$0x4] =	wrdreg $0xC0  }
0xab: {  	_ =	task [dreg:s7], $0x5FFFF  }
0xac: {  	[dreg:$0x1] =	wrdreg $0xFFFFFFFF  }
0xad: {  	[dreg:$0x0] =	wrdreg $0x60  }
0xae: {  	[dreg:$0x2] =	wrdreg s24  }
0xaf: {  	[dreg:$0x3] =	wrdreg s2  }
0xb0: {  	[dreg:$0x4] =	wrdreg $0x12F800  }
0xb1: {  	[dreg:$0x5] =	wrdreg $0x132000  }
0xb2: {  	[dreg:$0x6] =	wrdreg $0x15A000  }
0xb3: {  	[dreg:$0x7] =	wrdreg $0x9  }
0xb4: {  	_ =	task.clear_ibuf [dreg:s7], $0x8FFFF;
	_ =	strace $0x90000046  }
0xb5: {  	s29 =	simm.s32 $0x9;
	_ =	strace $0x80000048  }
0xb6: {  	_ =	swait.ge [sflag:s29], $0x1  }
0xb7: {  	[sflag:s29] =	ssyncadd.s32 $0xFFFFFFFF  }
0xb8: {  	_ =	strace $0x90000048  }
0xb9: {  	_ =	sfence  }
0xba: {  	s30 =	sld [smem:$0x0];
	_ =	sdelay $0x2  }
0xbb: {  	s31 =	sshll.u32 s1, $0xD;
	s1 =	sshrl.u32 s1, $0x2  }
0xbc: {  	s3 =	sand.u32 $0x4000, s31;
	s1 =	sadd.s32 s1, s30  }
0xbd: {  	s0 =	sor.u32 s3, s0;
	s1 =	sshll.u32 s1, $0x11  }
0xbe: {  	s0 =	sor.u32 s1, s0  }
0xbf: {  	s0 =	sadd.s32 $0x8F2B, s0  }
0xc0: {  	[sflag:s0] =	ssyncadd.remote.s32 $0x1  }
0xc1: {  	_ =	sfence.sel $0xFFFF  }
0xc2: {  	[dreg:$0x0] =	wrdreg $0xFFFFFFFF;
	(pc) =	sbr.abs _section_cstart, $3  }
0xc3: {  	[dreg:$0x1] =	wrdreg $0xFFFFFFFF  }
0xc4: {  	_ =	task.clear_ibuf [dreg:s7], $0x2FFFF;
	_ =	strace $0x9FFFFFFF  }
0xc5: {  	(tm) =	ssettm $0x7FFFFFFF  }
tec
execute0_lowered:
.L_overlay_start_1:
0x0: {  	(tag) =	ssettag $0x1  }
0x1: {  	s2 =	rddreg [dreg:$0x0]  }
0x2: {  	s0 =	rddreg [dreg:$0x1]  }
0x3: {  	s1 =	rddreg [dreg:$0x2]  }
0x4: {  	s3 =	rddreg [dreg:$0x3]  }
0x5: {  	s4 =	rddreg [dreg:$0x4];
	s5 =	simm.s32 $0x0  }
0x6: {  	s16 =	stileid.u32;
	s6 =	srdreg.scid;
	s28 =	simm.s32 $0x4E80  }
0x7: {  	s29 =	simm.s32 $0x12780;
	s31 =	simm.s32 $0x1;
	s30 =	simm.s32 $0x0  }
0x8: {  	[smem:$0x7FF] =	sst s5;
	s7 =	smul.u32 $0x500, s16;
	s9 =	sand.u32 $0x1, s6  }
0x9: {  	s10 =	sadd.s32 $0x1200, s2;
	s14 =	smul.u32 $0x9C, s16;
	s15 =	smin.u32 s16, $0x4  }
0xa: {  	s23 =	smul.u32 $0xA00, s16;
	p0 =	slt.u32 s16, $0x4;
	p2 =	sgt.u32 s16, $0x3  }
0xb: {  	p3 =	seq.s32 s16, $0xF;
	_ =	strace $0x80000047;
	s6 =	smul.u32 $0x280, s9  }
0xc: {  	s8 =	sshll.u32 s9, $0x4;
	s19 =	ssub.s32 $0x2, s9;
	s11 =	sadd.s32 s7, s2  }
0xd: {  	s12 =	sor.u32 s16, s8;
	s20 =	sshrl.u32 s19, $0x1;
	s22 =	sadd.s32 s15, s14  }
0xe: {  	s14 =	sshrl.u32 s23, $0x2;
	s15 =	simm.s32 $0x9D;
	s6 =	sadd.s32 s6, s7  }
0xf: {  	s8 =	smul.u32 $0x4E, s12;
	s7 =	ssub.s32 s19, s20;
	s21 =	smin.u32 s12, $0x4  }
0x10: {  	p1 =	slt.u32 s12, $0x4;
	s20 =	smul.u32 $0x2800, s16;
	s15 =	simm.s32 @!p0 $0x9C  }
0x11: {  	p0 =	sgt.u32 s12, $0x3;
	s13 =	sadd.s32 s6, s2;
	s2 =	sadd.s32 $0x19700, s2  }
0x12: {  	s6 =	sadd.s32 s21, s8;
	s8 =	sshll.u32 s22, $0x4;
	[dreg:$0x9] =	wrdreg s2  }
0x13: {  	v0 =	vlaneseq.u32;
	v1 =	vimm.f32 $0.0e+00;
	v41 =	vimm.f32 $1.000000000e+00;
	s21 =	sadd.s32 $0x14C00, s11;
	s22 =	smul.u32 $0x5000, s9;
	s23 =	sadd.s32 s20, s3  }
0x14: {  	v2 =	vor.u32 $0x10, v0;
	v3 =	vor.u32 $0x20, v0;
	v4 =	vor.u32 $0x30, v0;
	s9 =	smul.u32 $0x28000, s9;
	s11 =	simm.s32 $0x2;
	s24 =	sadd.s32 s10, s8  }
0x15: {  	v5 =	vor.u32 $0x40, v0;
	v6 =	vor.u32 $0x50, v0;
	v7 =	vor.u32 $0x60, v0;
	s25 =	sshll.u32 s6, $0x4;
	s6 =	sadd.s32 s14, s1;
	[dreg:$0xc] =	wrdreg s21  }
0x16: {  	v8 =	vor.u32 $0x70, v0;
	v9 =	vor.u32 $0x80, v0;
	v10 =	vor.u32 $0x90, v0;
	[dreg:$0xd] =	wrdreg s23;
	s23 =	simm.s32 $0x80;
	s26 =	sadd.s32 $0x9C40, s24  }
0x17: {  	v11 =	vor.u32 $0xA0, v0;
	v12 =	vor.u32 $0xB0, v0;
	v13 =	vor.u32 $0xC0, v0;
	s8 =	sadd.s32 s10, s25;
	s17 =	sadd.s32 $0xA600, s24;
	[dreg:$0x6] =	wrdreg s26  }
0x18: {  	v14 =	vor.u32 $0xD0, v0;
	v15 =	vor.u32 $0xE0, v0;
	v16 =	vor.u32 $0xF0, v0;
	s24 =	sadd.s32 $0x19C00, s13;
	s2 =	sadd.s32 s20, s9;
	[dreg:$0x8] =	wrdreg s17  }
0x19: {  	v17 =	vor.u32 $0x100, v0;
	v18 =	vor.u32 $0x110, v0;
	v19 =	vor.u32 $0x120, v0;
	s13 =	simm.s32 $0xF280;
	s10 =	sadd.s32 $0x9C40, s8;
	[dreg:$0xe] =	wrdreg s24  }
0x1a: {  	v20 =	vor.u32 $0x130, v0;
	v21 =	vor.u32 $0x140, v0;
	v22 =	vor.u32 $0x150, v0;
	s18 =	sadd.s32 $0x4E0, s8;
	s19 =	sadd.s32 $0xA120, s8;
	[dreg:$0x7] =	wrdreg s10  }
0x1b: {  	v23 =	vor.u32 $0x160, v0;
	v24 =	vor.u32 $0x170, v0;
	v25 =	vor.u32 $0x180, v0;
	s17 =	sadd.s32 s20, s4;
	s2 =	sshrl.u32 s2, $0x3;
	[dreg:$0xa] =	wrdreg s18  }
0x1c: {  	v26 =	vor.u32 $0x190, v0;
	v27 =	vor.u32 $0x1A0, v0;
	v28 =	vor.u32 $0x1B0, v0;
	s24 =	smax.u32 s7, $0x1;
	[dreg:$0xb] =	wrdreg s19;
	s19 =	simm.s32 $0x4F  }
0x1d: {  	v29 =	vor.u32 $0x1C0, v0;
	v30 =	vor.u32 $0x1D0, v0;
	v31 =	vor.u32 $0x1E0, v0;
	s10 =	sshrl.u32 s22, $0x2;
	s21 =	sadd.s32 s0, s2;
	s22 =	simm.s32 $0x9D00  }
0x1e: {  	v32 =	vor.u32 $0x1F0, v0;
	v33 =	vor.u32 $0x200, v0;
	v34 =	vor.u32 $0x210, v0;
	s0 =	simm.s32 $0xA280;
	s19 =	simm.s32 @!p1 $0x4E;
	s25 =	sadd.s32 $0xF280, s10  }
0x1f: {  	v35 =	vor.u32 $0x220, v0;
	v36 =	vor.u32 $0x230, v0;
	v37 =	vor.u32 $0x240, v0;
	s22 =	simm.s32 @!p1 $0x9C80;
	[dreg:$0xf] =	wrdreg s25;
	s26 =	sand.u32 $0x1, s19  }
0x20: {  	v38 =	vor.u32 $0x250, v0;
	v39 =	vor.u32 $0x260, v0;
	v40 =	vor.u32 $0x270, v0;
	s25 =	simm.s32 $0x11F80;
	p1 =	seq.s32 s26, $0x0;
	s26 =	simm.s32 $0x3  }
.LBB2_1:
0x21: {  	[tilespmem:$0x9D80] =	vst v1  }
0x22: {  	[tilespmem:$0x9D90] =	vst v1  }
0x23: {  	[tilespmem:$0x9DA0] =	vst v1  }
0x24: {  	[tilespmem:$0x9DB0] =	vst v1  }
0x25: {  	[tilespmem:$0x9DC0] =	vst v1  }
0x26: {  	[tilespmem:$0x9DD0] =	vst v1  }
0x27: {  	[tilespmem:$0x9DE0] =	vst v1  }
0x28: {  	[tilespmem:$0x9DF0] =	vst v1  }
0x29: {  	[tilespmem:$0x9E00] =	vst v1  }
0x2a: {  	[tilespmem:$0x9E10] =	vst v1  }
0x2b: {  	[tilespmem:$0x9E20] =	vst v1  }
0x2c: {  	[tilespmem:$0x9E30] =	vst v1  }
0x2d: {  	[tilespmem:$0x9E40] =	vst v1  }
0x2e: {  	[tilespmem:$0x9E50] =	vst v1  }
0x2f: {  	[tilespmem:$0x9E60] =	vst v1  }
0x30: {  	[tilespmem:$0x9E70] =	vst v1  }
0x31: {  	[tilespmem:$0x9E80] =	vst v1  }
0x32: {  	[tilespmem:$0x9E90] =	vst v1  }
0x33: {  	[tilespmem:$0x9EA0] =	vst v1  }
0x34: {  	[tilespmem:$0x9EB0] =	vst v1  }
0x35: {  	[tilespmem:$0x9EC0] =	vst v1  }
0x36: {  	[tilespmem:$0x9ED0] =	vst v1  }
0x37: {  	[tilespmem:$0x9EE0] =	vst v1  }
0x38: {  	[tilespmem:$0x9EF0] =	vst v1  }
0x39: {  	[tilespmem:$0x9F00] =	vst v1  }
0x3a: {  	[tilespmem:$0x9F10] =	vst v1  }
0x3b: {  	[tilespmem:$0x9F20] =	vst v1  }
0x3c: {  	[tilespmem:$0x9F30] =	vst v1  }
0x3d: {  	[tilespmem:$0x9F40] =	vst v1  }
0x3e: {  	[tilespmem:$0x9F50] =	vst v1  }
0x3f: {  	[tilespmem:$0x9F60] =	vst v1  }
0x40: {  	[tilespmem:$0x9F70] =	vst v1  }
0x41: {  	[tilespmem:$0x9F80] =	vst v1  }
0x42: {  	[tilespmem:$0x9F90] =	vst v1  }
0x43: {  	[tilespmem:$0x9FA0] =	vst v1  }
0x44: {  	[tilespmem:$0x9FB0] =	vst v1  }
0x45: {  	[tilespmem:$0x9FC0] =	vst v1  }
0x46: {  	[tilespmem:$0x9FD0] =	vst v1  }
0x47: {  	[tilespmem:$0x9FE0] =	vst v1  }
0x48: {  	[tilespmem:$0x9FF0] =	vst v1  }
0x49: {  	[tilespmem:$0xA000] =	vst v0  }
0x4a: {  	[tilespmem:$0xA010] =	vst v2  }
0x4b: {  	[tilespmem:$0xA020] =	vst v3  }
0x4c: {  	[tilespmem:$0xA030] =	vst v4  }
0x4d: {  	[tilespmem:$0xA040] =	vst v5  }
0x4e: {  	[tilespmem:$0xA050] =	vst v6  }
0x4f: {  	[tilespmem:$0xA060] =	vst v7  }
0x50: {  	[tilespmem:$0xA070] =	vst v8  }
0x51: {  	[tilespmem:$0xA080] =	vst v9  }
0x52: {  	[tilespmem:$0xA090] =	vst v10  }
0x53: {  	[tilespmem:$0xA0A0] =	vst v11  }
0x54: {  	[tilespmem:$0xA0B0] =	vst v12  }
0x55: {  	[tilespmem:$0xA0C0] =	vst v13  }
0x56: {  	[tilespmem:$0xA0D0] =	vst v14  }
0x57: {  	[tilespmem:$0xA0E0] =	vst v15  }
0x58: {  	[tilespmem:$0xA0F0] =	vst v16  }
0x59: {  	[tilespmem:$0xA100] =	vst v17  }
0x5a: {  	[tilespmem:$0xA110] =	vst v18  }
0x5b: {  	[tilespmem:$0xA120] =	vst v19  }
0x5c: {  	[tilespmem:$0xA130] =	vst v20  }
0x5d: {  	[tilespmem:$0xA140] =	vst v21  }
0x5e: {  	[tilespmem:$0xA150] =	vst v22  }
0x5f: {  	[tilespmem:$0xA160] =	vst v23  }
0x60: {  	[tilespmem:$0xA170] =	vst v24  }
0x61: {  	[tilespmem:$0xA180] =	vst v25  }
0x62: {  	[tilespmem:$0xA190] =	vst v26  }
0x63: {  	[tilespmem:$0xA1A0] =	vst v27  }
0x64: {  	[tilespmem:$0xA1B0] =	vst v28  }
0x65: {  	[tilespmem:$0xA1C0] =	vst v29  }
0x66: {  	[tilespmem:$0xA1D0] =	vst v30  }
0x67: {  	[tilespmem:$0xA1E0] =	vst v31  }
0x68: {  	[tilespmem:$0xA1F0] =	vst v32  }
0x69: {  	[tilespmem:$0xA200] =	vst v33  }
0x6a: {  	[tilespmem:$0xA210] =	vst v34  }
0x6b: {  	[tilespmem:$0xA220] =	vst v35  }
0x6c: {  	[tilespmem:$0xA230] =	vst v36  }
0x6d: {  	[tilespmem:$0xA240] =	vst v37  }
0x6e: {  	[tilespmem:$0xA250] =	vst v38  }
0x6f: {  	[tilespmem:$0xA260] =	vst v39  }
0x70: {  	[tilespmem:$0xA270] =	vst v40;
	s2 =	simm.s32 $0x9D80  }
0x71: {  	[spmem:s6] =	stream.linear.scatter [tilespmem:s2], [sflag:$0x3], $0x280, $0x38;
	[tilespmem:$0x18200] =	vst v63  }
0x72: {  	_ =	swait.ge [sflag:s26], $0x280  }
0x73: {  	[sflag:s26] =	ssyncset.done $0x0  }
0x74: {  	s7 =	simm.s32 $0x0;
	s2 =	simm.s32 $0x40;
	[sflag:s26] =	ssyncadd.s32 $0xFFFFFD80  }
.LBB2_2:
0x75: {  	p4 =	sne.s32 s2, $0x9FC0;
	[tilespmem:s7+$0xA280] =	vst v1;
	s7 =	smov.u32 s2;
	s2 =	sadd.s32 $0x40, s2  }
.Ltmp0:
0x76: {  	(pc) =	sbr.rel @p4 .LBB2_2-.Ltmp0, $2  }
0x77: {  	_ =	sdelay $0x2  }
0x78: {  	s7 =	sshra.s32 s7, $0x2  }
0x79: {  	[tilespmem:s7+$0xA280] =	vst v1;
	s2 =	rddreg [dreg:$0x6]  }
0x7a: {  	[tilespmem:s5], [sflag:$0x3] =	stream.linear.gather [hbm4b:s2+s5], $0x4E00, $0x38;
	[tilespmem:$0x18200] =	vst v63  }
0x7b: {  	_ =	swait.ge [sflag:s26], $0x4E00  }
0x7c: {  	[sflag:s26] =	ssyncset.done $0x0  }
0x7d: {  	[sflag:s26] =	ssyncadd.s32 $0xFFFFB200  }
0x7e: {  	[tilespmem:s28], [sflag:$0x3] =	stream.linear.gather [hbm4b:s8+s5], $0x2700, $0x38;
	[tilespmem:$0x18200] =	vst v63  }
0x7f: {  	_ =	swait.ge [sflag:s26], $0x2700  }
0x80: {  	[sflag:s26] =	ssyncset.done $0x0  }
0x81: {  	s20 =	simm.s32 $0x7600;
	s18 =	rddreg [dreg:$0x7];
	[sflag:s26] =	ssyncadd.s32 $0xFFFFD900  }
0x82: {  	[tilespmem:s20], [sflag:$0x3] =	stream.linear.gather [hbm4b:s18+s5], $0x2700, $0x38;
	[tilespmem:$0x18200] =	vst v63  }
0x83: {  	_ =	swait.ge [sflag:s26], $0x2700  }
0x84: {  	s7 =	simm.s32 @!p2 $0x4E00;
	[sflag:s26] =	ssyncset.done $0x0  }
0x85: {  	s2 =	simm.s32 @!p2 $0x0;
	s9 =	rddreg [dreg:$0x8];
	[sflag:s26] =	ssyncadd.s32 $0xFFFFD900  }
0x86: {  	[tilespmem:s7], [sflag:$0x3] =	stream.linear.gather @!p2 [hbm4b:s9+s2], $0x80, $0x38;
	[tilespmem:$0x18200] =	vst v63  }
.Ltmp1:
0x87: {  	_ = 	snop;
	(pc) =	sbr.rel @p0 .LBB2_5-.Ltmp1, $4  }
0x88: {  	s2 =	simm.s32 @!p2 $0x3  }
0x89: {  	_ =	swait.ge @!p2 [sflag:s2], $0x80  }
0x8a: {  	[sflag:s2] =	ssyncset.done @!p2 $0x0  }
0x8b: {  	[sflag:s2] =	ssyncadd.s32 @!p2 $0xFFFFFF80  }
0x8c: {  	s2 =	rddreg [dreg:$0xa];
	s7 =	simm.s32 $0x7580  }
0x8d: {  	[tilespmem:s7], [sflag:$0x3] =	stream.linear.gather [hbm4b:s2+s5], $0x80, $0x38;
	[tilespmem:$0x18200] =	vst v63  }
0x8e: {  	_ =	swait.ge [sflag:s26], $0x80  }
0x8f: {  	s20 =	simm.s32 $0x9D00;
	[sflag:s26] =	ssyncset.done $0x0  }
.Ltmp2:
0x90: {  	s18 =	rddreg [dreg:$0xb];
	[sflag:s26] =	ssyncadd.s32 $0xFFFFFF80;
	(pc) =	sbr.rel .LBB2_6-.Ltmp2, $4  }
0x91: {  	[tilespmem:s20], [sflag:$0x3] =	stream.linear.gather [hbm4b:s18+s5], $0x80, $0x38;
	[tilespmem:$0x18200] =	vst v63  }
0x92: {  	_ =	swait.ge [sflag:s26], $0x80  }
0x93: {  	[sflag:s26] =	ssyncset.done $0x0  }
0x94: {  	[sflag:s26] =	ssyncadd.s32 $0xFFFFFF80  }
.LBB2_5:
.Ltmp3:
0x95: {  	(pc) =	sbr.rel @!p3 .LBB2_6-.Ltmp3, $1  }
0x96: {  	_ =	sdelay $0x3  }
.Ltmp4:
0x97: {  	s2 =	rddreg [dreg:$0x9];
	s7 =	simm.s32 $0xCA80;
	(pc) =	sbr.rel .LBB2_8-.Ltmp4, $4  }
0x98: {  	[tilespmem:s7], [sflag:$0x3] =	stream.linear.gather [hbm4b:s2+s5], $0x1900, $0x38;
	[tilespmem:$0x18200] =	vst v63  }
0x99: {  	_ =	swait.ge [sflag:s26], $0x1900  }
0x9a: {  	[sflag:s26] =	ssyncset.done $0x0  }
0x9b: {  	[sflag:s26] =	ssyncadd.s32 $0xFFFFE700  }
.LBB2_6:
0x9c: {  	s2 =	rddreg [dreg:$0xc];
	s7 =	simm.s32 $0xCA80  }
0x9d: {  	[tilespmem:s7], [sflag:$0x3] =	stream.linear.gather [hbm4b:s2+s5], $0x2800, $0x38;
	[tilespmem:$0x18200] =	vst v63  }
0x9e: {  	_ =	swait.ge [sflag:s26], $0x2800  }
0x9f: {  	[sflag:s26] =	ssyncset.done $0x0  }
0xa0: {  	[sflag:s26] =	ssyncadd.s32 $0xFFFFD800  }
.LBB2_8:
0xa1: {  	[bflag:$0x0] =	sbarrier.arrive $0xFFFF;
	s2 =	simm.s32 $0x40;
	s7 =	smov.u32 s15  }
.LBB2_9:
0xa2: {  	v42 =	vld [tilespmem:s2+$0xFFFFFFC0];
	_ =	sdelay $0x7  }
0xa3: {  	[tilespmem:v42+s0+$0x0] =	vst.idx.add.f32.msk $0xffff, v41  }
0xa4: {  	v42 =	vld [tilespmem:s2+$0xFFFFFFD0];
	_ =	sdelay $0x7  }
0xa5: {  	[tilespmem:v42+s0+$0x0] =	vst.idx.add.f32.msk $0xffff, v41  }
0xa6: {  	v42 =	vld [tilespmem:s2+$0xFFFFFFE0];
	_ =	sdelay $0x7  }
0xa7: {  	[tilespmem:v42+s0+$0x0] =	vst.idx.add.f32.msk $0xffff, v41  }
0xa8: {  	v42 =	vld [tilespmem:s2+$0xFFFFFFF0];
	_ =	sdelay $0x7  }
0xa9: {  	[tilespmem:v42+s0+$0x0] =	vst.idx.add.f32.msk $0xffff, v41  }
0xaa: {  	v42 =	vld [tilespmem:s2+$0x0];
	_ =	sdelay $0x7  }
0xab: {  	[tilespmem:v42+s0+$0x0] =	vst.idx.add.f32.msk $0xffff, v41  }
0xac: {  	v42 =	vld [tilespmem:s2+$0x10];
	_ =	sdelay $0x7  }
0xad: {  	[tilespmem:v42+s0+$0x0] =	vst.idx.add.f32.msk $0xffff, v41  }
0xae: {  	v42 =	vld [tilespmem:s2+$0x20];
	_ =	sdelay $0x7  }
0xaf: {  	[tilespmem:v42+s0+$0x0] =	vst.idx.add.f32.msk $0xffff, v41  }
0xb0: {  	v42 =	vld [tilespmem:s2+$0x30];
	_ =	sdelay $0x2  }
0xb1: {  	p4 =	sne.s32 s7, $0x1  }
.Ltmp5:
0xb2: {  	_ = 	snop;
	(pc) =	sbr.rel @p4 .LBB2_9-.Ltmp5, $2  }
0xb3: {  	_ =	sdelay $0x2  }
0xb4: {  	s7 =	sadd.s32 $0xFFFFFFFF, s7;
	s2 =	sadd.s32 $0x80, s2;
	[tilespmem:v42+s0+$0x0] =	vst.idx.add.f32.msk $0xffff, v41  }
0xb5: {  	s2 =	simm.s32 $0xA000  }
0xb6: {  	[spmem:s1] =	stream.indirect.scatter.add.f32 [tilespmem:s0], [sflag:$0x3], $0x10, s2, s23, $0xb8;
	[tilespmem:$0x18200] =	vst v63  }
0xb7: {  	_ =	swait.ge [sflag:s26], $0x800  }
0xb8: {  	[sflag:s26] =	ssyncset.done $0x0  }
0xb9: {  	s20 =	simm.s32 $0xA080;
	s7 =	simm.s32 $0xAA80;
	[sflag:s26] =	ssyncadd.s32 $0xFFFFF800  }
0xba: {  	[spmem:s1] =	stream.indirect.scatter.add.f32 [tilespmem:s7], [sflag:$0x3], $0x10, s20, s23, $0xb8;
	[tilespmem:$0x18200] =	vst v63  }
0xbb: {  	_ =	swait.ge [sflag:s26], $0x800  }
0xbc: {  	[sflag:s26] =	ssyncset.done $0x0  }
0xbd: {  	s9 =	simm.s32 $0xA100;
	s10 =	simm.s32 $0xB280;
	[sflag:s26] =	ssyncadd.s32 $0xFFFFF800  }
0xbe: {  	[spmem:s1] =	stream.indirect.scatter.add.f32 [tilespmem:s10], [sflag:$0x3], $0x10, s9, s23, $0xb8;
	[tilespmem:$0x18200] =	vst v63  }
0xbf: {  	_ =	swait.ge [sflag:s26], $0x800  }
0xc0: {  	[sflag:s26] =	ssyncset.done $0x0  }
0xc1: {  	s12 =	simm.s32 $0xA180;
	s14 =	simm.s32 $0xBA80;
	[sflag:s26] =	ssyncadd.s32 $0xFFFFF800  }
0xc2: {  	[spmem:s1] =	stream.indirect.scatter.add.f32 [tilespmem:s14], [sflag:$0x3], $0x10, s12, s23, $0xb8;
	[tilespmem:$0x18200] =	vst v63  }
0xc3: {  	_ =	swait.ge [sflag:s26], $0x800  }
0xc4: {  	[sflag:s26] =	ssyncset.done $0x0  }
0xc5: {  	s16 =	simm.s32 $0xA200;
	s18 =	simm.s32 $0xC280;
	[sflag:s26] =	ssyncadd.s32 $0xFFFFF800  }
0xc6: {  	[spmem:s1] =	stream.indirect.scatter.add.f32 [tilespmem:s18], [sflag:$0x3], $0x10, s16, s23, $0xb8;
	[tilespmem:$0x18200] =	vst v63  }
0xc7: {  	_ =	swait.ge [sflag:s26], $0x800  }
0xc8: {  	[sflag:s26] =	ssyncset.done $0x0  }
0xc9: {  	[sflag:s26] =	ssyncadd.s32 $0xFFFFF800  }
0xca: {  	s20 =	simm.s32 $0x11A80;
	[bflag:$0x0] =	sbarrier.arrive $0xFFFF  }
0xcb: {  	[tilespmem:s20], [sflag:$0x3] =	stream.linear.gather [spmem:s6], $0x280, $0x38;
	[tilespmem:$0x18200] =	vst v63  }
0xcc: {  	_ =	swait.ge [sflag:s26], $0x280  }
0xcd: {  	[sflag:s26] =	ssyncset.done $0x0  }
0xce: {  	s12 =	simm.s32 $0x0;
	[sflag:s26] =	ssyncadd.s32 $0xFFFFFD80  }
0xcf: {  	v42 =	vld [tilespmem:s12+$0x11A80];
	_ =	sdelay $0x3  }
0xd0: {  	s2 =	simm.s32 $0x10  }
0xd1: {  	v43 =	vld [tilespmem:s2+$0x11A80];
	v42 =	vadd.f32 $1.000000000e+00, v42;
	_ =	sdelay $0x1  }
0xd2: {  	v44 =	vshrl.u32 v42, $0x1;
	v45 =	vmul.f32 $5.000000000e-01, v42  }
0xd3: {  	v57 =	vsub.s32 $0x5F3759DF, v44  }
0xd4: {  	v44 =	vmul.f32 v57, v45  }
0xd5: {  	v43 =	vadd.f32 $1.000000000e+00, v43  }
0xd6: {  	s14 =	simm.s32 $0x20;
	v44 =	vmul.f32 v57, v44  }
0xd7: {  	v46 =	vld [tilespmem:s14+$0x11A80];
	v47 =	vshrl.u32 v43, $0x1;
	v49 =	vmul.f32 $5.000000000e-01, v43  }
0xd8: {  	v59 =	vsub.s32 $0x5F3759DF, v47;
	v58 =	vsub.f32 $1.500000000e+00, v44  }
0xd9: {  	v47 =	vmul.f32 v59, v49  }
0xda: {  	v43 =	vmul.f32 v57, v58  }
0xdb: {  	s7 =	simm.s32 $0x30;
	v47 =	vmul.f32 v59, v47  }
0xdc: {  	v61 =	vld [tilespmem:s7+$0x11A80];
	v60 =	vadd.f32 $1.000000000e+00, v46;
	v48 =	vmul.f32 v43, v45  }
0xdd: {  	v47 =	vsub.f32 $1.500000000e+00, v47  }
0xde: {  	v50 =	vshrl.u32 v60, $0x1;
	v42 =	vmul.f32 $5.000000000e-01, v60;
	v48 =	vmul.f32 v48, v43  }
0xdf: {  	v50 =	vsub.s32 $0x5F3759DF, v50;
	v44 =	vmul.f32 v59, v47  }
0xe0: {  	s9 =	simm.s32 $0x40;
	v51 =	vmul.f32 v50, v42;
	v62 =	vsub.f32 $1.500000000e+00, v48  }
0xe1: {  	v63 =	vld [tilespmem:s9+$0x11A80];
	v46 =	vadd.f32 $1.000000000e+00, v61;
	v52 =	vmul.f32 v44, v49  }
0xe2: {  	v51 =	vmul.f32 v50, v51;
	v47 =	vmul.f32 v62, v43  }
0xe3: {  	v53 =	vshrl.u32 v46, $0x1;
	v58 =	vmul.f32 v52, v44;
	v43 =	vmul.f32 $5.000000000e-01, v46  }
0xe4: {  	v54 =	vsub.s32 $0x5F3759DF, v53;
	v57 =	vsub.f32 $1.500000000e+00, v51;
	v45 =	vmul.f32 v47, v45  }
0xe5: {  	v60 =	vsub.f32 $1.500000000e+00, v58;
	v59 =	vmul.f32 v54, v43  }
0xe6: {  	v48 =	vadd.f32 $1.000000000e+00, v63;
	v46 =	vmul.f32 v50, v57;
	v45 =	vmul.f32 v45, v47  }
0xe7: {  	s10 =	simm.s32 $0x50;
	v44 =	vmul.f32 v60, v44;
	v61 =	vmul.f32 v54, v59  }
0xe8: {  	v52 =	vld [tilespmem:s10+$0x11A80];
	v63 =	vshrl.u32 v48, $0x1;
	v62 =	vmul.f32 v46, v42;
	v55 =	vsub.f32 $1.500000000e+00, v45  }
0xe9: {  	v50 =	vmul.f32 v44, v49;
	v45 =	vmul.f32 $5.000000000e-01, v48;
	v56 =	vsub.f32 $1.500000000e+00, v61  }
0xea: {  	v51 =	vmul.f32 v62, v46;
	v48 =	vsub.s32 $0x5F3759DF, v63;
	v47 =	vmul.f32 v55, v47  }
0xeb: {  	s18 =	simm.s32 $0x180;
	s16 =	simm.s32 $0x0;
	v53 =	vmul.f32 v48, v45;
	v49 =	vmul.f32 v54, v56  }
.LBB2_11:
0xec: {  	s20 =	sshra.s32 s18, $0x2  }
0xed: {  	v54 =	vadd.f32 $1.000000000e+00, v52;
	v51 =	vsub.f32 $1.500000000e+00, v51;
	v50 =	vmul.f32 v50, v44;
	[tilespmem:s16+$0x11D00] =	vst v47;
	s16 =	smov.u32 s2;
	s2 =	smov.u32 s14;
	p4 =	sne.s32 s18, $0x9C0  }
.Ltmp6:
0xee: {  	s14 =	smov.u32 s7;
	s7 =	smov.u32 s9;
	v52 =	vld [tilespmem:s20+$0x11A80];
	v47 =	vmul.f32 v48, v53;
	v53 =	vmul.f32 v49, v43;
	(pc) =	sbr.rel @p4 .LBB2_11-.Ltmp6, $4  }
0xef: {  	s18 =	sadd.s32 $0x40, s18;
	s9 =	smov.u32 s10;
	v55 =	vshrl.u32 v54, $0x1;
	v56 =	vmul.f32 v51, v46;
	v57 =	vsub.f32 $1.500000000e+00, v50;
	v46 =	vmovc v49  }
0xf0: {  	s10 =	smov.u32 s20;
	v54 =	vmul.f32 $5.000000000e-01, v54;
	v49 =	vsub.f32 $1.500000000e+00, v47;
	v51 =	vmul.f32 v53, v46  }
0xf1: {  	v55 =	vsub.s32 $0x5F3759DF, v55;
	v50 =	vmul.f32 v56, v42;
	v47 =	vmul.f32 v57, v44;
	v44 =	vmovc v56;
	v42 =	vmovc v43  }
0xf2: {  	v53 =	vmul.f32 v55, v54;
	v43 =	vmovc v45;
	v45 =	vmovc v54;
	v49 =	vmul.f32 v48, v49;
	v48 =	vmov v55  }
0xf3: {  	v52 =	vadd.f32 $1.000000000e+00, v52;
	_ =	sdelay $0x1  }
0xf4: {  	v54 =	vshrl.u32 v52, $0x1;
	v52 =	vmul.f32 $5.000000000e-01, v52  }
0xf5: {  	v54 =	vsub.s32 $0x5F3759DF, v54  }
0xf6: {  	v55 =	vmul.f32 v54, v52  }
0xf7: {  	v53 =	vmul.f32 v48, v53  }
0xf8: {  	v55 =	vmul.f32 v54, v55  }
0xf9: {  	v53 =	vsub.f32 $1.500000000e+00, v53  }
0xfa: {  	v55 =	vsub.f32 $1.500000000e+00, v55  }
0xfb: {  	v48 =	vmul.f32 v48, v53  }
0xfc: {  	v59 =	vmul.f32 v49, v43;
	v54 =	vmul.f32 v54, v55  }
0xfd: {  	v60 =	vmul.f32 v48, v45  }
0xfe: {  	v53 =	vmul.f32 v59, v49;
	v56 =	vmul.f32 v54, v52  }
0xff: {  	v51 =	vsub.f32 $1.500000000e+00, v51;
	v55 =	vmul.f32 v60, v48  }
0x100: {  	v53 =	vsub.f32 $1.500000000e+00, v53;
	v56 =	vmul.f32 v56, v54  }
0x101: {  	v46 =	vmul.f32 v51, v46;
	v61 =	vsub.f32 $1.500000000e+00, v55  }
0x102: {  	v50 =	vmul.f32 v50, v44;
	v62 =	vmul.f32 v53, v49;
	v63 =	vsub.f32 $1.500000000e+00, v56  }
0x103: {  	v42 =	vmul.f32 v46, v42;
	v48 =	vmul.f32 v61, v48  }
0x104: {  	v56 =	vmul.f32 v62, v43;
	v57 =	vmul.f32 v63, v54  }
0x105: {  	v42 =	vmul.f32 v42, v46;
	v58 =	vmul.f32 v48, v45  }
0x106: {  	v50 =	vsub.f32 $1.500000000e+00, v50;
	v43 =	vmul.f32 v56, v62;
	v52 =	vmul.f32 v57, v52  }
0x107: {  	v42 =	vsub.f32 $1.500000000e+00, v42;
	v45 =	vmul.f32 v58, v48  }
0x108: {  	v59 =	vmul.f32 v50, v44;
	v43 =	vsub.f32 $1.500000000e+00, v43;
	v60 =	vmul.f32 v52, v57  }
0x109: {  	[tilespmem:s16+$0x11D00] =	vst v47;
	v42 =	vmul.f32 v42, v46;
	v45 =	vsub.f32 $1.500000000e+00, v45  }
0x10a: {  	[tilespmem:s2+$0x11D00] =	vst v59;
	v43 =	vmul.f32 v43, v62;
	v61 =	vsub.f32 $1.500000000e+00, v60  }
0x10b: {  	[tilespmem:s14+$0x11D00] =	vst v42;
	v62 =	vmul.f32 v45, v48  }
0x10c: {  	[tilespmem:s7+$0x11D00] =	vst v43;
	v63 =	vmul.f32 v61, v57  }
0x10d: {  	[tilespmem:s9+$0x11D00] =	vst v62  }
0x10e: {  	[tilespmem:s10+$0x11D00] =	vst v63  }
0x10f: {  	s2 =	simm.s32 $0x11D00;
	v43 =	vld [tilespmem:s12+$0xCA80]  }
0x110: {  	s7 =	simm.s32 $0x400;
	v42 =	vld [tilespmem:s2+$0x0]  }
.LBB2_13:
0x111: {  	p4 =	sne.s32 s7, $0x9C00;
	v44 =	vld [tilespmem:s12+$0xCA90]  }
0x112: {  	v45 =	vld [tilespmem:s12+$0xCAA0]  }
0x113: {  	v46 =	vld [tilespmem:s12+$0xCAB0]  }
0x114: {  	v47 =	vld [tilespmem:s12+$0xCAC0]  }
0x115: {  	v48 =	vbroadcast v42, $0x0;
	v49 =	vbroadcast v42, $0x1;
	v50 =	vld [tilespmem:s12+$0xCAD0]  }
0x116: {  	v51 =	vbroadcast v42, $0x2;
	v52 =	vbroadcast v42, $0x3;
	v53 =	vld [tilespmem:s12+$0xCAE0]  }
0x117: {  	v43 =	vmul.f32 v48, v43;
	v44 =	vmul.f32 v44, v49;
	v48 =	vld [tilespmem:s12+$0xCAF0]  }
0x118: {  	v45 =	vmul.f32 v45, v51;
	v46 =	vmul.f32 v46, v52;
	v49 =	vld [tilespmem:s12+$0xCB00]  }
0x119: {  	v51 =	vbroadcast v42, $0x5;
	[tilespmem:s12+$0xF280] =	vst v43;
	v43 =	vbroadcast v42, $0x4;
	v52 =	vld [tilespmem:s12+$0xCB10]  }
0x11a: {  	v54 =	vbroadcast v42, $0x7;
	[tilespmem:s12+$0xF290] =	vst v44;
	v44 =	vbroadcast v42, $0x6;
	v55 =	vld [tilespmem:s12+$0xCB20]  }
0x11b: {  	[tilespmem:s12+$0xF2A0] =	vst v45;
	v43 =	vmul.f32 v47, v43;
	v45 =	vmul.f32 v50, v51;
	v47 =	vld [tilespmem:s12+$0xCB30]  }
0x11c: {  	[tilespmem:s12+$0xF2B0] =	vst v46;
	v44 =	vmul.f32 v53, v44;
	v46 =	vmul.f32 v48, v54;
	v48 =	vld [tilespmem:s12+$0xCB40]  }
0x11d: {  	v50 =	vbroadcast v42, $0x9;
	[tilespmem:s12+$0xF2C0] =	vst v43;
	v43 =	vbroadcast v42, $0x8;
	v51 =	vld [tilespmem:s12+$0xCB50]  }
0x11e: {  	v53 =	vbroadcast v42, $0xB;
	[tilespmem:s12+$0xF2D0] =	vst v45;
	v45 =	vbroadcast v42, $0xA;
	v54 =	vld [tilespmem:s12+$0xCB60]  }
0x11f: {  	[tilespmem:s12+$0xF2E0] =	vst v44;
	v43 =	vmul.f32 v49, v43;
	v44 =	vmul.f32 v52, v50;
	v49 =	vld [tilespmem:s12+$0xCB70]  }
0x120: {  	[tilespmem:s12+$0xF2F0] =	vst v46;
	v45 =	vmul.f32 v55, v45;
	v46 =	vmul.f32 v47, v53  }
0x121: {  	v47 =	vbroadcast v42, $0xD;
	[tilespmem:s12+$0xF300] =	vst v43;
	v43 =	vbroadcast v42, $0xC  }
0x122: {  	[tilespmem:s12+$0xF310] =	vst v44;
	v44 =	vbroadcast v42, $0xE;
	v42 =	vbroadcast v42, $0xF  }
0x123: {  	[tilespmem:s12+$0xF320] =	vst v45;
	v43 =	vmul.f32 v48, v43;
	v45 =	vmul.f32 v51, v47  }
0x124: {  	[tilespmem:s12+$0xF330] =	vst v46;
	v44 =	vmul.f32 v54, v44;
	v42 =	vmul.f32 v49, v42  }
.Ltmp7:
0x125: {  	[tilespmem:s12+$0xF340] =	vst v43;
	(pc) =	sbr.rel @p4 .LBB2_13-.Ltmp7, $4  }
0x126: {  	[tilespmem:s12+$0xF350] =	vst v45  }
0x127: {  	s9 =	sshra.s32 s7, $0x2;
	[tilespmem:s12+$0xF360] =	vst v44  }
0x128: {  	s2 =	sadd.s32 $0x10, s2;
	v43 =	vld [tilespmem:s9+$0xCA80];
	[tilespmem:s12+$0xF370] =	vst v42;
	s12 =	smov.u32 s9  }
0x129: {  	s7 =	sadd.s32 $0x400, s7;
	v42 =	vld [tilespmem:s2+$0x0]  }
0x12a: {  	_ =	sdelay $0x1  }
0x12b: {  	v44 =	vld [tilespmem:s12+$0xCA90]  }
0x12c: {  	v45 =	vld [tilespmem:s12+$0xCAA0]  }
0x12d: {  	v46 =	vld [tilespmem:s12+$0xCAB0];
	v48 =	vbroadcast v42, $0x0  }
0x12e: {  	v47 =	vld [tilespmem:s12+$0xCAC0];
	v51 =	vbroadcast v42, $0x1  }
0x12f: {  	v49 =	vld [tilespmem:s12+$0xCAD0];
	v53 =	vbroadcast v42, $0x2;
	v43 =	vmul.f32 v48, v43  }
0x130: {  	v50 =	vld [tilespmem:s12+$0xCAE0];
	v56 =	vbroadcast v42, $0x3;
	v44 =	vmul.f32 v44, v51  }
0x131: {  	v63 =	vld [tilespmem:s12+$0xCAF0];
	v57 =	vbroadcast v42, $0x4;
	v45 =	vmul.f32 v45, v53;
	[tilespmem:s12+$0xF280] =	vst v43  }
0x132: {  	v52 =	vld [tilespmem:s12+$0xCB00];
	v58 =	vbroadcast v42, $0x5;
	v46 =	vmul.f32 v46, v56;
	[tilespmem:s12+$0xF290] =	vst v44  }
0x133: {  	v59 =	vbroadcast v42, $0x6;
	v47 =	vmul.f32 v47, v57;
	v43 =	vld [tilespmem:s12+$0xCB10];
	[tilespmem:s12+$0xF2A0] =	vst v45  }
0x134: {  	v60 =	vbroadcast v42, $0x7;
	v49 =	vmul.f32 v49, v58;
	v44 =	vld [tilespmem:s12+$0xCB20];
	[tilespmem:s12+$0xF2B0] =	vst v46  }
0x135: {  	v61 =	vbroadcast v42, $0x8;
	v50 =	vmul.f32 v50, v59;
	v45 =	vld [tilespmem:s12+$0xCB30];
	[tilespmem:s12+$0xF2C0] =	vst v47  }
0x136: {  	v62 =	vbroadcast v42, $0x9;
	v48 =	vmul.f32 v63, v60;
	v46 =	vld [tilespmem:s12+$0xCB40];
	[tilespmem:s12+$0xF2D0] =	vst v49  }
0x137: {  	v63 =	vbroadcast v42, $0xA;
	v47 =	vld [tilespmem:s12+$0xCB50];
	[tilespmem:s12+$0xF2E0] =	vst v50;
	v49 =	vmul.f32 v52, v61  }
0x138: {  	v54 =	vbroadcast v42, $0xB;
	v51 =	vld [tilespmem:s12+$0xCB60];
	[tilespmem:s12+$0xF2F0] =	vst v48;
	v43 =	vmul.f32 v43, v62  }
0x139: {  	v57 =	vld [tilespmem:s12+$0xCB70];
	v58 =	vbroadcast v42, $0xC;
	[tilespmem:s12+$0xF300] =	vst v49;
	v44 =	vmul.f32 v44, v63  }
0x13a: {  	v59 =	vbroadcast v42, $0xD;
	v45 =	vmul.f32 v45, v54;
	[tilespmem:s12+$0xF310] =	vst v43  }
0x13b: {  	v60 =	vbroadcast v42, $0xE;
	v61 =	vmul.f32 v46, v58;
	[tilespmem:s12+$0xF320] =	vst v44  }
0x13c: {  	v62 =	vbroadcast v42, $0xF;
	v63 =	vmul.f32 v47, v59;
	[tilespmem:s12+$0xF330] =	vst v45  }
0x13d: {  	v43 =	vmul.f32 v51, v60;
	[tilespmem:s12+$0xF340] =	vst v61  }
0x13e: {  	v42 =	vmul.f32 v57, v62;
	[tilespmem:s12+$0xF350] =	vst v63  }
0x13f: {  	[tilespmem:s12+$0xF360] =	vst v43  }
0x140: {  	s2 =	rddreg [dreg:$0xd];
	[tilespmem:s12+$0xF370] =	vst v42  }
0x141: {  	[spmem:s2] =	stream.linear.scatter [tilespmem:s13], [sflag:$0x3], $0x2800, $0x38;
	[tilespmem:$0x18200] =	vst v63  }
0x142: {  	_ =	swait.ge [sflag:s26], $0x2800  }
0x143: {  	[sflag:s26] =	ssyncset.done $0x0  }
0x144: {  	[sflag:s26] =	ssyncadd.s32 $0xFFFFD800  }
0x145: {  	[spmem:s17] =	stream.linear.scatter [tilespmem:s13], [sflag:$0x3], $0x2800, $0x38;
	[tilespmem:$0x18200] =	vst v63  }
0x146: {  	_ =	swait.ge [sflag:s26], $0x2800  }
0x147: {  	[sflag:s26] =	ssyncset.done $0x0;
	s16 =	rddreg [dreg:$0xe]  }
0x148: {  	s7 =	rddreg [dreg:$0xf];
	[sflag:s26] =	ssyncadd.s32 $0xFFFFD800  }
0x149: {  	[hbm4b:s16+s5] =	stream.linear.scatter [tilespmem:s7], [sflag:$0x3], $0x1400, $0x38;
	[tilespmem:$0x18200] =	vst v63  }
0x14a: {  	_ =	swait.ge [sflag:s26], $0x1400  }
0x14b: {  	[sflag:s26] =	ssyncset.done $0x0  }
0x14c: {  	[sflag:s26] =	ssyncadd.s32 $0xFFFFEC00  }
0x14d: {  	[bflag:$0x0] =	sbarrier.arrive $0xFFFF  }
0x14e: {  	[tilespmem:s25], [sflag:$0x1] =	stream.indirect.gather [spmem:s3], $0x10, s28, s23, $0xb8;
	[tilespmem:$0x18200] =	vst v63  }
0x14f: {  	s18 =	simm.s32 $0x4F00  }
0x150: {  	[tilespmem:s29], [sflag:$0x2] =	stream.indirect.gather [spmem:s3], $0x10, s18, s23, $0xb8;
	[tilespmem:$0x18200] =	vst v63  }
0x151: {  	_ =	swait.ge [sflag:s31], $0x800  }
0x152: {  	[sflag:s31] =	ssyncset.done $0x0  }
0x153: {  	s2 =	simm.s32 $0x7600;
	[sflag:s31] =	ssyncadd.s32 $0xFFFFF800  }
0x154: {  	[spmem:s4] =	stream.indirect.scatter.add.f32 [tilespmem:s25], [sflag:$0x3], $0x10, s2, s23, $0xb8;
	[tilespmem:$0x18200] =	vst v63  }
0x155: {  	p4 =	sle.u32 s19, $0x2;
	_ =	swait.ge [sflag:s26], $0x800  }
0x156: {  	s9 =	simm.s32 @!p4 $0x80;
	[sflag:s26] =	ssyncset.done $0x0  }
0x157: {  	s10 =	simm.s32 @!p4 $0x11F80;
	s7 =	simm.s32 @!p4 $0x4F80;
	[sflag:s26] =	ssyncadd.s32 $0xFFFFF800  }
0x158: {  	[tilespmem:s10], [sflag:$0x1] =	stream.indirect.gather @!p4 [spmem:s3], $0x10, s7, s9, $0xb8;
	[tilespmem:$0x18200] =	vst v63  }
0x159: {  	_ =	swait.ge [sflag:s11], $0x800  }
0x15a: {  	[sflag:s11] =	ssyncset.done $0x0  }
0x15b: {  	s20 =	simm.s32 $0x7680;
	[sflag:s11] =	ssyncadd.s32 $0xFFFFF800  }
0x15c: {  	[spmem:s4] =	stream.indirect.scatter.add.f32 [tilespmem:s29], [sflag:$0x3], $0x10, s20, s23, $0xb8;
	[tilespmem:$0x18200] =	vst v63  }
0x15d: {  	s7 =	simm.s32 $0x4;
	s9 =	simm.s32 $0x5000;
	_ =	swait.ge [sflag:s26], $0x800  }
.LBB2_15:
0x15e: {  	[sflag:s26] =	ssyncset.done $0x0  }
0x15f: {  	s2 =	sadd.s32 $0x100, s2;
	s10 =	smov.u32 s7;
	s7 =	sadd.s32 $0x2, s7  }
0x160: {  	p4 =	sne.s32 s7, $0x50;
	[sflag:s26] =	ssyncadd.s32 $0xFFFFF800  }
0x161: {  	[tilespmem:s29], [sflag:$0x2] =	stream.indirect.gather [spmem:s3], $0x10, s9, s23, $0xb8;
	[tilespmem:$0x18200] =	vst v63  }
0x162: {  	_ =	swait.ge [sflag:s31], $0x800  }
0x163: {  	[sflag:s31] =	ssyncset.done $0x0  }
0x164: {  	[sflag:s31] =	ssyncadd.s32 $0xFFFFF800  }
0x165: {  	[spmem:s4] =	stream.indirect.scatter.add.f32 [tilespmem:s25], [sflag:$0x3], $0x10, s2, s23, $0xb8;
	[tilespmem:$0x18200] =	vst v63  }
0x166: {  	p5 =	sge.u32 s10, s19;
	_ =	swait.ge [sflag:s26], $0x800  }
0x167: {  	s10 =	sadd.s32 @!p5 $0x80, s9;
	s12 =	simm.s32 @!p5 $0x80;
	[sflag:s26] =	ssyncset.done $0x0  }
0x168: {  	s14 =	simm.s32 @!p5 $0x11F80;
	[sflag:s26] =	ssyncadd.s32 $0xFFFFF800  }
0x169: {  	[tilespmem:s14], [sflag:$0x1] =	stream.indirect.gather @!p5 [spmem:s3], $0x10, s10, s12, $0xb8;
	[tilespmem:$0x18200] =	vst v63  }
.Ltmp8:
0x16a: {  	_ =	swait.ge [sflag:s11], $0x800;
	(pc) =	sbr.rel @p4 .LBB2_15-.Ltmp8, $4  }
0x16b: {  	s10 =	sadd.s32 $0x80, s2;
	[sflag:s11] =	ssyncset.done $0x0  }
0x16c: {  	[sflag:s11] =	ssyncadd.s32 $0xFFFFF800  }
0x16d: {  	[spmem:s4] =	stream.indirect.scatter.add.f32 [tilespmem:s29], [sflag:$0x3], $0x10, s10, s23, $0xb8;
	[tilespmem:$0x18200] =	vst v63  }
0x16e: {  	s9 =	sadd.s32 $0x100, s9;
	_ =	swait.ge [sflag:s26], $0x800  }
0x16f: {  	[sflag:s26] =	ssyncset.done $0x0  }
0x170: {  	s2 =	simm.s32 @!p1 $0x1;
	[sflag:s26] =	ssyncadd.s32 $0xFFFFF800  }
0x171: {  	_ =	swait.ge @!p1 [sflag:s2], $0x800  }
0x172: {  	[sflag:s2] =	ssyncset.done @!p1 $0x0  }
0x173: {  	s7 =	simm.s32 @!p1 $0x11F80;
	[sflag:s2] =	ssyncadd.s32 @!p1 $0xFFFFF800;
	s2 =	simm.s32 @!p1 $0x80  }
0x174: {  	[spmem:s4] =	stream.indirect.scatter.add.f32 @!p1 [tilespmem:s7], [sflag:$0x3], $0x10, s22, s2, $0xb8;
	[tilespmem:$0x18200] =	vst v63  }
0x175: {  	s2 =	simm.s32 @!p1 $0x3  }
0x176: {  	s18 =	stileid.u32;
	_ =	swait.ge @!p1 [sflag:s2], $0x800  }
0x177: {  	s20 =	sshrl.u32 s17, $0x3;
	s30 =	sadd.s32 $0x1, s30;
	[sflag:s2] =	ssyncset.done @!p1 $0x0  }
0x178: {  	p4 =	sne.s32 s30, s24;
	[sflag:s2] =	ssyncadd.s32 @!p1 $0xFFFFF800;
	s2 =	sshll.u32 s18, $0x6  }
.Ltmp9:
0x179: {  	[bflag:$0x0] =	sbarrier.arrive $0xFFFF;
	s2 =	sor.u32 $0x1C03, s2;
	(pc) =	sbr.rel @p4 .LBB2_1-.Ltmp9, $4  }
0x17a: {  	[hbm:s21], [sflag:s2] =	dma.local [spmem:s20], $0x500  }
0x17b: {  	_ =	swait.ge [sflag:s26], $0x500  }
0x17c: {  	[sflag:s26] =	ssyncset.done $0x0  }
0x17d: {  	[sflag:s26] =	ssyncadd.s32 $0xFFFFFB00  }
0x17e: {  	_ =	sfence.sel $0x180000  }
0x17f: {  	[bflag:$0x0] =	sbarrier.arrive $0xFFFF  }
0x180: {  	_ =	strace $0x90000047  }
0x181: {  	s0 =	stileid.u32;
	[bflag:$0x2] =	sbarrier.arrive $0xFFFF  }
0x182: {  	p0 =	sne.s32 s0, $0x0;
	s0 =	rddreg [dreg:$0x5]  }
0x183: {  	s0 =	sadd.s32 @!p0 $0x100000, s0  }
0x184: {  	[sflag:s0] =	ssyncadd.tile.s32 @!p0 $0x1;
	_ =	shalt  }
.Lfunc_end2:
_tile_overlayer_lowered:
.L_overlay_start_2:
0x185: {  	(tag) =	ssettag $0x2  }
0x186: {  	s0 =	rddreg [dreg:$0x0];
	s2 =	stileid.u32  }
0x187: {  	s1 =	rddreg [dreg:$0x1];
	p0 =	sne.s32 s2, $0x0  }
0x188: {  	s3 =	rddreg [dreg:$0x2];
	[bflag:$0x3] =	sbarrier.arrive $0xFFFF;
	s2 =	simm.s32 @!p0 $0x1C03  }
0x189: {  	[timem:s3], [sflag:s2] =	dma.local @!p0 [hbm:s0], s1  }
0x18a: {  	s0 =	simm.s32 @!p0 $0x3  }
0x18b: {  	_ =	swait.ge @!p0 [sflag:s0], s1  }
0x18c: {  	s1 =	ssub.s32 @!p0 $0x0, s1;
	[sflag:s0] =	ssyncset.done @!p0 $0x0  }
0x18d: {  	[sflag:s0] =	ssyncadd.s32 @!p0 s1  }
0x18e: {  	[bflag:$0x3] =	sbarrier.arrive $0xFFFF  }
0x18f: {  	_ =	shalt  }

</sc_bundles>
